<compile_context>
chip_gen: v7x
topology: tpu7x:2x2x1
jax: 0.10.2.dev20260603
libtpu: 0.0.44.dev20260713+nightly
codegen_flags: <defaults>
</compile_context>

<pallas_src>
import math

import jax
import jax.numpy as jnp
from jax import lax
from jax.experimental import pallas as pl
from jax.experimental.pallas import tpu as pltpu
from jax.experimental.pallas import tpu_sc as plsc

D_MODEL = 64
LANES = 16
SCALE = math.sqrt(D_MODEL)

NC, NS = 2, 16
NW = NC * NS
C = 128
NBUF = 8
HALF = NBUF // 2


def _gather_scale(x_flat, W):
    n = x_flat.shape[0]
    rows_w = n // NW
    nchunk = rows_w // C
    nrounds = (nchunk - 2 * HALF) // NBUF
    mesh = plsc.VectorSubcoreMesh(core_axis_name="c", subcore_axis_name="s")

    @pl.kernel(
        out_type=jax.ShapeDtypeStruct((n, D_MODEL), jnp.float32),
        mesh=mesh,
        scratch_types=[
            pltpu.VMEM((rows_w,), jnp.int32),
            *[pltpu.VMEM((C, D_MODEL), jnp.float32) for _ in range(NBUF)],
            pltpu.SemaphoreType.DMA((NBUF,)),
            pltpu.SemaphoreType.DMA((NBUF,)),
            pltpu.SemaphoreType.DMA,
        ],
        compiler_params=pltpu.CompilerParams(use_tc_tiling_on_sc=False),
    )
    def kern(w_hbm, i_hbm, o_hbm, idx_v, *rest):
        bufs = rest[:NBUF]
        gsem, osem, isem = rest[NBUF:]
        wid = lax.axis_index("s") * NC + lax.axis_index("c")
        base = wid * rows_w
        pltpu.async_copy(i_hbm.at[pl.ds(base, rows_w)], idx_v, isem).wait()

        def gdesc(c, b):
            return pltpu.make_async_copy(
                w_hbm.at[idx_v.at[pl.ds(c * C, C)]], bufs[b], gsem.at[b]
            )

        def odesc(c, b):
            return pltpu.make_async_copy(
                bufs[b], o_hbm.at[pl.ds(base + c * C, C)], osem.at[b]
            )

        def scale_buf(b):
            buf = bufs[b]

            @pl.loop(0, C)
            def _(r):
                for col in range(0, D_MODEL, LANES):
                    buf[r, pl.ds(col, LANES)] = (
                        buf[r, pl.ds(col, LANES)] * SCALE
                    )

        for c in range(HALF):
            gdesc(c, c).start()

        for c in range(HALF):
            gdesc(c, c).wait()
            scale_buf(c)
            odesc(c, c).start()
            gdesc(c + HALF, c + HALF).start()

        @pl.loop(0, nrounds)
        def _(r):
            for b in range(NBUF):
                c = HALF + r * NBUF + b
                bb = (HALF + b) % NBUF
                gdesc(c, bb).wait()
                scale_buf(bb)
                odesc(c, bb).start()
                pf = (bb + HALF) % NBUF
                odesc(c - HALF, pf).wait()
                gdesc(c + HALF, pf).start()

        for j in range(HALF):
            c = nchunk - HALF + j
            bb = c % NBUF
            gdesc(c, bb).wait()
            scale_buf(bb)
            odesc(c, bb).start()

        for j in range(NBUF):
            c = nchunk - NBUF + j
            odesc(c, c % NBUF).wait()

    return kern(W, x_flat)


@jax.jit
def kernel(x, W):
    batch, hist = x.shape
    out = _gather_scale(x.reshape(batch * hist), W)
    return out.reshape(batch, hist, D_MODEL)

# --- scband reference (transcript-rebuilt; emitter-appended) ---
"""Pipeline reference for scband-embeddings-74620761801132 (READ-ONLY COPY).

The authoritative reference and input builder live on the scoring server;
editing this copy changes nothing except your own understanding.
"""

import jax, jax.numpy as jnp
import numpy as np
import math

VOCAB = 1000000
D_MODEL = 64
BATCH = 4096
HIST = 200

def setup_inputs(seed: int = 0) -> dict:
    key = jax.random.key(seed)
    k1, k2 = jax.random.split(key)
    x = jax.random.randint(k1, (BATCH, HIST), 0, VOCAB, dtype=jnp.int64) if jax.config.jax_enable_x64 else jax.random.randint(k1, (BATCH, HIST), 0, VOCAB, dtype=jnp.int32)
    W = jax.random.normal(k2, (VOCAB, D_MODEL), dtype=jnp.float32) * 0.02
    return {"x": x, "W": W}

def reference(x, W):
    # Embeddings.forward: self.lut(x) * sqrt(d_model)
    emb = jnp.take(W, x, axis=0)
    return emb * math.sqrt(D_MODEL)

if __name__ == "__main__":
    import jax
    _d = setup_inputs()
    print(jax.jit(kernel)(*tuple(_d.values())))

</pallas_src>

<mosaic_0001>
#map = affine_map<(d0, d1) -> (0, 0)>
#map1 = affine_map<(d0, d1) -> (0)>
module attributes {stable_mosaic.version = 14 : i64} {
  func.func @kern(%arg0: i32, %arg1: i32, %arg2: memref<1000000x64xf32, #tpu.memory_space<hbm>>, %arg3: memref<819200xi32, #tpu.memory_space<hbm>>, %arg4: memref<819200x64xf32, #tpu.memory_space<hbm>>, %arg5: memref<25600xi32, #tpu.memory_space<vmem>>, %arg6: memref<128x64xf32, #tpu.memory_space<vmem>>, %arg7: memref<128x64xf32, #tpu.memory_space<vmem>>, %arg8: memref<128x64xf32, #tpu.memory_space<vmem>>, %arg9: memref<128x64xf32, #tpu.memory_space<vmem>>, %arg10: memref<128x64xf32, #tpu.memory_space<vmem>>, %arg11: memref<128x64xf32, #tpu.memory_space<vmem>>, %arg12: memref<128x64xf32, #tpu.memory_space<vmem>>, %arg13: memref<128x64xf32, #tpu.memory_space<vmem>>, %arg14: memref<8x!tpu.dma_semaphore, #tpu.memory_space<semaphore_mem>>, %arg15: memref<8x!tpu.dma_semaphore, #tpu.memory_space<semaphore_mem>>, %arg16: memref<!tpu.dma_semaphore, #tpu.memory_space<semaphore_mem>>) attributes {dimension_semantics = [#tpu.dimension_semantics<core_parallel>, #tpu.dimension_semantics<subcore_parallel>], iteration_bounds = array<i64: 2, 16>, scalar_prefetch = 0 : i64, scratch_operands = 12 : i64, tpu.core_type = #tpu.core_type<sc_vector_subcore>, window_params = [{transform_indices = #map}, {transform_indices = #map1}, {transform_indices = #map}]} {
    %mul3A = arith.constant 2 : i32
    %mul3A_0 = arith.muli %arg1, %mul3A : i32
    %add3A = arith.addi %mul3A_0, %arg0 : i32
    %mul3A_1 = arith.constant 25600 : i32
    %mul3A_2 = arith.muli %add3A, %mul3A_1 : i32
    %dma_start3A = tpu.memref_slice %arg3[%mul3A_2] : memref<819200xi32, #tpu.memory_space<hbm>> -> memref<25600xi32, #tpu.memory_space<hbm>>
    %dma_start3A_3 = tpu.memref_slice %arg3[%mul3A_2] : memref<819200xi32, #tpu.memory_space<hbm>> -> memref<25600xi32, #tpu.memory_space<hbm>>
    tpu.enqueue_dma source(%dma_start3A_3 : memref<25600xi32, #tpu.memory_space<hbm>>) target(%arg5 : memref<25600xi32, #tpu.memory_space<vmem>>) target_semaphore(%arg16 : memref<!tpu.dma_semaphore, #tpu.memory_space<semaphore_mem>>)
    %dma_wait3A = tpu.memref_slice %arg3[%mul3A_2] : memref<819200xi32, #tpu.memory_space<hbm>> -> memref<25600xi32, #tpu.memory_space<hbm>>
    %dma_wait3A_4 = tpu.memref_slice %arg3[%mul3A_2] : memref<819200xi32, #tpu.memory_space<hbm>> -> memref<25600xi32, #tpu.memory_space<hbm>>
    tpu.wait_dma2 semaphore(%arg16 : memref<!tpu.dma_semaphore, #tpu.memory_space<semaphore_mem>>) src(%dma_wait3A_4 : memref<25600xi32, #tpu.memory_space<hbm>>) dst(%arg5 : memref<25600xi32, #tpu.memory_space<vmem>>)
    %dma_start3A_5 = arith.constant 0 : i32
    %dma_start3A_6 = arith.constant 0 : i32
    %dma_start3A_7 = tpu.memref_slice %arg5[%dma_start3A_6] : memref<25600xi32, #tpu.memory_space<vmem>> -> memref<128xi32, #tpu.memory_space<vmem>>
    %dma_start3A_8 = arith.constant 0 : i32
    %dma_start3A_9 = arith.constant 0 : i32
    %dma_start3A_10 = tpu.memref_slice %arg2[%dma_start3A_8, %dma_start3A_9] : memref<1000000x64xf32, #tpu.memory_space<hbm>> -> memref<1000000x64xf32, #tpu.memory_space<hbm>>
    %dma_start3A_11 = tpu.memref_slice %arg14[%dma_start3A_5] : memref<8x!tpu.dma_semaphore, #tpu.memory_space<semaphore_mem>> -> memref<1x!tpu.dma_semaphore, #tpu.memory_space<semaphore_mem>>
    %dma_start3A_12 = tpu.memref_squeeze %dma_start3A_11 : memref<1x!tpu.dma_semaphore, #tpu.memory_space<semaphore_mem>> -> memref<!tpu.dma_semaphore, #tpu.memory_space<semaphore_mem>>
    tpu.enqueue_indirect_dma source(%dma_start3A_10 : memref<1000000x64xf32, #tpu.memory_space<hbm>>) target(%arg6 : memref<128x64xf32, #tpu.memory_space<vmem>>) offsets(%dma_start3A_7 : memref<128xi32, #tpu.memory_space<vmem>>) semaphore(%dma_start3A_12 : memref<!tpu.dma_semaphore, #tpu.memory_space<semaphore_mem>>)
    %dma_start3A_13 = arith.constant 1 : i32
    %dma_start3A_14 = arith.constant 128 : i32
    %dma_start3A_15 = tpu.memref_slice %arg5[%dma_start3A_14] : memref<25600xi32, #tpu.memory_space<vmem>> -> memref<128xi32, #tpu.memory_space<vmem>>
    %dma_start3A_16 = arith.constant 0 : i32
    %dma_start3A_17 = arith.constant 0 : i32
    %dma_start3A_18 = tpu.memref_slice %arg2[%dma_start3A_16, %dma_start3A_17] : memref<1000000x64xf32, #tpu.memory_space<hbm>> -> memref<1000000x64xf32, #tpu.memory_space<hbm>>
    %dma_start3A_19 = tpu.memref_slice %arg14[%dma_start3A_13] : memref<8x!tpu.dma_semaphore, #tpu.memory_space<semaphore_mem>> -> memref<1x!tpu.dma_semaphore, #tpu.memory_space<semaphore_mem>>
    %dma_start3A_20 = tpu.memref_squeeze %dma_start3A_19 : memref<1x!tpu.dma_semaphore, #tpu.memory_space<semaphore_mem>> -> memref<!tpu.dma_semaphore, #tpu.memory_space<semaphore_mem>>
    tpu.enqueue_indirect_dma source(%dma_start3A_18 : memref<1000000x64xf32, #tpu.memory_space<hbm>>) target(%arg7 : memref<128x64xf32, #tpu.memory_space<vmem>>) offsets(%dma_start3A_15 : memref<128xi32, #tpu.memory_space<vmem>>) semaphore(%dma_start3A_20 : memref<!tpu.dma_semaphore, #tpu.memory_space<semaphore_mem>>)
    %dma_start3A_21 = arith.constant 2 : i32
    %dma_start3A_22 = arith.constant 256 : i32
    %dma_start3A_23 = tpu.memref_slice %arg5[%dma_start3A_22] : memref<25600xi32, #tpu.memory_space<vmem>> -> memref<128xi32, #tpu.memory_space<vmem>>
    %dma_start3A_24 = arith.constant 0 : i32
    %dma_start3A_25 = arith.constant 0 : i32
    %dma_start3A_26 = tpu.memref_slice %arg2[%dma_start3A_24, %dma_start3A_25] : memref<1000000x64xf32, #tpu.memory_space<hbm>> -> memref<1000000x64xf32, #tpu.memory_space<hbm>>
    %dma_start3A_27 = tpu.memref_slice %arg14[%dma_start3A_21] : memref<8x!tpu.dma_semaphore, #tpu.memory_space<semaphore_mem>> -> memref<1x!tpu.dma_semaphore, #tpu.memory_space<semaphore_mem>>
    %dma_start3A_28 = tpu.memref_squeeze %dma_start3A_27 : memref<1x!tpu.dma_semaphore, #tpu.memory_space<semaphore_mem>> -> memref<!tpu.dma_semaphore, #tpu.memory_space<semaphore_mem>>
    tpu.enqueue_indirect_dma source(%dma_start3A_26 : memref<1000000x64xf32, #tpu.memory_space<hbm>>) target(%arg8 : memref<128x64xf32, #tpu.memory_space<vmem>>) offsets(%dma_start3A_23 : memref<128xi32, #tpu.memory_space<vmem>>) semaphore(%dma_start3A_28 : memref<!tpu.dma_semaphore, #tpu.memory_space<semaphore_mem>>)
    %dma_start3A_29 = arith.constant 3 : i32
    %dma_start3A_30 = arith.constant 384 : i32
    %dma_start3A_31 = tpu.memref_slice %arg5[%dma_start3A_30] : memref<25600xi32, #tpu.memory_space<vmem>> -> memref<128xi32, #tpu.memory_space<vmem>>
    %dma_start3A_32 = arith.constant 0 : i32
    %dma_start3A_33 = arith.constant 0 : i32
    %dma_start3A_34 = tpu.memref_slice %arg2[%dma_start3A_32, %dma_start3A_33] : memref<1000000x64xf32, #tpu.memory_space<hbm>> -> memref<1000000x64xf32, #tpu.memory_space<hbm>>
    %dma_start3A_35 = tpu.memref_slice %arg14[%dma_start3A_29] : memref<8x!tpu.dma_semaphore, #tpu.memory_space<semaphore_mem>> -> memref<1x!tpu.dma_semaphore, #tpu.memory_space<semaphore_mem>>
    %dma_start3A_36 = tpu.memref_squeeze %dma_start3A_35 : memref<1x!tpu.dma_semaphore, #tpu.memory_space<semaphore_mem>> -> memref<!tpu.dma_semaphore, #tpu.memory_space<semaphore_mem>>
    tpu.enqueue_indirect_dma source(%dma_start3A_34 : memref<1000000x64xf32, #tpu.memory_space<hbm>>) target(%arg9 : memref<128x64xf32, #tpu.memory_space<vmem>>) offsets(%dma_start3A_31 : memref<128xi32, #tpu.memory_space<vmem>>) semaphore(%dma_start3A_36 : memref<!tpu.dma_semaphore, #tpu.memory_space<semaphore_mem>>)
    %dma_wait3A_37 = arith.constant 0 : i32
    %dma_wait3A_38 = arith.constant 0 : i32
    %dma_wait3A_39 = tpu.memref_slice %arg5[%dma_wait3A_38] : memref<25600xi32, #tpu.memory_space<vmem>> -> memref<128xi32, #tpu.memory_space<vmem>>
    %dma_wait3A_40 = arith.constant 0 : i32
    %dma_wait3A_41 = arith.constant 0 : i32
    %dma_wait3A_42 = tpu.memref_slice %arg2[%dma_wait3A_40, %dma_wait3A_41] : memref<1000000x64xf32, #tpu.memory_space<hbm>> -> memref<1000000x64xf32, #tpu.memory_space<hbm>>
    %dma_wait3A_43 = tpu.memref_slice %arg14[%dma_wait3A_37] : memref<8x!tpu.dma_semaphore, #tpu.memory_space<semaphore_mem>> -> memref<1x!tpu.dma_semaphore, #tpu.memory_space<semaphore_mem>>
    %dma_wait3A_44 = tpu.memref_squeeze %dma_wait3A_43 : memref<1x!tpu.dma_semaphore, #tpu.memory_space<semaphore_mem>> -> memref<!tpu.dma_semaphore, #tpu.memory_space<semaphore_mem>>
    tpu.wait_indirect_dma semaphore(%dma_wait3A_44 : memref<!tpu.dma_semaphore, #tpu.memory_space<semaphore_mem>>) src(%dma_wait3A_42 : memref<1000000x64xf32, #tpu.memory_space<hbm>>) dst(%arg6 : memref<128x64xf32, #tpu.memory_space<vmem>>)
    %scan3A = arith.constant 0 : i32
    %scan3A_45 = arith.constant 128 : i32
    %scan3A_46 = arith.addi %scan3A, %scan3A_45 : i32
    %scan3A_47 = arith.constant 1 : i32
    scf.for %scan3A_321 = %scan3A to %scan3A_46 step %scan3A_47  : i32 {
      %mul3A_322 = arith.constant 1 : i32
      %mul3A_323 = arith.muli %scan3A_321, %mul3A_322 : i32
      %add3A_324 = arith.constant 0 : i32
      %add3A_325 = arith.addi %add3A_324, %mul3A_323 : i32
      %get3A = arith.index_cast %add3A_325 : i32 to index
      %get3A_326 = arith.constant 0 : index
      %get3A_327 = tpu.vector_load %arg6[%get3A, %get3A_326] {strides = array<i32>} : memref<128x64xf32, #tpu.memory_space<vmem>>, vector<1x16xf32>,
      %get3A_328 = vector.shape_cast %get3A_327 : vector<1x16xf32> to vector<16xf32>
      %mul3A_329 = arith.constant 8.000000e+00 : f32
      %mul3A_330 = vector.broadcast %mul3A_329 : f32 to vector<16xf32>
      %mul3A_331 = arith.mulf %get3A_328, %mul3A_330 : vector<16xf32>
      %swap3A = arith.index_cast %add3A_325 : i32 to index
      %swap3A_332 = arith.constant 0 : index
      %swap3A_333 = tpu.vector_load %arg6[%swap3A, %swap3A_332] {strides = array<i32>} : memref<128x64xf32, #tpu.memory_space<vmem>>, vector<1x16xf32>,
      %swap3A_334 = vector.shape_cast %swap3A_333 : vector<1x16xf32> to vector<16xf32>
      %swap3A_335 = vector.shape_cast %mul3A_331 : vector<16xf32> to vector<1x16xf32>
      tpu.vector_store %arg6[%swap3A, %swap3A_332], %swap3A_335 {strides = array<i32>} : memref<128x64xf32, #tpu.memory_space<vmem>>, vector<1x16xf32>,
      %get3A_336 = arith.index_cast %add3A_325 : i32 to index
      %get3A_337 = arith.constant 16 : index
      %get3A_338 = tpu.vector_load %arg6[%get3A_336, %get3A_337] {strides = array<i32>} : memref<128x64xf32, #tpu.memory_space<vmem>>, vector<1x16xf32>,
      %get3A_339 = vector.shape_cast %get3A_338 : vector<1x16xf32> to vector<16xf32>
      %mul3A_340 = arith.constant 8.000000e+00 : f32
      %mul3A_341 = vector.broadcast %mul3A_340 : f32 to vector<16xf32>
      %mul3A_342 = arith.mulf %get3A_339, %mul3A_341 : vector<16xf32>
      %swap3A_343 = arith.index_cast %add3A_325 : i32 to index
      %swap3A_344 = arith.constant 16 : index
      %swap3A_345 = tpu.vector_load %arg6[%swap3A_343, %swap3A_344] {strides = array<i32>} : memref<128x64xf32, #tpu.memory_space<vmem>>, vector<1x16xf32>,
      %swap3A_346 = vector.shape_cast %swap3A_345 : vector<1x16xf32> to vector<16xf32>
      %swap3A_347 = vector.shape_cast %mul3A_342 : vector<16xf32> to vector<1x16xf32>
      tpu.vector_store %arg6[%swap3A_343, %swap3A_344], %swap3A_347 {strides = array<i32>} : memref<128x64xf32, #tpu.memory_space<vmem>>, vector<1x16xf32>,
      %get3A_348 = arith.index_cast %add3A_325 : i32 to index
      %get3A_349 = arith.constant 32 : index
      %get3A_350 = tpu.vector_load %arg6[%get3A_348, %get3A_349] {strides = array<i32>} : memref<128x64xf32, #tpu.memory_space<vmem>>, vector<1x16xf32>,
      %get3A_351 = vector.shape_cast %get3A_350 : vector<1x16xf32> to vector<16xf32>
      %mul3A_352 = arith.constant 8.000000e+00 : f32
      %mul3A_353 = vector.broadcast %mul3A_352 : f32 to vector<16xf32>
      %mul3A_354 = arith.mulf %get3A_351, %mul3A_353 : vector<16xf32>
      %swap3A_355 = arith.index_cast %add3A_325 : i32 to index
      %swap3A_356 = arith.constant 32 : index
      %swap3A_357 = tpu.vector_load %arg6[%swap3A_355, %swap3A_356] {strides = array<i32>} : memref<128x64xf32, #tpu.memory_space<vmem>>, vector<1x16xf32>,
      %swap3A_358 = vector.shape_cast %swap3A_357 : vector<1x16xf32> to vector<16xf32>
      %swap3A_359 = vector.shape_cast %mul3A_354 : vector<16xf32> to vector<1x16xf32>
      tpu.vector_store %arg6[%swap3A_355, %swap3A_356], %swap3A_359 {strides = array<i32>} : memref<128x64xf32, #tpu.memory_space<vmem>>, vector<1x16xf32>,
      %get3A_360 = arith.index_cast %add3A_325 : i32 to index
      %get3A_361 = arith.constant 48 : index
      %get3A_362 = tpu.vector_load %arg6[%get3A_360, %get3A_361] {strides = array<i32>} : memref<128x64xf32, #tpu.memory_space<vmem>>, vector<1x16xf32>,
      %get3A_363 = vector.shape_cast %get3A_362 : vector<1x16xf32> to vector<16xf32>
      %mul3A_364 = arith.constant 8.000000e+00 : f32
      %mul3A_365 = vector.broadcast %mul3A_364 : f32 to vector<16xf32>
      %mul3A_366 = arith.mulf %get3A_363, %mul3A_365 : vector<16xf32>
      %swap3A_367 = arith.index_cast %add3A_325 : i32 to index
      %swap3A_368 = arith.constant 48 : index
      %swap3A_369 = tpu.vector_load %arg6[%swap3A_367, %swap3A_368] {strides = array<i32>} : memref<128x64xf32, #tpu.memory_space<vmem>>, vector<1x16xf32>,
      %swap3A_370 = vector.shape_cast %swap3A_369 : vector<1x16xf32> to vector<16xf32>
      %swap3A_371 = vector.shape_cast %mul3A_366 : vector<16xf32> to vector<1x16xf32>
      tpu.vector_store %arg6[%swap3A_367, %swap3A_368], %swap3A_371 {strides = array<i32>} : memref<128x64xf32, #tpu.memory_space<vmem>>, vector<1x16xf32>,
    }
    %scan3A_48 = arith.constant 128 : i32
    %add3A_49 = arith.constant 0 : i32
    %add3A_50 = arith.addi %mul3A_2, %add3A_49 : i32
    %dma_start3A_51 = arith.constant 0 : i32
    %dma_start3A_52 = arith.constant 0 : i32
    %dma_start3A_53 = tpu.memref_slice %arg4[%add3A_50, %dma_start3A_52] : memref<819200x64xf32, #tpu.memory_space<hbm>> -> memref<128x64xf32, #tpu.memory_space<hbm>>
    %dma_start3A_54 = tpu.memref_slice %arg15[%dma_start3A_51] : memref<8x!tpu.dma_semaphore, #tpu.memory_space<semaphore_mem>> -> memref<1x!tpu.dma_semaphore, #tpu.memory_space<semaphore_mem>>
    %dma_start3A_55 = tpu.memref_squeeze %dma_start3A_54 : memref<1x!tpu.dma_semaphore, #tpu.memory_space<semaphore_mem>> -> memref<!tpu.dma_semaphore, #tpu.memory_space<semaphore_mem>>
    %dma_start3A_56 = arith.constant 0 : i32
    %dma_start3A_57 = tpu.memref_slice %arg4[%add3A_50, %dma_start3A_56] : memref<819200x64xf32, #tpu.memory_space<hbm>> -> memref<128x64xf32, #tpu.memory_space<hbm>>
    tpu.enqueue_dma source(%arg6 : memref<128x64xf32, #tpu.memory_space<vmem>>) target(%dma_start3A_57 : memref<128x64xf32, #tpu.memory_space<hbm>>) target_semaphore(%dma_start3A_55 : memref<!tpu.dma_semaphore, #tpu.memory_space<semaphore_mem>>)
    %dma_start3A_58 = arith.constant 4 : i32
    %dma_start3A_59 = arith.constant 512 : i32
    %dma_start3A_60 = tpu.memref_slice %arg5[%dma_start3A_59] : memref<25600xi32, #tpu.memory_space<vmem>> -> memref<128xi32, #tpu.memory_space<vmem>>
    %dma_start3A_61 = arith.constant 0 : i32
    %dma_start3A_62 = arith.constant 0 : i32
    %dma_start3A_63 = tpu.memref_slice %arg2[%dma_start3A_61, %dma_start3A_62] : memref<1000000x64xf32, #tpu.memory_space<hbm>> -> memref<1000000x64xf32, #tpu.memory_space<hbm>>
    %dma_start3A_64 = tpu.memref_slice %arg14[%dma_start3A_58] : memref<8x!tpu.dma_semaphore, #tpu.memory_space<semaphore_mem>> -> memref<1x!tpu.dma_semaphore, #tpu.memory_space<semaphore_mem>>
    %dma_start3A_65 = tpu.memref_squeeze %dma_start3A_64 : memref<1x!tpu.dma_semaphore, #tpu.memory_space<semaphore_mem>> -> memref<!tpu.dma_semaphore, #tpu.memory_space<semaphore_mem>>
    tpu.enqueue_indirect_dma source(%dma_start3A_63 : memref<1000000x64xf32, #tpu.memory_space<hbm>>) target(%arg10 : memref<128x64xf32, #tpu.memory_space<vmem>>) offsets(%dma_start3A_60 : memref<128xi32, #tpu.memory_space<vmem>>) semaphore(%dma_start3A_65 : memref<!tpu.dma_semaphore, #tpu.memory_space<semaphore_mem>>)
    %dma_wait3A_66 = arith.constant 1 : i32
    %dma_wait3A_67 = arith.constant 128 : i32
    %dma_wait3A_68 = tpu.memref_slice %arg5[%dma_wait3A_67] : memref<25600xi32, #tpu.memory_space<vmem>> -> memref<128xi32, #tpu.memory_space<vmem>>
    %dma_wait3A_69 = arith.constant 0 : i32
    %dma_wait3A_70 = arith.constant 0 : i32
    %dma_wait3A_71 = tpu.memref_slice %arg2[%dma_wait3A_69, %dma_wait3A_70] : memref<1000000x64xf32, #tpu.memory_space<hbm>> -> memref<1000000x64xf32, #tpu.memory_space<hbm>>
    %dma_wait3A_72 = tpu.memref_slice %arg14[%dma_wait3A_66] : memref<8x!tpu.dma_semaphore, #tpu.memory_space<semaphore_mem>> -> memref<1x!tpu.dma_semaphore, #tpu.memory_space<semaphore_mem>>
    %dma_wait3A_73 = tpu.memref_squeeze %dma_wait3A_72 : memref<1x!tpu.dma_semaphore, #tpu.memory_space<semaphore_mem>> -> memref<!tpu.dma_semaphore, #tpu.memory_space<semaphore_mem>>
    tpu.wait_indirect_dma semaphore(%dma_wait3A_73 : memref<!tpu.dma_semaphore, #tpu.memory_space<semaphore_mem>>) src(%dma_wait3A_71 : memref<1000000x64xf32, #tpu.memory_space<hbm>>) dst(%arg7 : memref<128x64xf32, #tpu.memory_space<vmem>>)
    %scan3A_74 = arith.constant 0 : i32
    %scan3A_75 = arith.constant 128 : i32
    %scan3A_76 = arith.addi %scan3A_74, %scan3A_75 : i32
    %scan3A_77 = arith.constant 1 : i32
    scf.for %scan3A_321 = %scan3A_74 to %scan3A_76 step %scan3A_77  : i32 {
      %mul3A_322 = arith.constant 1 : i32
      %mul3A_323 = arith.muli %scan3A_321, %mul3A_322 : i32
      %add3A_324 = arith.constant 0 : i32
      %add3A_325 = arith.addi %add3A_324, %mul3A_323 : i32
      %get3A = arith.index_cast %add3A_325 : i32 to index
      %get3A_326 = arith.constant 0 : index
      %get3A_327 = tpu.vector_load %arg7[%get3A, %get3A_326] {strides = array<i32>} : memref<128x64xf32, #tpu.memory_space<vmem>>, vector<1x16xf32>,
      %get3A_328 = vector.shape_cast %get3A_327 : vector<1x16xf32> to vector<16xf32>
      %mul3A_329 = arith.constant 8.000000e+00 : f32
      %mul3A_330 = vector.broadcast %mul3A_329 : f32 to vector<16xf32>
      %mul3A_331 = arith.mulf %get3A_328, %mul3A_330 : vector<16xf32>
      %swap3A = arith.index_cast %add3A_325 : i32 to index
      %swap3A_332 = arith.constant 0 : index
      %swap3A_333 = tpu.vector_load %arg7[%swap3A, %swap3A_332] {strides = array<i32>} : memref<128x64xf32, #tpu.memory_space<vmem>>, vector<1x16xf32>,
      %swap3A_334 = vector.shape_cast %swap3A_333 : vector<1x16xf32> to vector<16xf32>
      %swap3A_335 = vector.shape_cast %mul3A_331 : vector<16xf32> to vector<1x16xf32>
      tpu.vector_store %arg7[%swap3A, %swap3A_332], %swap3A_335 {strides = array<i32>} : memref<128x64xf32, #tpu.memory_space<vmem>>, vector<1x16xf32>,
      %get3A_336 = arith.index_cast %add3A_325 : i32 to index
      %get3A_337 = arith.constant 16 : index
      %get3A_338 = tpu.vector_load %arg7[%get3A_336, %get3A_337] {strides = array<i32>} : memref<128x64xf32, #tpu.memory_space<vmem>>, vector<1x16xf32>,
      %get3A_339 = vector.shape_cast %get3A_338 : vector<1x16xf32> to vector<16xf32>
      %mul3A_340 = arith.constant 8.000000e+00 : f32
      %mul3A_341 = vector.broadcast %mul3A_340 : f32 to vector<16xf32>
      %mul3A_342 = arith.mulf %get3A_339, %mul3A_341 : vector<16xf32>
      %swap3A_343 = arith.index_cast %add3A_325 : i32 to index
      %swap3A_344 = arith.constant 16 : index
      %swap3A_345 = tpu.vector_load %arg7[%swap3A_343, %swap3A_344] {strides = array<i32>} : memref<128x64xf32, #tpu.memory_space<vmem>>, vector<1x16xf32>,
      %swap3A_346 = vector.shape_cast %swap3A_345 : vector<1x16xf32> to vector<16xf32>
      %swap3A_347 = vector.shape_cast %mul3A_342 : vector<16xf32> to vector<1x16xf32>
      tpu.vector_store %arg7[%swap3A_343, %swap3A_344], %swap3A_347 {strides = array<i32>} : memref<128x64xf32, #tpu.memory_space<vmem>>, vector<1x16xf32>,
      %get3A_348 = arith.index_cast %add3A_325 : i32 to index
      %get3A_349 = arith.constant 32 : index
      %get3A_350 = tpu.vector_load %arg7[%get3A_348, %get3A_349] {strides = array<i32>} : memref<128x64xf32, #tpu.memory_space<vmem>>, vector<1x16xf32>,
      %get3A_351 = vector.shape_cast %get3A_350 : vector<1x16xf32> to vector<16xf32>
      %mul3A_352 = arith.constant 8.000000e+00 : f32
      %mul3A_353 = vector.broadcast %mul3A_352 : f32 to vector<16xf32>
      %mul3A_354 = arith.mulf %get3A_351, %mul3A_353 : vector<16xf32>
      %swap3A_355 = arith.index_cast %add3A_325 : i32 to index
      %swap3A_356 = arith.constant 32 : index
      %swap3A_357 = tpu.vector_load %arg7[%swap3A_355, %swap3A_356] {strides = array<i32>} : memref<128x64xf32, #tpu.memory_space<vmem>>, vector<1x16xf32>,
      %swap3A_358 = vector.shape_cast %swap3A_357 : vector<1x16xf32> to vector<16xf32>
      %swap3A_359 = vector.shape_cast %mul3A_354 : vector<16xf32> to vector<1x16xf32>
      tpu.vector_store %arg7[%swap3A_355, %swap3A_356], %swap3A_359 {strides = array<i32>} : memref<128x64xf32, #tpu.memory_space<vmem>>, vector<1x16xf32>,
      %get3A_360 = arith.index_cast %add3A_325 : i32 to index
      %get3A_361 = arith.constant 48 : index
      %get3A_362 = tpu.vector_load %arg7[%get3A_360, %get3A_361] {strides = array<i32>} : memref<128x64xf32, #tpu.memory_space<vmem>>, vector<1x16xf32>,
      %get3A_363 = vector.shape_cast %get3A_362 : vector<1x16xf32> to vector<16xf32>
      %mul3A_364 = arith.constant 8.000000e+00 : f32
      %mul3A_365 = vector.broadcast %mul3A_364 : f32 to vector<16xf32>
      %mul3A_366 = arith.mulf %get3A_363, %mul3A_365 : vector<16xf32>
      %swap3A_367 = arith.index_cast %add3A_325 : i32 to index
      %swap3A_368 = arith.constant 48 : index
      %swap3A_369 = tpu.vector_load %arg7[%swap3A_367, %swap3A_368] {strides = array<i32>} : memref<128x64xf32, #tpu.memory_space<vmem>>, vector<1x16xf32>,
      %swap3A_370 = vector.shape_cast %swap3A_369 : vector<1x16xf32> to vector<16xf32>
      %swap3A_371 = vector.shape_cast %mul3A_366 : vector<16xf32> to vector<1x16xf32>
      tpu.vector_store %arg7[%swap3A_367, %swap3A_368], %swap3A_371 {strides = array<i32>} : memref<128x64xf32, #tpu.memory_space<vmem>>, vector<1x16xf32>,
    }
    %scan3A_78 = arith.constant 128 : i32
    %add3A_79 = arith.constant 128 : i32
    %add3A_80 = arith.addi %mul3A_2, %add3A_79 : i32
    %dma_start3A_81 = arith.constant 1 : i32
    %dma_start3A_82 = arith.constant 0 : i32
    %dma_start3A_83 = tpu.memref_slice %arg4[%add3A_80, %dma_start3A_82] : memref<819200x64xf32, #tpu.memory_space<hbm>> -> memref<128x64xf32, #tpu.memory_space<hbm>>
    %dma_start3A_84 = tpu.memref_slice %arg15[%dma_start3A_81] : memref<8x!tpu.dma_semaphore, #tpu.memory_space<semaphore_mem>> -> memref<1x!tpu.dma_semaphore, #tpu.memory_space<semaphore_mem>>
    %dma_start3A_85 = tpu.memref_squeeze %dma_start3A_84 : memref<1x!tpu.dma_semaphore, #tpu.memory_space<semaphore_mem>> -> memref<!tpu.dma_semaphore, #tpu.memory_space<semaphore_mem>>
    %dma_start3A_86 = arith.constant 0 : i32
    %dma_start3A_87 = tpu.memref_slice %arg4[%add3A_80, %dma_start3A_86] : memref<819200x64xf32, #tpu.memory_space<hbm>> -> memref<128x64xf32, #tpu.memory_space<hbm>>
    tpu.enqueue_dma source(%arg7 : memref<128x64xf32, #tpu.memory_space<vmem>>) target(%dma_start3A_87 : memref<128x64xf32, #tpu.memory_space<hbm>>) target_semaphore(%dma_start3A_85 : memref<!tpu.dma_semaphore, #tpu.memory_space<semaphore_mem>>)
    %dma_start3A_88 = arith.constant 5 : i32
    %dma_start3A_89 = arith.constant 640 : i32
    %dma_start3A_90 = tpu.memref_slice %arg5[%dma_start3A_89] : memref<25600xi32, #tpu.memory_space<vmem>> -> memref<128xi32, #tpu.memory_space<vmem>>
    %dma_start3A_91 = arith.constant 0 : i32
    %dma_start3A_92 = arith.constant 0 : i32
    %dma_start3A_93 = tpu.memref_slice %arg2[%dma_start3A_91, %dma_start3A_92] : memref<1000000x64xf32, #tpu.memory_space<hbm>> -> memref<1000000x64xf32, #tpu.memory_space<hbm>>
    %dma_start3A_94 = tpu.memref_slice %arg14[%dma_start3A_88] : memref<8x!tpu.dma_semaphore, #tpu.memory_space<semaphore_mem>> -> memref<1x!tpu.dma_semaphore, #tpu.memory_space<semaphore_mem>>
    %dma_start3A_95 = tpu.memref_squeeze %dma_start3A_94 : memref<1x!tpu.dma_semaphore, #tpu.memory_space<semaphore_mem>> -> memref<!tpu.dma_semaphore, #tpu.memory_space<semaphore_mem>>
    tpu.enqueue_indirect_dma source(%dma_start3A_93 : memref<1000000x64xf32, #tpu.memory_space<hbm>>) target(%arg11 : memref<128x64xf32, #tpu.memory_space<vmem>>) offsets(%dma_start3A_90 : memref<128xi32, #tpu.memory_space<vmem>>) semaphore(%dma_start3A_95 : memref<!tpu.dma_semaphore, #tpu.memory_space<semaphore_mem>>)
    %dma_wait3A_96 = arith.constant 2 : i32
    %dma_wait3A_97 = arith.constant 256 : i32
    %dma_wait3A_98 = tpu.memref_slice %arg5[%dma_wait3A_97] : memref<25600xi32, #tpu.memory_space<vmem>> -> memref<128xi32, #tpu.memory_space<vmem>>
    %dma_wait3A_99 = arith.constant 0 : i32
    %dma_wait3A_100 = arith.constant 0 : i32
    %dma_wait3A_101 = tpu.memref_slice %arg2[%dma_wait3A_99, %dma_wait3A_100] : memref<1000000x64xf32, #tpu.memory_space<hbm>> -> memref<1000000x64xf32, #tpu.memory_space<hbm>>
    %dma_wait3A_102 = tpu.memref_slice %arg14[%dma_wait3A_96] : memref<8x!tpu.dma_semaphore, #tpu.memory_space<semaphore_mem>> -> memref<1x!tpu.dma_semaphore, #tpu.memory_space<semaphore_mem>>
    %dma_wait3A_103 = tpu.memref_squeeze %dma_wait3A_102 : memref<1x!tpu.dma_semaphore, #tpu.memory_space<semaphore_mem>> -> memref<!tpu.dma_semaphore, #tpu.memory_space<semaphore_mem>>
    tpu.wait_indirect_dma semaphore(%dma_wait3A_103 : memref<!tpu.dma_semaphore, #tpu.memory_space<semaphore_mem>>) src(%dma_wait3A_101 : memref<1000000x64xf32, #tpu.memory_space<hbm>>) dst(%arg8 : memref<128x64xf32, #tpu.memory_space<vmem>>)
    %scan3A_104 = arith.constant 0 : i32
    %scan3A_105 = arith.constant 128 : i32
    %scan3A_106 = arith.addi %scan3A_104, %scan3A_105 : i32
    %scan3A_107 = arith.constant 1 : i32
    scf.for %scan3A_321 = %scan3A_104 to %scan3A_106 step %scan3A_107  : i32 {
      %mul3A_322 = arith.constant 1 : i32
      %mul3A_323 = arith.muli %scan3A_321, %mul3A_322 : i32
      %add3A_324 = arith.constant 0 : i32
      %add3A_325 = arith.addi %add3A_324, %mul3A_323 : i32
      %get3A = arith.index_cast %add3A_325 : i32 to index
      %get3A_326 = arith.constant 0 : index
      %get3A_327 = tpu.vector_load %arg8[%get3A, %get3A_326] {strides = array<i32>} : memref<128x64xf32, #tpu.memory_space<vmem>>, vector<1x16xf32>,
      %get3A_328 = vector.shape_cast %get3A_327 : vector<1x16xf32> to vector<16xf32>
      %mul3A_329 = arith.constant 8.000000e+00 : f32
      %mul3A_330 = vector.broadcast %mul3A_329 : f32 to vector<16xf32>
      %mul3A_331 = arith.mulf %get3A_328, %mul3A_330 : vector<16xf32>
      %swap3A = arith.index_cast %add3A_325 : i32 to index
      %swap3A_332 = arith.constant 0 : index
      %swap3A_333 = tpu.vector_load %arg8[%swap3A, %swap3A_332] {strides = array<i32>} : memref<128x64xf32, #tpu.memory_space<vmem>>, vector<1x16xf32>,
      %swap3A_334 = vector.shape_cast %swap3A_333 : vector<1x16xf32> to vector<16xf32>
      %swap3A_335 = vector.shape_cast %mul3A_331 : vector<16xf32> to vector<1x16xf32>
      tpu.vector_store %arg8[%swap3A, %swap3A_332], %swap3A_335 {strides = array<i32>} : memref<128x64xf32, #tpu.memory_space<vmem>>, vector<1x16xf32>,
      %get3A_336 = arith.index_cast %add3A_325 : i32 to index
      %get3A_337 = arith.constant 16 : index
      %get3A_338 = tpu.vector_load %arg8[%get3A_336, %get3A_337] {strides = array<i32>} : memref<128x64xf32, #tpu.memory_space<vmem>>, vector<1x16xf32>,
      %get3A_339 = vector.shape_cast %get3A_338 : vector<1x16xf32> to vector<16xf32>
      %mul3A_340 = arith.constant 8.000000e+00 : f32
      %mul3A_341 = vector.broadcast %mul3A_340 : f32 to vector<16xf32>
      %mul3A_342 = arith.mulf %get3A_339, %mul3A_341 : vector<16xf32>
      %swap3A_343 = arith.index_cast %add3A_325 : i32 to index
      %swap3A_344 = arith.constant 16 : index
      %swap3A_345 = tpu.vector_load %arg8[%swap3A_343, %swap3A_344] {strides = array<i32>} : memref<128x64xf32, #tpu.memory_space<vmem>>, vector<1x16xf32>,
      %swap3A_346 = vector.shape_cast %swap3A_345 : vector<1x16xf32> to vector<16xf32>
      %swap3A_347 = vector.shape_cast %mul3A_342 : vector<16xf32> to vector<1x16xf32>
      tpu.vector_store %arg8[%swap3A_343, %swap3A_344], %swap3A_347 {strides = array<i32>} : memref<128x64xf32, #tpu.memory_space<vmem>>, vector<1x16xf32>,
      %get3A_348 = arith.index_cast %add3A_325 : i32 to index
      %get3A_349 = arith.constant 32 : index
      %get3A_350 = tpu.vector_load %arg8[%get3A_348, %get3A_349] {strides = array<i32>} : memref<128x64xf32, #tpu.memory_space<vmem>>, vector<1x16xf32>,
      %get3A_351 = vector.shape_cast %get3A_350 : vector<1x16xf32> to vector<16xf32>
      %mul3A_352 = arith.constant 8.000000e+00 : f32
      %mul3A_353 = vector.broadcast %mul3A_352 : f32 to vector<16xf32>
      %mul3A_354 = arith.mulf %get3A_351, %mul3A_353 : vector<16xf32>
      %swap3A_355 = arith.index_cast %add3A_325 : i32 to index
      %swap3A_356 = arith.constant 32 : index
      %swap3A_357 = tpu.vector_load %arg8[%swap3A_355, %swap3A_356] {strides = array<i32>} : memref<128x64xf32, #tpu.memory_space<vmem>>, vector<1x16xf32>,
      %swap3A_358 = vector.shape_cast %swap3A_357 : vector<1x16xf32> to vector<16xf32>
      %swap3A_359 = vector.shape_cast %mul3A_354 : vector<16xf32> to vector<1x16xf32>
      tpu.vector_store %arg8[%swap3A_355, %swap3A_356], %swap3A_359 {strides = array<i32>} : memref<128x64xf32, #tpu.memory_space<vmem>>, vector<1x16xf32>,
      %get3A_360 = arith.index_cast %add3A_325 : i32 to index
      %get3A_361 = arith.constant 48 : index
      %get3A_362 = tpu.vector_load %arg8[%get3A_360, %get3A_361] {strides = array<i32>} : memref<128x64xf32, #tpu.memory_space<vmem>>, vector<1x16xf32>,
      %get3A_363 = vector.shape_cast %get3A_362 : vector<1x16xf32> to vector<16xf32>
      %mul3A_364 = arith.constant 8.000000e+00 : f32
      %mul3A_365 = vector.broadcast %mul3A_364 : f32 to vector<16xf32>
      %mul3A_366 = arith.mulf %get3A_363, %mul3A_365 : vector<16xf32>
      %swap3A_367 = arith.index_cast %add3A_325 : i32 to index
      %swap3A_368 = arith.constant 48 : index
      %swap3A_369 = tpu.vector_load %arg8[%swap3A_367, %swap3A_368] {strides = array<i32>} : memref<128x64xf32, #tpu.memory_space<vmem>>, vector<1x16xf32>,
      %swap3A_370 = vector.shape_cast %swap3A_369 : vector<1x16xf32> to vector<16xf32>
      %swap3A_371 = vector.shape_cast %mul3A_366 : vector<16xf32> to vector<1x16xf32>
      tpu.vector_store %arg8[%swap3A_367, %swap3A_368], %swap3A_371 {strides = array<i32>} : memref<128x64xf32, #tpu.memory_space<vmem>>, vector<1x16xf32>,
    }
    %scan3A_108 = arith.constant 128 : i32
    %add3A_109 = arith.constant 256 : i32
    %add3A_110 = arith.addi %mul3A_2, %add3A_109 : i32
    %dma_start3A_111 = arith.constant 2 : i32
    %dma_start3A_112 = arith.constant 0 : i32
    %dma_start3A_113 = tpu.memref_slice %arg4[%add3A_110, %dma_start3A_112] : memref<819200x64xf32, #tpu.memory_space<hbm>> -> memref<128x64xf32, #tpu.memory_space<hbm>>
    %dma_start3A_114 = tpu.memref_slice %arg15[%dma_start3A_111] : memref<8x!tpu.dma_semaphore, #tpu.memory_space<semaphore_mem>> -> memref<1x!tpu.dma_semaphore, #tpu.memory_space<semaphore_mem>>
    %dma_start3A_115 = tpu.memref_squeeze %dma_start3A_114 : memref<1x!tpu.dma_semaphore, #tpu.memory_space<semaphore_mem>> -> memref<!tpu.dma_semaphore, #tpu.memory_space<semaphore_mem>>
    %dma_start3A_116 = arith.constant 0 : i32
    %dma_start3A_117 = tpu.memref_slice %arg4[%add3A_110, %dma_start3A_116] : memref<819200x64xf32, #tpu.memory_space<hbm>> -> memref<128x64xf32, #tpu.memory_space<hbm>>
    tpu.enqueue_dma source(%arg8 : memref<128x64xf32, #tpu.memory_space<vmem>>) target(%dma_start3A_117 : memref<128x64xf32, #tpu.memory_space<hbm>>) target_semaphore(%dma_start3A_115 : memref<!tpu.dma_semaphore, #tpu.memory_space<semaphore_mem>>)
    %dma_start3A_118 = arith.constant 6 : i32
    %dma_start3A_119 = arith.constant 768 : i32
    %dma_start3A_120 = tpu.memref_slice %arg5[%dma_start3A_119] : memref<25600xi32, #tpu.memory_space<vmem>> -> memref<128xi32, #tpu.memory_space<vmem>>
    %dma_start3A_121 = arith.constant 0 : i32
    %dma_start3A_122 = arith.constant 0 : i32
    %dma_start3A_123 = tpu.memref_slice %arg2[%dma_start3A_121, %dma_start3A_122] : memref<1000000x64xf32, #tpu.memory_space<hbm>> -> memref<1000000x64xf32, #tpu.memory_space<hbm>>
    %dma_start3A_124 = tpu.memref_slice %arg14[%dma_start3A_118] : memref<8x!tpu.dma_semaphore, #tpu.memory_space<semaphore_mem>> -> memref<1x!tpu.dma_semaphore, #tpu.memory_space<semaphore_mem>>
    %dma_start3A_125 = tpu.memref_squeeze %dma_start3A_124 : memref<1x!tpu.dma_semaphore, #tpu.memory_space<semaphore_mem>> -> memref<!tpu.dma_semaphore, #tpu.memory_space<semaphore_mem>>
    tpu.enqueue_indirect_dma source(%dma_start3A_123 : memref<1000000x64xf32, #tpu.memory_space<hbm>>) target(%arg12 : memref<128x64xf32, #tpu.memory_space<vmem>>) offsets(%dma_start3A_120 : memref<128xi32, #tpu.memory_space<vmem>>) semaphore(%dma_start3A_125 : memref<!tpu.dma_semaphore, #tpu.memory_space<semaphore_mem>>)
    %dma_wait3A_126 = arith.constant 3 : i32
    %dma_wait3A_127 = arith.constant 384 : i32
    %dma_wait3A_128 = tpu.memref_slice %arg5[%dma_wait3A_127] : memref<25600xi32, #tpu.memory_space<vmem>> -> memref<128xi32, #tpu.memory_space<vmem>>
    %dma_wait3A_129 = arith.constant 0 : i32
    %dma_wait3A_130 = arith.constant 0 : i32
    %dma_wait3A_131 = tpu.memref_slice %arg2[%dma_wait3A_129, %dma_wait3A_130] : memref<1000000x64xf32, #tpu.memory_space<hbm>> -> memref<1000000x64xf32, #tpu.memory_space<hbm>>
    %dma_wait3A_132 = tpu.memref_slice %arg14[%dma_wait3A_126] : memref<8x!tpu.dma_semaphore, #tpu.memory_space<semaphore_mem>> -> memref<1x!tpu.dma_semaphore, #tpu.memory_space<semaphore_mem>>
    %dma_wait3A_133 = tpu.memref_squeeze %dma_wait3A_132 : memref<1x!tpu.dma_semaphore, #tpu.memory_space<semaphore_mem>> -> memref<!tpu.dma_semaphore, #tpu.memory_space<semaphore_mem>>
    tpu.wait_indirect_dma semaphore(%dma_wait3A_133 : memref<!tpu.dma_semaphore, #tpu.memory_space<semaphore_mem>>) src(%dma_wait3A_131 : memref<1000000x64xf32, #tpu.memory_space<hbm>>) dst(%arg9 : memref<128x64xf32, #tpu.memory_space<vmem>>)
    %scan3A_134 = arith.constant 0 : i32
    %scan3A_135 = arith.constant 128 : i32
    %scan3A_136 = arith.addi %scan3A_134, %scan3A_135 : i32
    %scan3A_137 = arith.constant 1 : i32
    scf.for %scan3A_321 = %scan3A_134 to %scan3A_136 step %scan3A_137  : i32 {
      %mul3A_322 = arith.constant 1 : i32
      %mul3A_323 = arith.muli %scan3A_321, %mul3A_322 : i32
      %add3A_324 = arith.constant 0 : i32
      %add3A_325 = arith.addi %add3A_324, %mul3A_323 : i32
      %get3A = arith.index_cast %add3A_325 : i32 to index
      %get3A_326 = arith.constant 0 : index
      %get3A_327 = tpu.vector_load %arg9[%get3A, %get3A_326] {strides = array<i32>} : memref<128x64xf32, #tpu.memory_space<vmem>>, vector<1x16xf32>,
      %get3A_328 = vector.shape_cast %get3A_327 : vector<1x16xf32> to vector<16xf32>
      %mul3A_329 = arith.constant 8.000000e+00 : f32
      %mul3A_330 = vector.broadcast %mul3A_329 : f32 to vector<16xf32>
      %mul3A_331 = arith.mulf %get3A_328, %mul3A_330 : vector<16xf32>
      %swap3A = arith.index_cast %add3A_325 : i32 to index
      %swap3A_332 = arith.constant 0 : index
      %swap3A_333 = tpu.vector_load %arg9[%swap3A, %swap3A_332] {strides = array<i32>} : memref<128x64xf32, #tpu.memory_space<vmem>>, vector<1x16xf32>,
      %swap3A_334 = vector.shape_cast %swap3A_333 : vector<1x16xf32> to vector<16xf32>
      %swap3A_335 = vector.shape_cast %mul3A_331 : vector<16xf32> to vector<1x16xf32>
      tpu.vector_store %arg9[%swap3A, %swap3A_332], %swap3A_335 {strides = array<i32>} : memref<128x64xf32, #tpu.memory_space<vmem>>, vector<1x16xf32>,
      %get3A_336 = arith.index_cast %add3A_325 : i32 to index
      %get3A_337 = arith.constant 16 : index
      %get3A_338 = tpu.vector_load %arg9[%get3A_336, %get3A_337] {strides = array<i32>} : memref<128x64xf32, #tpu.memory_space<vmem>>, vector<1x16xf32>,
      %get3A_339 = vector.shape_cast %get3A_338 : vector<1x16xf32> to vector<16xf32>
      %mul3A_340 = arith.constant 8.000000e+00 : f32
      %mul3A_341 = vector.broadcast %mul3A_340 : f32 to vector<16xf32>
      %mul3A_342 = arith.mulf %get3A_339, %mul3A_341 : vector<16xf32>
      %swap3A_343 = arith.index_cast %add3A_325 : i32 to index
      %swap3A_344 = arith.constant 16 : index
      %swap3A_345 = tpu.vector_load %arg9[%swap3A_343, %swap3A_344] {strides = array<i32>} : memref<128x64xf32, #tpu.memory_space<vmem>>, vector<1x16xf32>,
      %swap3A_346 = vector.shape_cast %swap3A_345 : vector<1x16xf32> to vector<16xf32>
      %swap3A_347 = vector.shape_cast %mul3A_342 : vector<16xf32> to vector<1x16xf32>
      tpu.vector_store %arg9[%swap3A_343, %swap3A_344], %swap3A_347 {strides = array<i32>} : memref<128x64xf32, #tpu.memory_space<vmem>>, vector<1x16xf32>,
      %get3A_348 = arith.index_cast %add3A_325 : i32 to index
      %get3A_349 = arith.constant 32 : index
      %get3A_350 = tpu.vector_load %arg9[%get3A_348, %get3A_349] {strides = array<i32>} : memref<128x64xf32, #tpu.memory_space<vmem>>, vector<1x16xf32>,
      %get3A_351 = vector.shape_cast %get3A_350 : vector<1x16xf32> to vector<16xf32>
      %mul3A_352 = arith.constant 8.000000e+00 : f32
      %mul3A_353 = vector.broadcast %mul3A_352 : f32 to vector<16xf32>
      %mul3A_354 = arith.mulf %get3A_351, %mul3A_353 : vector<16xf32>
      %swap3A_355 = arith.index_cast %add3A_325 : i32 to index
      %swap3A_356 = arith.constant 32 : index
      %swap3A_357 = tpu.vector_load %arg9[%swap3A_355, %swap3A_356] {strides = array<i32>} : memref<128x64xf32, #tpu.memory_space<vmem>>, vector<1x16xf32>,
      %swap3A_358 = vector.shape_cast %swap3A_357 : vector<1x16xf32> to vector<16xf32>
      %swap3A_359 = vector.shape_cast %mul3A_354 : vector<16xf32> to vector<1x16xf32>
      tpu.vector_store %arg9[%swap3A_355, %swap3A_356], %swap3A_359 {strides = array<i32>} : memref<128x64xf32, #tpu.memory_space<vmem>>, vector<1x16xf32>,
      %get3A_360 = arith.index_cast %add3A_325 : i32 to index
      %get3A_361 = arith.constant 48 : index
      %get3A_362 = tpu.vector_load %arg9[%get3A_360, %get3A_361] {strides = array<i32>} : memref<128x64xf32, #tpu.memory_space<vmem>>, vector<1x16xf32>,
      %get3A_363 = vector.shape_cast %get3A_362 : vector<1x16xf32> to vector<16xf32>
      %mul3A_364 = arith.constant 8.000000e+00 : f32
      %mul3A_365 = vector.broadcast %mul3A_364 : f32 to vector<16xf32>
      %mul3A_366 = arith.mulf %get3A_363, %mul3A_365 : vector<16xf32>
      %swap3A_367 = arith.index_cast %add3A_325 : i32 to index
      %swap3A_368 = arith.constant 48 : index
      %swap3A_369 = tpu.vector_load %arg9[%swap3A_367, %swap3A_368] {strides = array<i32>} : memref<128x64xf32, #tpu.memory_space<vmem>>, vector<1x16xf32>,
      %swap3A_370 = vector.shape_cast %swap3A_369 : vector<1x16xf32> to vector<16xf32>
      %swap3A_371 = vector.shape_cast %mul3A_366 : vector<16xf32> to vector<1x16xf32>
      tpu.vector_store %arg9[%swap3A_367, %swap3A_368], %swap3A_371 {strides = array<i32>} : memref<128x64xf32, #tpu.memory_space<vmem>>, vector<1x16xf32>,
    }
    %scan3A_138 = arith.constant 128 : i32
    %add3A_139 = arith.constant 384 : i32
    %add3A_140 = arith.addi %mul3A_2, %add3A_139 : i32
    %dma_start3A_141 = arith.constant 3 : i32
    %dma_start3A_142 = arith.constant 0 : i32
    %dma_start3A_143 = tpu.memref_slice %arg4[%add3A_140, %dma_start3A_142] : memref<819200x64xf32, #tpu.memory_space<hbm>> -> memref<128x64xf32, #tpu.memory_space<hbm>>
    %dma_start3A_144 = tpu.memref_slice %arg15[%dma_start3A_141] : memref<8x!tpu.dma_semaphore, #tpu.memory_space<semaphore_mem>> -> memref<1x!tpu.dma_semaphore, #tpu.memory_space<semaphore_mem>>
    %dma_start3A_145 = tpu.memref_squeeze %dma_start3A_144 : memref<1x!tpu.dma_semaphore, #tpu.memory_space<semaphore_mem>> -> memref<!tpu.dma_semaphore, #tpu.memory_space<semaphore_mem>>
    %dma_start3A_146 = arith.constant 0 : i32
    %dma_start3A_147 = tpu.memref_slice %arg4[%add3A_140, %dma_start3A_146] : memref<819200x64xf32, #tpu.memory_space<hbm>> -> memref<128x64xf32, #tpu.memory_space<hbm>>
    tpu.enqueue_dma source(%arg9 : memref<128x64xf32, #tpu.memory_space<vmem>>) target(%dma_start3A_147 : memref<128x64xf32, #tpu.memory_space<hbm>>) target_semaphore(%dma_start3A_145 : memref<!tpu.dma_semaphore, #tpu.memory_space<semaphore_mem>>)
    %dma_start3A_148 = arith.constant 7 : i32
    %dma_start3A_149 = arith.constant 896 : i32
    %dma_start3A_150 = tpu.memref_slice %arg5[%dma_start3A_149] : memref<25600xi32, #tpu.memory_space<vmem>> -> memref<128xi32, #tpu.memory_space<vmem>>
    %dma_start3A_151 = arith.constant 0 : i32
    %dma_start3A_152 = arith.constant 0 : i32
    %dma_start3A_153 = tpu.memref_slice %arg2[%dma_start3A_151, %dma_start3A_152] : memref<1000000x64xf32, #tpu.memory_space<hbm>> -> memref<1000000x64xf32, #tpu.memory_space<hbm>>
    %dma_start3A_154 = tpu.memref_slice %arg14[%dma_start3A_148] : memref<8x!tpu.dma_semaphore, #tpu.memory_space<semaphore_mem>> -> memref<1x!tpu.dma_semaphore, #tpu.memory_space<semaphore_mem>>
    %dma_start3A_155 = tpu.memref_squeeze %dma_start3A_154 : memref<1x!tpu.dma_semaphore, #tpu.memory_space<semaphore_mem>> -> memref<!tpu.dma_semaphore, #tpu.memory_space<semaphore_mem>>
    tpu.enqueue_indirect_dma source(%dma_start3A_153 : memref<1000000x64xf32, #tpu.memory_space<hbm>>) target(%arg13 : memref<128x64xf32, #tpu.memory_space<vmem>>) offsets(%dma_start3A_150 : memref<128xi32, #tpu.memory_space<vmem>>) semaphore(%dma_start3A_155 : memref<!tpu.dma_semaphore, #tpu.memory_space<semaphore_mem>>)
    %scan3A_156 = arith.constant 0 : i32
    %scan3A_157 = arith.constant 24 : i32
    %scan3A_158 = arith.addi %scan3A_156, %scan3A_157 : i32
    %scan3A_159 = arith.constant 1 : i32
    scf.for %scan3A_321 = %scan3A_156 to %scan3A_158 step %scan3A_159  : i32 {
      %mul3A_322 = arith.constant 1 : i32
      %mul3A_323 = arith.muli %scan3A_321, %mul3A_322 : i32
      %add3A_324 = arith.constant 0 : i32
      %add3A_325 = arith.addi %add3A_324, %mul3A_323 : i32
      %mul3A_326 = arith.constant 8 : i32
      %mul3A_327 = arith.muli %add3A_325, %mul3A_326 : i32
      %add3A_328 = arith.constant 4 : i32
      %add3A_329 = arith.addi %add3A_328, %mul3A_327 : i32
      %add3A_330 = arith.constant 0 : i32
      %add3A_331 = arith.addi %add3A_329, %add3A_330 : i32
      %mul3A_332 = arith.constant 128 : i32
      %mul3A_333 = arith.muli %add3A_331, %mul3A_332 : i32
      %dma_wait3A_334 = arith.constant 4 : i32
      %dma_wait3A_335 = tpu.memref_slice %arg5[%mul3A_333] : memref<25600xi32, #tpu.memory_space<vmem>> -> memref<128xi32, #tpu.memory_space<vmem>>
      %dma_wait3A_336 = arith.constant 0 : i32
      %dma_wait3A_337 = arith.constant 0 : i32
      %dma_wait3A_338 = tpu.memref_slice %arg2[%dma_wait3A_336, %dma_wait3A_337] : memref<1000000x64xf32, #tpu.memory_space<hbm>> -> memref<1000000x64xf32, #tpu.memory_space<hbm>>
      %dma_wait3A_339 = tpu.memref_slice %arg14[%dma_wait3A_334] : memref<8x!tpu.dma_semaphore, #tpu.memory_space<semaphore_mem>> -> memref<1x!tpu.dma_semaphore, #tpu.memory_space<semaphore_mem>>
      %dma_wait3A_340 = tpu.memref_squeeze %dma_wait3A_339 : memref<1x!tpu.dma_semaphore, #tpu.memory_space<semaphore_mem>> -> memref<!tpu.dma_semaphore, #tpu.memory_space<semaphore_mem>>
      tpu.wait_indirect_dma semaphore(%dma_wait3A_340 : memref<!tpu.dma_semaphore, #tpu.memory_space<semaphore_mem>>) src(%dma_wait3A_338 : memref<1000000x64xf32, #tpu.memory_space<hbm>>) dst(%arg10 : memref<128x64xf32, #tpu.memory_space<vmem>>)
      %scan3A_341 = arith.constant 0 : i32
      %scan3A_342 = arith.constant 128 : i32
      %scan3A_343 = arith.addi %scan3A_341, %scan3A_342 : i32
      %scan3A_344 = arith.constant 1 : i32
      scf.for %scan3A_749 = %scan3A_341 to %scan3A_343 step %scan3A_344  : i32 {
        %mul3A_750 = arith.constant 1 : i32
        %mul3A_751 = arith.muli %scan3A_749, %mul3A_750 : i32
        %add3A_752 = arith.constant 0 : i32
        %add3A_753 = arith.addi %add3A_752, %mul3A_751 : i32
        %get3A = arith.index_cast %add3A_753 : i32 to index
        %get3A_754 = arith.constant 0 : index
        %get3A_755 = tpu.vector_load %arg10[%get3A, %get3A_754] {strides = array<i32>} : memref<128x64xf32, #tpu.memory_space<vmem>>, vector<1x16xf32>,
        %get3A_756 = vector.shape_cast %get3A_755 : vector<1x16xf32> to vector<16xf32>
        %mul3A_757 = arith.constant 8.000000e+00 : f32
        %mul3A_758 = vector.broadcast %mul3A_757 : f32 to vector<16xf32>
        %mul3A_759 = arith.mulf %get3A_756, %mul3A_758 : vector<16xf32>
        %swap3A = arith.index_cast %add3A_753 : i32 to index
        %swap3A_760 = arith.constant 0 : index
        %swap3A_761 = tpu.vector_load %arg10[%swap3A, %swap3A_760] {strides = array<i32>} : memref<128x64xf32, #tpu.memory_space<vmem>>, vector<1x16xf32>,
        %swap3A_762 = vector.shape_cast %swap3A_761 : vector<1x16xf32> to vector<16xf32>
        %swap3A_763 = vector.shape_cast %mul3A_759 : vector<16xf32> to vector<1x16xf32>
        tpu.vector_store %arg10[%swap3A, %swap3A_760], %swap3A_763 {strides = array<i32>} : memref<128x64xf32, #tpu.memory_space<vmem>>, vector<1x16xf32>,
        %get3A_764 = arith.index_cast %add3A_753 : i32 to index
        %get3A_765 = arith.constant 16 : index
        %get3A_766 = tpu.vector_load %arg10[%get3A_764, %get3A_765] {strides = array<i32>} : memref<128x64xf32, #tpu.memory_space<vmem>>, vector<1x16xf32>,
        %get3A_767 = vector.shape_cast %get3A_766 : vector<1x16xf32> to vector<16xf32>
        %mul3A_768 = arith.constant 8.000000e+00 : f32
        %mul3A_769 = vector.broadcast %mul3A_768 : f32 to vector<16xf32>
        %mul3A_770 = arith.mulf %get3A_767, %mul3A_769 : vector<16xf32>
        %swap3A_771 = arith.index_cast %add3A_753 : i32 to index
        %swap3A_772 = arith.constant 16 : index
        %swap3A_773 = tpu.vector_load %arg10[%swap3A_771, %swap3A_772] {strides = array<i32>} : memref<128x64xf32, #tpu.memory_space<vmem>>, vector<1x16xf32>,
        %swap3A_774 = vector.shape_cast %swap3A_773 : vector<1x16xf32> to vector<16xf32>
        %swap3A_775 = vector.shape_cast %mul3A_770 : vector<16xf32> to vector<1x16xf32>
        tpu.vector_store %arg10[%swap3A_771, %swap3A_772], %swap3A_775 {strides = array<i32>} : memref<128x64xf32, #tpu.memory_space<vmem>>, vector<1x16xf32>,
        %get3A_776 = arith.index_cast %add3A_753 : i32 to index
        %get3A_777 = arith.constant 32 : index
        %get3A_778 = tpu.vector_load %arg10[%get3A_776, %get3A_777] {strides = array<i32>} : memref<128x64xf32, #tpu.memory_space<vmem>>, vector<1x16xf32>,
        %get3A_779 = vector.shape_cast %get3A_778 : vector<1x16xf32> to vector<16xf32>
        %mul3A_780 = arith.constant 8.000000e+00 : f32
        %mul3A_781 = vector.broadcast %mul3A_780 : f32 to vector<16xf32>
        %mul3A_782 = arith.mulf %get3A_779, %mul3A_781 : vector<16xf32>
        %swap3A_783 = arith.index_cast %add3A_753 : i32 to index
        %swap3A_784 = arith.constant 32 : index
        %swap3A_785 = tpu.vector_load %arg10[%swap3A_783, %swap3A_784] {strides = array<i32>} : memref<128x64xf32, #tpu.memory_space<vmem>>, vector<1x16xf32>,
        %swap3A_786 = vector.shape_cast %swap3A_785 : vector<1x16xf32> to vector<16xf32>
        %swap3A_787 = vector.shape_cast %mul3A_782 : vector<16xf32> to vector<1x16xf32>
        tpu.vector_store %arg10[%swap3A_783, %swap3A_784], %swap3A_787 {strides = array<i32>} : memref<128x64xf32, #tpu.memory_space<vmem>>, vector<1x16xf32>,
        %get3A_788 = arith.index_cast %add3A_753 : i32 to index
        %get3A_789 = arith.constant 48 : index
        %get3A_790 = tpu.vector_load %arg10[%get3A_788, %get3A_789] {strides = array<i32>} : memref<128x64xf32, #tpu.memory_space<vmem>>, vector<1x16xf32>,
        %get3A_791 = vector.shape_cast %get3A_790 : vector<1x16xf32> to vector<16xf32>
        %mul3A_792 = arith.constant 8.000000e+00 : f32
        %mul3A_793 = vector.broadcast %mul3A_792 : f32 to vector<16xf32>
        %mul3A_794 = arith.mulf %get3A_791, %mul3A_793 : vector<16xf32>
        %swap3A_795 = arith.index_cast %add3A_753 : i32 to index
        %swap3A_796 = arith.constant 48 : index
        %swap3A_797 = tpu.vector_load %arg10[%swap3A_795, %swap3A_796] {strides = array<i32>} : memref<128x64xf32, #tpu.memory_space<vmem>>, vector<1x16xf32>,
        %swap3A_798 = vector.shape_cast %swap3A_797 : vector<1x16xf32> to vector<16xf32>
        %swap3A_799 = vector.shape_cast %mul3A_794 : vector<16xf32> to vector<1x16xf32>
        tpu.vector_store %arg10[%swap3A_795, %swap3A_796], %swap3A_799 {strides = array<i32>} : memref<128x64xf32, #tpu.memory_space<vmem>>, vector<1x16xf32>,
      }
      %scan3A_345 = arith.constant 128 : i32
      %mul3A_346 = arith.constant 128 : i32
      %mul3A_347 = arith.muli %add3A_331, %mul3A_346 : i32
      %add3A_348 = arith.addi %mul3A_2, %mul3A_347 : i32
      %dma_start3A_349 = arith.constant 4 : i32
      %dma_start3A_350 = arith.constant 0 : i32
      %dma_start3A_351 = tpu.memref_slice %arg4[%add3A_348, %dma_start3A_350] : memref<819200x64xf32, #tpu.memory_space<hbm>> -> memref<128x64xf32, #tpu.memory_space<hbm>>
      %dma_start3A_352 = tpu.memref_slice %arg15[%dma_start3A_349] : memref<8x!tpu.dma_semaphore, #tpu.memory_space<semaphore_mem>> -> memref<1x!tpu.dma_semaphore, #tpu.memory_space<semaphore_mem>>
      %dma_start3A_353 = tpu.memref_squeeze %dma_start3A_352 : memref<1x!tpu.dma_semaphore, #tpu.memory_space<semaphore_mem>> -> memref<!tpu.dma_semaphore, #tpu.memory_space<semaphore_mem>>
      %dma_start3A_354 = arith.constant 0 : i32
      %dma_start3A_355 = tpu.memref_slice %arg4[%add3A_348, %dma_start3A_354] : memref<819200x64xf32, #tpu.memory_space<hbm>> -> memref<128x64xf32, #tpu.memory_space<hbm>>
      tpu.enqueue_dma source(%arg10 : memref<128x64xf32, #tpu.memory_space<vmem>>) target(%dma_start3A_355 : memref<128x64xf32, #tpu.memory_space<hbm>>) target_semaphore(%dma_start3A_353 : memref<!tpu.dma_semaphore, #tpu.memory_space<semaphore_mem>>)
      %sub3A = arith.constant 4 : i32
      %sub3A_356 = arith.subi %add3A_331, %sub3A : i32
      %mul3A_357 = arith.constant 128 : i32
      %mul3A_358 = arith.muli %sub3A_356, %mul3A_357 : i32
      %add3A_359 = arith.addi %mul3A_2, %mul3A_358 : i32
      %dma_wait3A_360 = arith.constant 0 : i32
      %dma_wait3A_361 = arith.constant 0 : i32
      %dma_wait3A_362 = tpu.memref_slice %arg4[%add3A_359, %dma_wait3A_361] : memref<819200x64xf32, #tpu.memory_space<hbm>> -> memref<128x64xf32, #tpu.memory_space<hbm>>
      %dma_wait3A_363 = tpu.memref_slice %arg15[%dma_wait3A_360] : memref<8x!tpu.dma_semaphore, #tpu.memory_space<semaphore_mem>> -> memref<1x!tpu.dma_semaphore, #tpu.memory_space<semaphore_mem>>
      %dma_wait3A_364 = tpu.memref_squeeze %dma_wait3A_363 : memref<1x!tpu.dma_semaphore, #tpu.memory_space<semaphore_mem>> -> memref<!tpu.dma_semaphore, #tpu.memory_space<semaphore_mem>>
      %dma_wait3A_365 = arith.constant 0 : i32
      %dma_wait3A_366 = tpu.memref_slice %arg4[%add3A_359, %dma_wait3A_365] : memref<819200x64xf32, #tpu.memory_space<hbm>> -> memref<128x64xf32, #tpu.memory_space<hbm>>
      tpu.wait_dma2 semaphore(%dma_wait3A_364 : memref<!tpu.dma_semaphore, #tpu.memory_space<semaphore_mem>>) src(%arg6 : memref<128x64xf32, #tpu.memory_space<vmem>>) dst(%dma_wait3A_366 : memref<128x64xf32, #tpu.memory_space<hbm>>)
      %add3A_367 = arith.constant 4 : i32
      %add3A_368 = arith.addi %add3A_331, %add3A_367 : i32
      %mul3A_369 = arith.constant 128 : i32
      %mul3A_370 = arith.muli %add3A_368, %mul3A_369 : i32
      %dma_start3A_371 = arith.constant 0 : i32
      %dma_start3A_372 = tpu.memref_slice %arg5[%mul3A_370] : memref<25600xi32, #tpu.memory_space<vmem>> -> memref<128xi32, #tpu.memory_space<vmem>>
      %dma_start3A_373 = arith.constant 0 : i32
      %dma_start3A_374 = arith.constant 0 : i32
      %dma_start3A_375 = tpu.memref_slice %arg2[%dma_start3A_373, %dma_start3A_374] : memref<1000000x64xf32, #tpu.memory_space<hbm>> -> memref<1000000x64xf32, #tpu.memory_space<hbm>>
      %dma_start3A_376 = tpu.memref_slice %arg14[%dma_start3A_371] : memref<8x!tpu.dma_semaphore, #tpu.memory_space<semaphore_mem>> -> memref<1x!tpu.dma_semaphore, #tpu.memory_space<semaphore_mem>>
      %dma_start3A_377 = tpu.memref_squeeze %dma_start3A_376 : memref<1x!tpu.dma_semaphore, #tpu.memory_space<semaphore_mem>> -> memref<!tpu.dma_semaphore, #tpu.memory_space<semaphore_mem>>
      tpu.enqueue_indirect_dma source(%dma_start3A_375 : memref<1000000x64xf32, #tpu.memory_space<hbm>>) target(%arg6 : memref<128x64xf32, #tpu.memory_space<vmem>>) offsets(%dma_start3A_372 : memref<128xi32, #tpu.memory_space<vmem>>) semaphore(%dma_start3A_377 : memref<!tpu.dma_semaphore, #tpu.memory_space<semaphore_mem>>)
      %mul3A_378 = arith.constant 8 : i32
      %mul3A_379 = arith.muli %add3A_325, %mul3A_378 : i32
      %add3A_380 = arith.constant 4 : i32
      %add3A_381 = arith.addi %add3A_380, %mul3A_379 : i32
      %add3A_382 = arith.constant 1 : i32
      %add3A_383 = arith.addi %add3A_381, %add3A_382 : i32
      %mul3A_384 = arith.constant 128 : i32
      %mul3A_385 = arith.muli %add3A_383, %mul3A_384 : i32
      %dma_wait3A_386 = arith.constant 5 : i32
      %dma_wait3A_387 = tpu.memref_slice %arg5[%mul3A_385] : memref<25600xi32, #tpu.memory_space<vmem>> -> memref<128xi32, #tpu.memory_space<vmem>>
      %dma_wait3A_388 = arith.constant 0 : i32
      %dma_wait3A_389 = arith.constant 0 : i32
      %dma_wait3A_390 = tpu.memref_slice %arg2[%dma_wait3A_388, %dma_wait3A_389] : memref<1000000x64xf32, #tpu.memory_space<hbm>> -> memref<1000000x64xf32, #tpu.memory_space<hbm>>
      %dma_wait3A_391 = tpu.memref_slice %arg14[%dma_wait3A_386] : memref<8x!tpu.dma_semaphore, #tpu.memory_space<semaphore_mem>> -> memref<1x!tpu.dma_semaphore, #tpu.memory_space<semaphore_mem>>
      %dma_wait3A_392 = tpu.memref_squeeze %dma_wait3A_391 : memref<1x!tpu.dma_semaphore, #tpu.memory_space<semaphore_mem>> -> memref<!tpu.dma_semaphore, #tpu.memory_space<semaphore_mem>>
      tpu.wait_indirect_dma semaphore(%dma_wait3A_392 : memref<!tpu.dma_semaphore, #tpu.memory_space<semaphore_mem>>) src(%dma_wait3A_390 : memref<1000000x64xf32, #tpu.memory_space<hbm>>) dst(%arg11 : memref<128x64xf32, #tpu.memory_space<vmem>>)
      %scan3A_393 = arith.constant 0 : i32
      %scan3A_394 = arith.constant 128 : i32
      %scan3A_395 = arith.addi %scan3A_393, %scan3A_394 : i32
      %scan3A_396 = arith.constant 1 : i32
      scf.for %scan3A_749 = %scan3A_393 to %scan3A_395 step %scan3A_396  : i32 {
        %mul3A_750 = arith.constant 1 : i32
        %mul3A_751 = arith.muli %scan3A_749, %mul3A_750 : i32
        %add3A_752 = arith.constant 0 : i32
        %add3A_753 = arith.addi %add3A_752, %mul3A_751 : i32
        %get3A = arith.index_cast %add3A_753 : i32 to index
        %get3A_754 = arith.constant 0 : index
        %get3A_755 = tpu.vector_load %arg11[%get3A, %get3A_754] {strides = array<i32>} : memref<128x64xf32, #tpu.memory_space<vmem>>, vector<1x16xf32>,
        %get3A_756 = vector.shape_cast %get3A_755 : vector<1x16xf32> to vector<16xf32>
        %mul3A_757 = arith.constant 8.000000e+00 : f32
        %mul3A_758 = vector.broadcast %mul3A_757 : f32 to vector<16xf32>
        %mul3A_759 = arith.mulf %get3A_756, %mul3A_758 : vector<16xf32>
        %swap3A = arith.index_cast %add3A_753 : i32 to index
        %swap3A_760 = arith.constant 0 : index
        %swap3A_761 = tpu.vector_load %arg11[%swap3A, %swap3A_760] {strides = array<i32>} : memref<128x64xf32, #tpu.memory_space<vmem>>, vector<1x16xf32>,
        %swap3A_762 = vector.shape_cast %swap3A_761 : vector<1x16xf32> to vector<16xf32>
        %swap3A_763 = vector.shape_cast %mul3A_759 : vector<16xf32> to vector<1x16xf32>
        tpu.vector_store %arg11[%swap3A, %swap3A_760], %swap3A_763 {strides = array<i32>} : memref<128x64xf32, #tpu.memory_space<vmem>>, vector<1x16xf32>,
        %get3A_764 = arith.index_cast %add3A_753 : i32 to index
        %get3A_765 = arith.constant 16 : index
        %get3A_766 = tpu.vector_load %arg11[%get3A_764, %get3A_765] {strides = array<i32>} : memref<128x64xf32, #tpu.memory_space<vmem>>, vector<1x16xf32>,
        %get3A_767 = vector.shape_cast %get3A_766 : vector<1x16xf32> to vector<16xf32>
        %mul3A_768 = arith.constant 8.000000e+00 : f32
        %mul3A_769 = vector.broadcast %mul3A_768 : f32 to vector<16xf32>
        %mul3A_770 = arith.mulf %get3A_767, %mul3A_769 : vector<16xf32>
        %swap3A_771 = arith.index_cast %add3A_753 : i32 to index
        %swap3A_772 = arith.constant 16 : index
        %swap3A_773 = tpu.vector_load %arg11[%swap3A_771, %swap3A_772] {strides = array<i32>} : memref<128x64xf32, #tpu.memory_space<vmem>>, vector<1x16xf32>,
        %swap3A_774 = vector.shape_cast %swap3A_773 : vector<1x16xf32> to vector<16xf32>
        %swap3A_775 = vector.shape_cast %mul3A_770 : vector<16xf32> to vector<1x16xf32>
        tpu.vector_store %arg11[%swap3A_771, %swap3A_772], %swap3A_775 {strides = array<i32>} : memref<128x64xf32, #tpu.memory_space<vmem>>, vector<1x16xf32>,
        %get3A_776 = arith.index_cast %add3A_753 : i32 to index
        %get3A_777 = arith.constant 32 : index
        %get3A_778 = tpu.vector_load %arg11[%get3A_776, %get3A_777] {strides = array<i32>} : memref<128x64xf32, #tpu.memory_space<vmem>>, vector<1x16xf32>,
        %get3A_779 = vector.shape_cast %get3A_778 : vector<1x16xf32> to vector<16xf32>
        %mul3A_780 = arith.constant 8.000000e+00 : f32
        %mul3A_781 = vector.broadcast %mul3A_780 : f32 to vector<16xf32>
        %mul3A_782 = arith.mulf %get3A_779, %mul3A_781 : vector<16xf32>
        %swap3A_783 = arith.index_cast %add3A_753 : i32 to index
        %swap3A_784 = arith.constant 32 : index
        %swap3A_785 = tpu.vector_load %arg11[%swap3A_783, %swap3A_784] {strides = array<i32>} : memref<128x64xf32, #tpu.memory_space<vmem>>, vector<1x16xf32>,
        %swap3A_786 = vector.shape_cast %swap3A_785 : vector<1x16xf32> to vector<16xf32>
        %swap3A_787 = vector.shape_cast %mul3A_782 : vector<16xf32> to vector<1x16xf32>
        tpu.vector_store %arg11[%swap3A_783, %swap3A_784], %swap3A_787 {strides = array<i32>} : memref<128x64xf32, #tpu.memory_space<vmem>>, vector<1x16xf32>,
        %get3A_788 = arith.index_cast %add3A_753 : i32 to index
        %get3A_789 = arith.constant 48 : index
        %get3A_790 = tpu.vector_load %arg11[%get3A_788, %get3A_789] {strides = array<i32>} : memref<128x64xf32, #tpu.memory_space<vmem>>, vector<1x16xf32>,
        %get3A_791 = vector.shape_cast %get3A_790 : vector<1x16xf32> to vector<16xf32>
        %mul3A_792 = arith.constant 8.000000e+00 : f32
        %mul3A_793 = vector.broadcast %mul3A_792 : f32 to vector<16xf32>
        %mul3A_794 = arith.mulf %get3A_791, %mul3A_793 : vector<16xf32>
        %swap3A_795 = arith.index_cast %add3A_753 : i32 to index
        %swap3A_796 = arith.constant 48 : index
        %swap3A_797 = tpu.vector_load %arg11[%swap3A_795, %swap3A_796] {strides = array<i32>} : memref<128x64xf32, #tpu.memory_space<vmem>>, vector<1x16xf32>,
        %swap3A_798 = vector.shape_cast %swap3A_797 : vector<1x16xf32> to vector<16xf32>
        %swap3A_799 = vector.shape_cast %mul3A_794 : vector<16xf32> to vector<1x16xf32>
        tpu.vector_store %arg11[%swap3A_795, %swap3A_796], %swap3A_799 {strides = array<i32>} : memref<128x64xf32, #tpu.memory_space<vmem>>, vector<1x16xf32>,
      }
      %scan3A_397 = arith.constant 128 : i32
      %mul3A_398 = arith.constant 128 : i32
      %mul3A_399 = arith.muli %add3A_383, %mul3A_398 : i32
      %add3A_400 = arith.addi %mul3A_2, %mul3A_399 : i32
      %dma_start3A_401 = arith.constant 5 : i32
      %dma_start3A_402 = arith.constant 0 : i32
      %dma_start3A_403 = tpu.memref_slice %arg4[%add3A_400, %dma_start3A_402] : memref<819200x64xf32, #tpu.memory_space<hbm>> -> memref<128x64xf32, #tpu.memory_space<hbm>>
      %dma_start3A_404 = tpu.memref_slice %arg15[%dma_start3A_401] : memref<8x!tpu.dma_semaphore, #tpu.memory_space<semaphore_mem>> -> memref<1x!tpu.dma_semaphore, #tpu.memory_space<semaphore_mem>>
      %dma_start3A_405 = tpu.memref_squeeze %dma_start3A_404 : memref<1x!tpu.dma_semaphore, #tpu.memory_space<semaphore_mem>> -> memref<!tpu.dma_semaphore, #tpu.memory_space<semaphore_mem>>
      %dma_start3A_406 = arith.constant 0 : i32
      %dma_start3A_407 = tpu.memref_slice %arg4[%add3A_400, %dma_start3A_406] : memref<819200x64xf32, #tpu.memory_space<hbm>> -> memref<128x64xf32, #tpu.memory_space<hbm>>
      tpu.enqueue_dma source(%arg11 : memref<128x64xf32, #tpu.memory_space<vmem>>) target(%dma_start3A_407 : memref<128x64xf32, #tpu.memory_space<hbm>>) target_semaphore(%dma_start3A_405 : memref<!tpu.dma_semaphore, #tpu.memory_space<semaphore_mem>>)
      %sub3A_408 = arith.constant 4 : i32
      %sub3A_409 = arith.subi %add3A_383, %sub3A_408 : i32
      %mul3A_410 = arith.constant 128 : i32
      %mul3A_411 = arith.muli %sub3A_409, %mul3A_410 : i32
      %add3A_412 = arith.addi %mul3A_2, %mul3A_411 : i32
      %dma_wait3A_413 = arith.constant 1 : i32
      %dma_wait3A_414 = arith.constant 0 : i32
      %dma_wait3A_415 = tpu.memref_slice %arg4[%add3A_412, %dma_wait3A_414] : memref<819200x64xf32, #tpu.memory_space<hbm>> -> memref<128x64xf32, #tpu.memory_space<hbm>>
      %dma_wait3A_416 = tpu.memref_slice %arg15[%dma_wait3A_413] : memref<8x!tpu.dma_semaphore, #tpu.memory_space<semaphore_mem>> -> memref<1x!tpu.dma_semaphore, #tpu.memory_space<semaphore_mem>>
      %dma_wait3A_417 = tpu.memref_squeeze %dma_wait3A_416 : memref<1x!tpu.dma_semaphore, #tpu.memory_space<semaphore_mem>> -> memref<!tpu.dma_semaphore, #tpu.memory_space<semaphore_mem>>
      %dma_wait3A_418 = arith.constant 0 : i32
      %dma_wait3A_419 = tpu.memref_slice %arg4[%add3A_412, %dma_wait3A_418] : memref<819200x64xf32, #tpu.memory_space<hbm>> -> memref<128x64xf32, #tpu.memory_space<hbm>>
      tpu.wait_dma2 semaphore(%dma_wait3A_417 : memref<!tpu.dma_semaphore, #tpu.memory_space<semaphore_mem>>) src(%arg7 : memref<128x64xf32, #tpu.memory_space<vmem>>) dst(%dma_wait3A_419 : memref<128x64xf32, #tpu.memory_space<hbm>>)
      %add3A_420 = arith.constant 4 : i32
      %add3A_421 = arith.addi %add3A_383, %add3A_420 : i32
      %mul3A_422 = arith.constant 128 : i32
      %mul3A_423 = arith.muli %add3A_421, %mul3A_422 : i32
      %dma_start3A_424 = arith.constant 1 : i32
      %dma_start3A_425 = tpu.memref_slice %arg5[%mul3A_423] : memref<25600xi32, #tpu.memory_space<vmem>> -> memref<128xi32, #tpu.memory_space<vmem>>
      %dma_start3A_426 = arith.constant 0 : i32
      %dma_start3A_427 = arith.constant 0 : i32
      %dma_start3A_428 = tpu.memref_slice %arg2[%dma_start3A_426, %dma_start3A_427] : memref<1000000x64xf32, #tpu.memory_space<hbm>> -> memref<1000000x64xf32, #tpu.memory_space<hbm>>
      %dma_start3A_429 = tpu.memref_slice %arg14[%dma_start3A_424] : memref<8x!tpu.dma_semaphore, #tpu.memory_space<semaphore_mem>> -> memref<1x!tpu.dma_semaphore, #tpu.memory_space<semaphore_mem>>
      %dma_start3A_430 = tpu.memref_squeeze %dma_start3A_429 : memref<1x!tpu.dma_semaphore, #tpu.memory_space<semaphore_mem>> -> memref<!tpu.dma_semaphore, #tpu.memory_space<semaphore_mem>>
      tpu.enqueue_indirect_dma source(%dma_start3A_428 : memref<1000000x64xf32, #tpu.memory_space<hbm>>) target(%arg7 : memref<128x64xf32, #tpu.memory_space<vmem>>) offsets(%dma_start3A_425 : memref<128xi32, #tpu.memory_space<vmem>>) semaphore(%dma_start3A_430 : memref<!tpu.dma_semaphore, #tpu.memory_space<semaphore_mem>>)
      %mul3A_431 = arith.constant 8 : i32
      %mul3A_432 = arith.muli %add3A_325, %mul3A_431 : i32
      %add3A_433 = arith.constant 4 : i32
      %add3A_434 = arith.addi %add3A_433, %mul3A_432 : i32
      %add3A_435 = arith.constant 2 : i32
      %add3A_436 = arith.addi %add3A_434, %add3A_435 : i32
      %mul3A_437 = arith.constant 128 : i32
      %mul3A_438 = arith.muli %add3A_436, %mul3A_437 : i32
      %dma_wait3A_439 = arith.constant 6 : i32
      %dma_wait3A_440 = tpu.memref_slice %arg5[%mul3A_438] : memref<25600xi32, #tpu.memory_space<vmem>> -> memref<128xi32, #tpu.memory_space<vmem>>
      %dma_wait3A_441 = arith.constant 0 : i32
      %dma_wait3A_442 = arith.constant 0 : i32
      %dma_wait3A_443 = tpu.memref_slice %arg2[%dma_wait3A_441, %dma_wait3A_442] : memref<1000000x64xf32, #tpu.memory_space<hbm>> -> memref<1000000x64xf32, #tpu.memory_space<hbm>>
      %dma_wait3A_444 = tpu.memref_slice %arg14[%dma_wait3A_439] : memref<8x!tpu.dma_semaphore, #tpu.memory_space<semaphore_mem>> -> memref<1x!tpu.dma_semaphore, #tpu.memory_space<semaphore_mem>>
      %dma_wait3A_445 = tpu.memref_squeeze %dma_wait3A_444 : memref<1x!tpu.dma_semaphore, #tpu.memory_space<semaphore_mem>> -> memref<!tpu.dma_semaphore, #tpu.memory_space<semaphore_mem>>
      tpu.wait_indirect_dma semaphore(%dma_wait3A_445 : memref<!tpu.dma_semaphore, #tpu.memory_space<semaphore_mem>>) src(%dma_wait3A_443 : memref<1000000x64xf32, #tpu.memory_space<hbm>>) dst(%arg12 : memref<128x64xf32, #tpu.memory_space<vmem>>)
      %scan3A_446 = arith.constant 0 : i32
      %scan3A_447 = arith.constant 128 : i32
      %scan3A_448 = arith.addi %scan3A_446, %scan3A_447 : i32
      %scan3A_449 = arith.constant 1 : i32
      scf.for %scan3A_749 = %scan3A_446 to %scan3A_448 step %scan3A_449  : i32 {
        %mul3A_750 = arith.constant 1 : i32
        %mul3A_751 = arith.muli %scan3A_749, %mul3A_750 : i32
        %add3A_752 = arith.constant 0 : i32
        %add3A_753 = arith.addi %add3A_752, %mul3A_751 : i32
        %get3A = arith.index_cast %add3A_753 : i32 to index
        %get3A_754 = arith.constant 0 : index
        %get3A_755 = tpu.vector_load %arg12[%get3A, %get3A_754] {strides = array<i32>} : memref<128x64xf32, #tpu.memory_space<vmem>>, vector<1x16xf32>,
        %get3A_756 = vector.shape_cast %get3A_755 : vector<1x16xf32> to vector<16xf32>
        %mul3A_757 = arith.constant 8.000000e+00 : f32
        %mul3A_758 = vector.broadcast %mul3A_757 : f32 to vector<16xf32>
        %mul3A_759 = arith.mulf %get3A_756, %mul3A_758 : vector<16xf32>
        %swap3A = arith.index_cast %add3A_753 : i32 to index
        %swap3A_760 = arith.constant 0 : index
        %swap3A_761 = tpu.vector_load %arg12[%swap3A, %swap3A_760] {strides = array<i32>} : memref<128x64xf32, #tpu.memory_space<vmem>>, vector<1x16xf32>,
        %swap3A_762 = vector.shape_cast %swap3A_761 : vector<1x16xf32> to vector<16xf32>
        %swap3A_763 = vector.shape_cast %mul3A_759 : vector<16xf32> to vector<1x16xf32>
        tpu.vector_store %arg12[%swap3A, %swap3A_760], %swap3A_763 {strides = array<i32>} : memref<128x64xf32, #tpu.memory_space<vmem>>, vector<1x16xf32>,
        %get3A_764 = arith.index_cast %add3A_753 : i32 to index
        %get3A_765 = arith.constant 16 : index
        %get3A_766 = tpu.vector_load %arg12[%get3A_764, %get3A_765] {strides = array<i32>} : memref<128x64xf32, #tpu.memory_space<vmem>>, vector<1x16xf32>,
        %get3A_767 = vector.shape_cast %get3A_766 : vector<1x16xf32> to vector<16xf32>
        %mul3A_768 = arith.constant 8.000000e+00 : f32
        %mul3A_769 = vector.broadcast %mul3A_768 : f32 to vector<16xf32>
        %mul3A_770 = arith.mulf %get3A_767, %mul3A_769 : vector<16xf32>
        %swap3A_771 = arith.index_cast %add3A_753 : i32 to index
        %swap3A_772 = arith.constant 16 : index
        %swap3A_773 = tpu.vector_load %arg12[%swap3A_771, %swap3A_772] {strides = array<i32>} : memref<128x64xf32, #tpu.memory_space<vmem>>, vector<1x16xf32>,
        %swap3A_774 = vector.shape_cast %swap3A_773 : vector<1x16xf32> to vector<16xf32>
        %swap3A_775 = vector.shape_cast %mul3A_770 : vector<16xf32> to vector<1x16xf32>
        tpu.vector_store %arg12[%swap3A_771, %swap3A_772], %swap3A_775 {strides = array<i32>} : memref<128x64xf32, #tpu.memory_space<vmem>>, vector<1x16xf32>,
        %get3A_776 = arith.index_cast %add3A_753 : i32 to index
        %get3A_777 = arith.constant 32 : index
        %get3A_778 = tpu.vector_load %arg12[%get3A_776, %get3A_777] {strides = array<i32>} : memref<128x64xf32, #tpu.memory_space<vmem>>, vector<1x16xf32>,
        %get3A_779 = vector.shape_cast %get3A_778 : vector<1x16xf32> to vector<16xf32>
        %mul3A_780 = arith.constant 8.000000e+00 : f32
        %mul3A_781 = vector.broadcast %mul3A_780 : f32 to vector<16xf32>
        %mul3A_782 = arith.mulf %get3A_779, %mul3A_781 : vector<16xf32>
        %swap3A_783 = arith.index_cast %add3A_753 : i32 to index
        %swap3A_784 = arith.constant 32 : index
        %swap3A_785 = tpu.vector_load %arg12[%swap3A_783, %swap3A_784] {strides = array<i32>} : memref<128x64xf32, #tpu.memory_space<vmem>>, vector<1x16xf32>,
        %swap3A_786 = vector.shape_cast %swap3A_785 : vector<1x16xf32> to vector<16xf32>
        %swap3A_787 = vector.shape_cast %mul3A_782 : vector<16xf32> to vector<1x16xf32>
        tpu.vector_store %arg12[%swap3A_783, %swap3A_784], %swap3A_787 {strides = array<i32>} : memref<128x64xf32, #tpu.memory_space<vmem>>, vector<1x16xf32>,
        %get3A_788 = arith.index_cast %add3A_753 : i32 to index
        %get3A_789 = arith.constant 48 : index
        %get3A_790 = tpu.vector_load %arg12[%get3A_788, %get3A_789] {strides = array<i32>} : memref<128x64xf32, #tpu.memory_space<vmem>>, vector<1x16xf32>,
        %get3A_791 = vector.shape_cast %get3A_790 : vector<1x16xf32> to vector<16xf32>
        %mul3A_792 = arith.constant 8.000000e+00 : f32
        %mul3A_793 = vector.broadcast %mul3A_792 : f32 to vector<16xf32>
        %mul3A_794 = arith.mulf %get3A_791, %mul3A_793 : vector<16xf32>
        %swap3A_795 = arith.index_cast %add3A_753 : i32 to index
        %swap3A_796 = arith.constant 48 : index
        %swap3A_797 = tpu.vector_load %arg12[%swap3A_795, %swap3A_796] {strides = array<i32>} : memref<128x64xf32, #tpu.memory_space<vmem>>, vector<1x16xf32>,
        %swap3A_798 = vector.shape_cast %swap3A_797 : vector<1x16xf32> to vector<16xf32>
        %swap3A_799 = vector.shape_cast %mul3A_794 : vector<16xf32> to vector<1x16xf32>
        tpu.vector_store %arg12[%swap3A_795, %swap3A_796], %swap3A_799 {strides = array<i32>} : memref<128x64xf32, #tpu.memory_space<vmem>>, vector<1x16xf32>,
      }
      %scan3A_450 = arith.constant 128 : i32
      %mul3A_451 = arith.constant 128 : i32
      %mul3A_452 = arith.muli %add3A_436, %mul3A_451 : i32
      %add3A_453 = arith.addi %mul3A_2, %mul3A_452 : i32
      %dma_start3A_454 = arith.constant 6 : i32
      %dma_start3A_455 = arith.constant 0 : i32
      %dma_start3A_456 = tpu.memref_slice %arg4[%add3A_453, %dma_start3A_455] : memref<819200x64xf32, #tpu.memory_space<hbm>> -> memref<128x64xf32, #tpu.memory_space<hbm>>
      %dma_start3A_457 = tpu.memref_slice %arg15[%dma_start3A_454] : memref<8x!tpu.dma_semaphore, #tpu.memory_space<semaphore_mem>> -> memref<1x!tpu.dma_semaphore, #tpu.memory_space<semaphore_mem>>
      %dma_start3A_458 = tpu.memref_squeeze %dma_start3A_457 : memref<1x!tpu.dma_semaphore, #tpu.memory_space<semaphore_mem>> -> memref<!tpu.dma_semaphore, #tpu.memory_space<semaphore_mem>>
      %dma_start3A_459 = arith.constant 0 : i32
      %dma_start3A_460 = tpu.memref_slice %arg4[%add3A_453, %dma_start3A_459] : memref<819200x64xf32, #tpu.memory_space<hbm>> -> memref<128x64xf32, #tpu.memory_space<hbm>>
      tpu.enqueue_dma source(%arg12 : memref<128x64xf32, #tpu.memory_space<vmem>>) target(%dma_start3A_460 : memref<128x64xf32, #tpu.memory_space<hbm>>) target_semaphore(%dma_start3A_458 : memref<!tpu.dma_semaphore, #tpu.memory_space<semaphore_mem>>)
      %sub3A_461 = arith.constant 4 : i32
      %sub3A_462 = arith.subi %add3A_436, %sub3A_461 : i32
      %mul3A_463 = arith.constant 128 : i32
      %mul3A_464 = arith.muli %sub3A_462, %mul3A_463 : i32
      %add3A_465 = arith.addi %mul3A_2, %mul3A_464 : i32
      %dma_wait3A_466 = arith.constant 2 : i32
      %dma_wait3A_467 = arith.constant 0 : i32
      %dma_wait3A_468 = tpu.memref_slice %arg4[%add3A_465, %dma_wait3A_467] : memref<819200x64xf32, #tpu.memory_space<hbm>> -> memref<128x64xf32, #tpu.memory_space<hbm>>
      %dma_wait3A_469 = tpu.memref_slice %arg15[%dma_wait3A_466] : memref<8x!tpu.dma_semaphore, #tpu.memory_space<semaphore_mem>> -> memref<1x!tpu.dma_semaphore, #tpu.memory_space<semaphore_mem>>
      %dma_wait3A_470 = tpu.memref_squeeze %dma_wait3A_469 : memref<1x!tpu.dma_semaphore, #tpu.memory_space<semaphore_mem>> -> memref<!tpu.dma_semaphore, #tpu.memory_space<semaphore_mem>>
      %dma_wait3A_471 = arith.constant 0 : i32
      %dma_wait3A_472 = tpu.memref_slice %arg4[%add3A_465, %dma_wait3A_471] : memref<819200x64xf32, #tpu.memory_space<hbm>> -> memref<128x64xf32, #tpu.memory_space<hbm>>
      tpu.wait_dma2 semaphore(%dma_wait3A_470 : memref<!tpu.dma_semaphore, #tpu.memory_space<semaphore_mem>>) src(%arg8 : memref<128x64xf32, #tpu.memory_space<vmem>>) dst(%dma_wait3A_472 : memref<128x64xf32, #tpu.memory_space<hbm>>)
      %add3A_473 = arith.constant 4 : i32
      %add3A_474 = arith.addi %add3A_436, %add3A_473 : i32
      %mul3A_475 = arith.constant 128 : i32
      %mul3A_476 = arith.muli %add3A_474, %mul3A_475 : i32
      %dma_start3A_477 = arith.constant 2 : i32
      %dma_start3A_478 = tpu.memref_slice %arg5[%mul3A_476] : memref<25600xi32, #tpu.memory_space<vmem>> -> memref<128xi32, #tpu.memory_space<vmem>>
      %dma_start3A_479 = arith.constant 0 : i32
      %dma_start3A_480 = arith.constant 0 : i32
      %dma_start3A_481 = tpu.memref_slice %arg2[%dma_start3A_479, %dma_start3A_480] : memref<1000000x64xf32, #tpu.memory_space<hbm>> -> memref<1000000x64xf32, #tpu.memory_space<hbm>>
      %dma_start3A_482 = tpu.memref_slice %arg14[%dma_start3A_477] : memref<8x!tpu.dma_semaphore, #tpu.memory_space<semaphore_mem>> -> memref<1x!tpu.dma_semaphore, #tpu.memory_space<semaphore_mem>>
      %dma_start3A_483 = tpu.memref_squeeze %dma_start3A_482 : memref<1x!tpu.dma_semaphore, #tpu.memory_space<semaphore_mem>> -> memref<!tpu.dma_semaphore, #tpu.memory_space<semaphore_mem>>
      tpu.enqueue_indirect_dma source(%dma_start3A_481 : memref<1000000x64xf32, #tpu.memory_space<hbm>>) target(%arg8 : memref<128x64xf32, #tpu.memory_space<vmem>>) offsets(%dma_start3A_478 : memref<128xi32, #tpu.memory_space<vmem>>) semaphore(%dma_start3A_483 : memref<!tpu.dma_semaphore, #tpu.memory_space<semaphore_mem>>)
      %mul3A_484 = arith.constant 8 : i32
      %mul3A_485 = arith.muli %add3A_325, %mul3A_484 : i32
      %add3A_486 = arith.constant 4 : i32
      %add3A_487 = arith.addi %add3A_486, %mul3A_485 : i32
      %add3A_488 = arith.constant 3 : i32
      %add3A_489 = arith.addi %add3A_487, %add3A_488 : i32
      %mul3A_490 = arith.constant 128 : i32
      %mul3A_491 = arith.muli %add3A_489, %mul3A_490 : i32
      %dma_wait3A_492 = arith.constant 7 : i32
      %dma_wait3A_493 = tpu.memref_slice %arg5[%mul3A_491] : memref<25600xi32, #tpu.memory_space<vmem>> -> memref<128xi32, #tpu.memory_space<vmem>>
      %dma_wait3A_494 = arith.constant 0 : i32
      %dma_wait3A_495 = arith.constant 0 : i32
      %dma_wait3A_496 = tpu.memref_slice %arg2[%dma_wait3A_494, %dma_wait3A_495] : memref<1000000x64xf32, #tpu.memory_space<hbm>> -> memref<1000000x64xf32, #tpu.memory_space<hbm>>
      %dma_wait3A_497 = tpu.memref_slice %arg14[%dma_wait3A_492] : memref<8x!tpu.dma_semaphore, #tpu.memory_space<semaphore_mem>> -> memref<1x!tpu.dma_semaphore, #tpu.memory_space<semaphore_mem>>
      %dma_wait3A_498 = tpu.memref_squeeze %dma_wait3A_497 : memref<1x!tpu.dma_semaphore, #tpu.memory_space<semaphore_mem>> -> memref<!tpu.dma_semaphore, #tpu.memory_space<semaphore_mem>>
      tpu.wait_indirect_dma semaphore(%dma_wait3A_498 : memref<!tpu.dma_semaphore, #tpu.memory_space<semaphore_mem>>) src(%dma_wait3A_496 : memref<1000000x64xf32, #tpu.memory_space<hbm>>) dst(%arg13 : memref<128x64xf32, #tpu.memory_space<vmem>>)
      %scan3A_499 = arith.constant 0 : i32
      %scan3A_500 = arith.constant 128 : i32
      %scan3A_501 = arith.addi %scan3A_499, %scan3A_500 : i32
      %scan3A_502 = arith.constant 1 : i32
      scf.for %scan3A_749 = %scan3A_499 to %scan3A_501 step %scan3A_502  : i32 {
        %mul3A_750 = arith.constant 1 : i32
        %mul3A_751 = arith.muli %scan3A_749, %mul3A_750 : i32
        %add3A_752 = arith.constant 0 : i32
        %add3A_753 = arith.addi %add3A_752, %mul3A_751 : i32
        %get3A = arith.index_cast %add3A_753 : i32 to index
        %get3A_754 = arith.constant 0 : index
        %get3A_755 = tpu.vector_load %arg13[%get3A, %get3A_754] {strides = array<i32>} : memref<128x64xf32, #tpu.memory_space<vmem>>, vector<1x16xf32>,
        %get3A_756 = vector.shape_cast %get3A_755 : vector<1x16xf32> to vector<16xf32>
        %mul3A_757 = arith.constant 8.000000e+00 : f32
        %mul3A_758 = vector.broadcast %mul3A_757 : f32 to vector<16xf32>
        %mul3A_759 = arith.mulf %get3A_756, %mul3A_758 : vector<16xf32>
        %swap3A = arith.index_cast %add3A_753 : i32 to index
        %swap3A_760 = arith.constant 0 : index
        %swap3A_761 = tpu.vector_load %arg13[%swap3A, %swap3A_760] {strides = array<i32>} : memref<128x64xf32, #tpu.memory_space<vmem>>, vector<1x16xf32>,
        %swap3A_762 = vector.shape_cast %swap3A_761 : vector<1x16xf32> to vector<16xf32>
        %swap3A_763 = vector.shape_cast %mul3A_759 : vector<16xf32> to vector<1x16xf32>
        tpu.vector_store %arg13[%swap3A, %swap3A_760], %swap3A_763 {strides = array<i32>} : memref<128x64xf32, #tpu.memory_space<vmem>>, vector<1x16xf32>,
        %get3A_764 = arith.index_cast %add3A_753 : i32 to index
        %get3A_765 = arith.constant 16 : index
        %get3A_766 = tpu.vector_load %arg13[%get3A_764, %get3A_765] {strides = array<i32>} : memref<128x64xf32, #tpu.memory_space<vmem>>, vector<1x16xf32>,
        %get3A_767 = vector.shape_cast %get3A_766 : vector<1x16xf32> to vector<16xf32>
        %mul3A_768 = arith.constant 8.000000e+00 : f32
        %mul3A_769 = vector.broadcast %mul3A_768 : f32 to vector<16xf32>
        %mul3A_770 = arith.mulf %get3A_767, %mul3A_769 : vector<16xf32>
        %swap3A_771 = arith.index_cast %add3A_753 : i32 to index
        %swap3A_772 = arith.constant 16 : index
        %swap3A_773 = tpu.vector_load %arg13[%swap3A_771, %swap3A_772] {strides = array<i32>} : memref<128x64xf32, #tpu.memory_space<vmem>>, vector<1x16xf32>,
        %swap3A_774 = vector.shape_cast %swap3A_773 : vector<1x16xf32> to vector<16xf32>
        %swap3A_775 = vector.shape_cast %mul3A_770 : vector<16xf32> to vector<1x16xf32>
        tpu.vector_store %arg13[%swap3A_771, %swap3A_772], %swap3A_775 {strides = array<i32>} : memref<128x64xf32, #tpu.memory_space<vmem>>, vector<1x16xf32>,
        %get3A_776 = arith.index_cast %add3A_753 : i32 to index
        %get3A_777 = arith.constant 32 : index
        %get3A_778 = tpu.vector_load %arg13[%get3A_776, %get3A_777] {strides = array<i32>} : memref<128x64xf32, #tpu.memory_space<vmem>>, vector<1x16xf32>,
        %get3A_779 = vector.shape_cast %get3A_778 : vector<1x16xf32> to vector<16xf32>
        %mul3A_780 = arith.constant 8.000000e+00 : f32
        %mul3A_781 = vector.broadcast %mul3A_780 : f32 to vector<16xf32>
        %mul3A_782 = arith.mulf %get3A_779, %mul3A_781 : vector<16xf32>
        %swap3A_783 = arith.index_cast %add3A_753 : i32 to index
        %swap3A_784 = arith.constant 32 : index
        %swap3A_785 = tpu.vector_load %arg13[%swap3A_783, %swap3A_784] {strides = array<i32>} : memref<128x64xf32, #tpu.memory_space<vmem>>, vector<1x16xf32>,
        %swap3A_786 = vector.shape_cast %swap3A_785 : vector<1x16xf32> to vector<16xf32>
        %swap3A_787 = vector.shape_cast %mul3A_782 : vector<16xf32> to vector<1x16xf32>
        tpu.vector_store %arg13[%swap3A_783, %swap3A_784], %swap3A_787 {strides = array<i32>} : memref<128x64xf32, #tpu.memory_space<vmem>>, vector<1x16xf32>,
        %get3A_788 = arith.index_cast %add3A_753 : i32 to index
        %get3A_789 = arith.constant 48 : index
        %get3A_790 = tpu.vector_load %arg13[%get3A_788, %get3A_789] {strides = array<i32>} : memref<128x64xf32, #tpu.memory_space<vmem>>, vector<1x16xf32>,
        %get3A_791 = vector.shape_cast %get3A_790 : vector<1x16xf32> to vector<16xf32>
        %mul3A_792 = arith.constant 8.000000e+00 : f32
        %mul3A_793 = vector.broadcast %mul3A_792 : f32 to vector<16xf32>
        %mul3A_794 = arith.mulf %get3A_791, %mul3A_793 : vector<16xf32>
        %swap3A_795 = arith.index_cast %add3A_753 : i32 to index
        %swap3A_796 = arith.constant 48 : index
        %swap3A_797 = tpu.vector_load %arg13[%swap3A_795, %swap3A_796] {strides = array<i32>} : memref<128x64xf32, #tpu.memory_space<vmem>>, vector<1x16xf32>,
        %swap3A_798 = vector.shape_cast %swap3A_797 : vector<1x16xf32> to vector<16xf32>
        %swap3A_799 = vector.shape_cast %mul3A_794 : vector<16xf32> to vector<1x16xf32>
        tpu.vector_store %arg13[%swap3A_795, %swap3A_796], %swap3A_799 {strides = array<i32>} : memref<128x64xf32, #tpu.memory_space<vmem>>, vector<1x16xf32>,
      }
      %scan3A_503 = arith.constant 128 : i32
      %mul3A_504 = arith.constant 128 : i32
      %mul3A_505 = arith.muli %add3A_489, %mul3A_504 : i32
      %add3A_506 = arith.addi %mul3A_2, %mul3A_505 : i32
      %dma_start3A_507 = arith.constant 7 : i32
      %dma_start3A_508 = arith.constant 0 : i32
      %dma_start3A_509 = tpu.memref_slice %arg4[%add3A_506, %dma_start3A_508] : memref<819200x64xf32, #tpu.memory_space<hbm>> -> memref<128x64xf32, #tpu.memory_space<hbm>>
      %dma_start3A_510 = tpu.memref_slice %arg15[%dma_start3A_507] : memref<8x!tpu.dma_semaphore, #tpu.memory_space<semaphore_mem>> -> memref<1x!tpu.dma_semaphore, #tpu.memory_space<semaphore_mem>>
      %dma_start3A_511 = tpu.memref_squeeze %dma_start3A_510 : memref<1x!tpu.dma_semaphore, #tpu.memory_space<semaphore_mem>> -> memref<!tpu.dma_semaphore, #tpu.memory_space<semaphore_mem>>
      %dma_start3A_512 = arith.constant 0 : i32
      %dma_start3A_513 = tpu.memref_slice %arg4[%add3A_506, %dma_start3A_512] : memref<819200x64xf32, #tpu.memory_space<hbm>> -> memref<128x64xf32, #tpu.memory_space<hbm>>
      tpu.enqueue_dma source(%arg13 : memref<128x64xf32, #tpu.memory_space<vmem>>) target(%dma_start3A_513 : memref<128x64xf32, #tpu.memory_space<hbm>>) target_semaphore(%dma_start3A_511 : memref<!tpu.dma_semaphore, #tpu.memory_space<semaphore_mem>>)
      %sub3A_514 = arith.constant 4 : i32
      %sub3A_515 = arith.subi %add3A_489, %sub3A_514 : i32
      %mul3A_516 = arith.constant 128 : i32
      %mul3A_517 = arith.muli %sub3A_515, %mul3A_516 : i32
      %add3A_518 = arith.addi %mul3A_2, %mul3A_517 : i32
      %dma_wait3A_519 = arith.constant 3 : i32
      %dma_wait3A_520 = arith.constant 0 : i32
      %dma_wait3A_521 = tpu.memref_slice %arg4[%add3A_518, %dma_wait3A_520] : memref<819200x64xf32, #tpu.memory_space<hbm>> -> memref<128x64xf32, #tpu.memory_space<hbm>>
      %dma_wait3A_522 = tpu.memref_slice %arg15[%dma_wait3A_519] : memref<8x!tpu.dma_semaphore, #tpu.memory_space<semaphore_mem>> -> memref<1x!tpu.dma_semaphore, #tpu.memory_space<semaphore_mem>>
      %dma_wait3A_523 = tpu.memref_squeeze %dma_wait3A_522 : memref<1x!tpu.dma_semaphore, #tpu.memory_space<semaphore_mem>> -> memref<!tpu.dma_semaphore, #tpu.memory_space<semaphore_mem>>
      %dma_wait3A_524 = arith.constant 0 : i32
      %dma_wait3A_525 = tpu.memref_slice %arg4[%add3A_518, %dma_wait3A_524] : memref<819200x64xf32, #tpu.memory_space<hbm>> -> memref<128x64xf32, #tpu.memory_space<hbm>>
      tpu.wait_dma2 semaphore(%dma_wait3A_523 : memref<!tpu.dma_semaphore, #tpu.memory_space<semaphore_mem>>) src(%arg9 : memref<128x64xf32, #tpu.memory_space<vmem>>) dst(%dma_wait3A_525 : memref<128x64xf32, #tpu.memory_space<hbm>>)
      %add3A_526 = arith.constant 4 : i32
      %add3A_527 = arith.addi %add3A_489, %add3A_526 : i32
      %mul3A_528 = arith.constant 128 : i32
      %mul3A_529 = arith.muli %add3A_527, %mul3A_528 : i32
      %dma_start3A_530 = arith.constant 3 : i32
      %dma_start3A_531 = tpu.memref_slice %arg5[%mul3A_529] : memref<25600xi32, #tpu.memory_space<vmem>> -> memref<128xi32, #tpu.memory_space<vmem>>
      %dma_start3A_532 = arith.constant 0 : i32
      %dma_start3A_533 = arith.constant 0 : i32
      %dma_start3A_534 = tpu.memref_slice %arg2[%dma_start3A_532, %dma_start3A_533] : memref<1000000x64xf32, #tpu.memory_space<hbm>> -> memref<1000000x64xf32, #tpu.memory_space<hbm>>
      %dma_start3A_535 = tpu.memref_slice %arg14[%dma_start3A_530] : memref<8x!tpu.dma_semaphore, #tpu.memory_space<semaphore_mem>> -> memref<1x!tpu.dma_semaphore, #tpu.memory_space<semaphore_mem>>
      %dma_start3A_536 = tpu.memref_squeeze %dma_start3A_535 : memref<1x!tpu.dma_semaphore, #tpu.memory_space<semaphore_mem>> -> memref<!tpu.dma_semaphore, #tpu.memory_space<semaphore_mem>>
      tpu.enqueue_indirect_dma source(%dma_start3A_534 : memref<1000000x64xf32, #tpu.memory_space<hbm>>) target(%arg9 : memref<128x64xf32, #tpu.memory_space<vmem>>) offsets(%dma_start3A_531 : memref<128xi32, #tpu.memory_space<vmem>>) semaphore(%dma_start3A_536 : memref<!tpu.dma_semaphore, #tpu.memory_space<semaphore_mem>>)
      %mul3A_537 = arith.constant 8 : i32
      %mul3A_538 = arith.muli %add3A_325, %mul3A_537 : i32
      %add3A_539 = arith.constant 4 : i32
      %add3A_540 = arith.addi %add3A_539, %mul3A_538 : i32
      %add3A_541 = arith.constant 4 : i32
      %add3A_542 = arith.addi %add3A_540, %add3A_541 : i32
      %mul3A_543 = arith.constant 128 : i32
      %mul3A_544 = arith.muli %add3A_542, %mul3A_543 : i32
      %dma_wait3A_545 = arith.constant 0 : i32
      %dma_wait3A_546 = tpu.memref_slice %arg5[%mul3A_544] : memref<25600xi32, #tpu.memory_space<vmem>> -> memref<128xi32, #tpu.memory_space<vmem>>
      %dma_wait3A_547 = arith.constant 0 : i32
      %dma_wait3A_548 = arith.constant 0 : i32
      %dma_wait3A_549 = tpu.memref_slice %arg2[%dma_wait3A_547, %dma_wait3A_548] : memref<1000000x64xf32, #tpu.memory_space<hbm>> -> memref<1000000x64xf32, #tpu.memory_space<hbm>>
      %dma_wait3A_550 = tpu.memref_slice %arg14[%dma_wait3A_545] : memref<8x!tpu.dma_semaphore, #tpu.memory_space<semaphore_mem>> -> memref<1x!tpu.dma_semaphore, #tpu.memory_space<semaphore_mem>>
      %dma_wait3A_551 = tpu.memref_squeeze %dma_wait3A_550 : memref<1x!tpu.dma_semaphore, #tpu.memory_space<semaphore_mem>> -> memref<!tpu.dma_semaphore, #tpu.memory_space<semaphore_mem>>
      tpu.wait_indirect_dma semaphore(%dma_wait3A_551 : memref<!tpu.dma_semaphore, #tpu.memory_space<semaphore_mem>>) src(%dma_wait3A_549 : memref<1000000x64xf32, #tpu.memory_space<hbm>>) dst(%arg6 : memref<128x64xf32, #tpu.memory_space<vmem>>)
      %scan3A_552 = arith.constant 0 : i32
      %scan3A_553 = arith.constant 128 : i32
      %scan3A_554 = arith.addi %scan3A_552, %scan3A_553 : i32
      %scan3A_555 = arith.constant 1 : i32
      scf.for %scan3A_749 = %scan3A_552 to %scan3A_554 step %scan3A_555  : i32 {
        %mul3A_750 = arith.constant 1 : i32
        %mul3A_751 = arith.muli %scan3A_749, %mul3A_750 : i32
        %add3A_752 = arith.constant 0 : i32
        %add3A_753 = arith.addi %add3A_752, %mul3A_751 : i32
        %get3A = arith.index_cast %add3A_753 : i32 to index
        %get3A_754 = arith.constant 0 : index
        %get3A_755 = tpu.vector_load %arg6[%get3A, %get3A_754] {strides = array<i32>} : memref<128x64xf32, #tpu.memory_space<vmem>>, vector<1x16xf32>,
        %get3A_756 = vector.shape_cast %get3A_755 : vector<1x16xf32> to vector<16xf32>
        %mul3A_757 = arith.constant 8.000000e+00 : f32
        %mul3A_758 = vector.broadcast %mul3A_757 : f32 to vector<16xf32>
        %mul3A_759 = arith.mulf %get3A_756, %mul3A_758 : vector<16xf32>
        %swap3A = arith.index_cast %add3A_753 : i32 to index
        %swap3A_760 = arith.constant 0 : index
        %swap3A_761 = tpu.vector_load %arg6[%swap3A, %swap3A_760] {strides = array<i32>} : memref<128x64xf32, #tpu.memory_space<vmem>>, vector<1x16xf32>,
        %swap3A_762 = vector.shape_cast %swap3A_761 : vector<1x16xf32> to vector<16xf32>
        %swap3A_763 = vector.shape_cast %mul3A_759 : vector<16xf32> to vector<1x16xf32>
        tpu.vector_store %arg6[%swap3A, %swap3A_760], %swap3A_763 {strides = array<i32>} : memref<128x64xf32, #tpu.memory_space<vmem>>, vector<1x16xf32>,
        %get3A_764 = arith.index_cast %add3A_753 : i32 to index
        %get3A_765 = arith.constant 16 : index
        %get3A_766 = tpu.vector_load %arg6[%get3A_764, %get3A_765] {strides = array<i32>} : memref<128x64xf32, #tpu.memory_space<vmem>>, vector<1x16xf32>,
        %get3A_767 = vector.shape_cast %get3A_766 : vector<1x16xf32> to vector<16xf32>
        %mul3A_768 = arith.constant 8.000000e+00 : f32
        %mul3A_769 = vector.broadcast %mul3A_768 : f32 to vector<16xf32>
        %mul3A_770 = arith.mulf %get3A_767, %mul3A_769 : vector<16xf32>
        %swap3A_771 = arith.index_cast %add3A_753 : i32 to index
        %swap3A_772 = arith.constant 16 : index
        %swap3A_773 = tpu.vector_load %arg6[%swap3A_771, %swap3A_772] {strides = array<i32>} : memref<128x64xf32, #tpu.memory_space<vmem>>, vector<1x16xf32>,
        %swap3A_774 = vector.shape_cast %swap3A_773 : vector<1x16xf32> to vector<16xf32>
        %swap3A_775 = vector.shape_cast %mul3A_770 : vector<16xf32> to vector<1x16xf32>
        tpu.vector_store %arg6[%swap3A_771, %swap3A_772], %swap3A_775 {strides = array<i32>} : memref<128x64xf32, #tpu.memory_space<vmem>>, vector<1x16xf32>,
        %get3A_776 = arith.index_cast %add3A_753 : i32 to index
        %get3A_777 = arith.constant 32 : index
        %get3A_778 = tpu.vector_load %arg6[%get3A_776, %get3A_777] {strides = array<i32>} : memref<128x64xf32, #tpu.memory_space<vmem>>, vector<1x16xf32>,
        %get3A_779 = vector.shape_cast %get3A_778 : vector<1x16xf32> to vector<16xf32>
        %mul3A_780 = arith.constant 8.000000e+00 : f32
        %mul3A_781 = vector.broadcast %mul3A_780 : f32 to vector<16xf32>
        %mul3A_782 = arith.mulf %get3A_779, %mul3A_781 : vector<16xf32>
        %swap3A_783 = arith.index_cast %add3A_753 : i32 to index
        %swap3A_784 = arith.constant 32 : index
        %swap3A_785 = tpu.vector_load %arg6[%swap3A_783, %swap3A_784] {strides = array<i32>} : memref<128x64xf32, #tpu.memory_space<vmem>>, vector<1x16xf32>,
        %swap3A_786 = vector.shape_cast %swap3A_785 : vector<1x16xf32> to vector<16xf32>
        %swap3A_787 = vector.shape_cast %mul3A_782 : vector<16xf32> to vector<1x16xf32>
        tpu.vector_store %arg6[%swap3A_783, %swap3A_784], %swap3A_787 {strides = array<i32>} : memref<128x64xf32, #tpu.memory_space<vmem>>, vector<1x16xf32>,
        %get3A_788 = arith.index_cast %add3A_753 : i32 to index
        %get3A_789 = arith.constant 48 : index
        %get3A_790 = tpu.vector_load %arg6[%get3A_788, %get3A_789] {strides = array<i32>} : memref<128x64xf32, #tpu.memory_space<vmem>>, vector<1x16xf32>,
        %get3A_791 = vector.shape_cast %get3A_790 : vector<1x16xf32> to vector<16xf32>
        %mul3A_792 = arith.constant 8.000000e+00 : f32
        %mul3A_793 = vector.broadcast %mul3A_792 : f32 to vector<16xf32>
        %mul3A_794 = arith.mulf %get3A_791, %mul3A_793 : vector<16xf32>
        %swap3A_795 = arith.index_cast %add3A_753 : i32 to index
        %swap3A_796 = arith.constant 48 : index
        %swap3A_797 = tpu.vector_load %arg6[%swap3A_795, %swap3A_796] {strides = array<i32>} : memref<128x64xf32, #tpu.memory_space<vmem>>, vector<1x16xf32>,
        %swap3A_798 = vector.shape_cast %swap3A_797 : vector<1x16xf32> to vector<16xf32>
        %swap3A_799 = vector.shape_cast %mul3A_794 : vector<16xf32> to vector<1x16xf32>
        tpu.vector_store %arg6[%swap3A_795, %swap3A_796], %swap3A_799 {strides = array<i32>} : memref<128x64xf32, #tpu.memory_space<vmem>>, vector<1x16xf32>,
      }
      %scan3A_556 = arith.constant 128 : i32
      %mul3A_557 = arith.constant 128 : i32
      %mul3A_558 = arith.muli %add3A_542, %mul3A_557 : i32
      %add3A_559 = arith.addi %mul3A_2, %mul3A_558 : i32
      %dma_start3A_560 = arith.constant 0 : i32
      %dma_start3A_561 = arith.constant 0 : i32
      %dma_start3A_562 = tpu.memref_slice %arg4[%add3A_559, %dma_start3A_561] : memref<819200x64xf32, #tpu.memory_space<hbm>> -> memref<128x64xf32, #tpu.memory_space<hbm>>
      %dma_start3A_563 = tpu.memref_slice %arg15[%dma_start3A_560] : memref<8x!tpu.dma_semaphore, #tpu.memory_space<semaphore_mem>> -> memref<1x!tpu.dma_semaphore, #tpu.memory_space<semaphore_mem>>
      %dma_start3A_564 = tpu.memref_squeeze %dma_start3A_563 : memref<1x!tpu.dma_semaphore, #tpu.memory_space<semaphore_mem>> -> memref<!tpu.dma_semaphore, #tpu.memory_space<semaphore_mem>>
      %dma_start3A_565 = arith.constant 0 : i32
      %dma_start3A_566 = tpu.memref_slice %arg4[%add3A_559, %dma_start3A_565] : memref<819200x64xf32, #tpu.memory_space<hbm>> -> memref<128x64xf32, #tpu.memory_space<hbm>>
      tpu.enqueue_dma source(%arg6 : memref<128x64xf32, #tpu.memory_space<vmem>>) target(%dma_start3A_566 : memref<128x64xf32, #tpu.memory_space<hbm>>) target_semaphore(%dma_start3A_564 : memref<!tpu.dma_semaphore, #tpu.memory_space<semaphore_mem>>)
      %sub3A_567 = arith.constant 4 : i32
      %sub3A_568 = arith.subi %add3A_542, %sub3A_567 : i32
      %mul3A_569 = arith.constant 128 : i32
      %mul3A_570 = arith.muli %sub3A_568, %mul3A_569 : i32
      %add3A_571 = arith.addi %mul3A_2, %mul3A_570 : i32
      %dma_wait3A_572 = arith.constant 4 : i32
      %dma_wait3A_573 = arith.constant 0 : i32
      %dma_wait3A_574 = tpu.memref_slice %arg4[%add3A_571, %dma_wait3A_573] : memref<819200x64xf32, #tpu.memory_space<hbm>> -> memref<128x64xf32, #tpu.memory_space<hbm>>
      %dma_wait3A_575 = tpu.memref_slice %arg15[%dma_wait3A_572] : memref<8x!tpu.dma_semaphore, #tpu.memory_space<semaphore_mem>> -> memref<1x!tpu.dma_semaphore, #tpu.memory_space<semaphore_mem>>
      %dma_wait3A_576 = tpu.memref_squeeze %dma_wait3A_575 : memref<1x!tpu.dma_semaphore, #tpu.memory_space<semaphore_mem>> -> memref<!tpu.dma_semaphore, #tpu.memory_space<semaphore_mem>>
      %dma_wait3A_577 = arith.constant 0 : i32
      %dma_wait3A_578 = tpu.memref_slice %arg4[%add3A_571, %dma_wait3A_577] : memref<819200x64xf32, #tpu.memory_space<hbm>> -> memref<128x64xf32, #tpu.memory_space<hbm>>
      tpu.wait_dma2 semaphore(%dma_wait3A_576 : memref<!tpu.dma_semaphore, #tpu.memory_space<semaphore_mem>>) src(%arg10 : memref<128x64xf32, #tpu.memory_space<vmem>>) dst(%dma_wait3A_578 : memref<128x64xf32, #tpu.memory_space<hbm>>)
      %add3A_579 = arith.constant 4 : i32
      %add3A_580 = arith.addi %add3A_542, %add3A_579 : i32
      %mul3A_581 = arith.constant 128 : i32
      %mul3A_582 = arith.muli %add3A_580, %mul3A_581 : i32
      %dma_start3A_583 = arith.constant 4 : i32
      %dma_start3A_584 = tpu.memref_slice %arg5[%mul3A_582] : memref<25600xi32, #tpu.memory_space<vmem>> -> memref<128xi32, #tpu.memory_space<vmem>>
      %dma_start3A_585 = arith.constant 0 : i32
      %dma_start3A_586 = arith.constant 0 : i32
      %dma_start3A_587 = tpu.memref_slice %arg2[%dma_start3A_585, %dma_start3A_586] : memref<1000000x64xf32, #tpu.memory_space<hbm>> -> memref<1000000x64xf32, #tpu.memory_space<hbm>>
      %dma_start3A_588 = tpu.memref_slice %arg14[%dma_start3A_583] : memref<8x!tpu.dma_semaphore, #tpu.memory_space<semaphore_mem>> -> memref<1x!tpu.dma_semaphore, #tpu.memory_space<semaphore_mem>>
      %dma_start3A_589 = tpu.memref_squeeze %dma_start3A_588 : memref<1x!tpu.dma_semaphore, #tpu.memory_space<semaphore_mem>> -> memref<!tpu.dma_semaphore, #tpu.memory_space<semaphore_mem>>
      tpu.enqueue_indirect_dma source(%dma_start3A_587 : memref<1000000x64xf32, #tpu.memory_space<hbm>>) target(%arg10 : memref<128x64xf32, #tpu.memory_space<vmem>>) offsets(%dma_start3A_584 : memref<128xi32, #tpu.memory_space<vmem>>) semaphore(%dma_start3A_589 : memref<!tpu.dma_semaphore, #tpu.memory_space<semaphore_mem>>)
      %mul3A_590 = arith.constant 8 : i32
      %mul3A_591 = arith.muli %add3A_325, %mul3A_590 : i32
      %add3A_592 = arith.constant 4 : i32
      %add3A_593 = arith.addi %add3A_592, %mul3A_591 : i32
      %add3A_594 = arith.constant 5 : i32
      %add3A_595 = arith.addi %add3A_593, %add3A_594 : i32
      %mul3A_596 = arith.constant 128 : i32
      %mul3A_597 = arith.muli %add3A_595, %mul3A_596 : i32
      %dma_wait3A_598 = arith.constant 1 : i32
      %dma_wait3A_599 = tpu.memref_slice %arg5[%mul3A_597] : memref<25600xi32, #tpu.memory_space<vmem>> -> memref<128xi32, #tpu.memory_space<vmem>>
      %dma_wait3A_600 = arith.constant 0 : i32
      %dma_wait3A_601 = arith.constant 0 : i32
      %dma_wait3A_602 = tpu.memref_slice %arg2[%dma_wait3A_600, %dma_wait3A_601] : memref<1000000x64xf32, #tpu.memory_space<hbm>> -> memref<1000000x64xf32, #tpu.memory_space<hbm>>
      %dma_wait3A_603 = tpu.memref_slice %arg14[%dma_wait3A_598] : memref<8x!tpu.dma_semaphore, #tpu.memory_space<semaphore_mem>> -> memref<1x!tpu.dma_semaphore, #tpu.memory_space<semaphore_mem>>
      %dma_wait3A_604 = tpu.memref_squeeze %dma_wait3A_603 : memref<1x!tpu.dma_semaphore, #tpu.memory_space<semaphore_mem>> -> memref<!tpu.dma_semaphore, #tpu.memory_space<semaphore_mem>>
      tpu.wait_indirect_dma semaphore(%dma_wait3A_604 : memref<!tpu.dma_semaphore, #tpu.memory_space<semaphore_mem>>) src(%dma_wait3A_602 : memref<1000000x64xf32, #tpu.memory_space<hbm>>) dst(%arg7 : memref<128x64xf32, #tpu.memory_space<vmem>>)
      %scan3A_605 = arith.constant 0 : i32
      %scan3A_606 = arith.constant 128 : i32
      %scan3A_607 = arith.addi %scan3A_605, %scan3A_606 : i32
      %scan3A_608 = arith.constant 1 : i32
      scf.for %scan3A_749 = %scan3A_605 to %scan3A_607 step %scan3A_608  : i32 {
        %mul3A_750 = arith.constant 1 : i32
        %mul3A_751 = arith.muli %scan3A_749, %mul3A_750 : i32
        %add3A_752 = arith.constant 0 : i32
        %add3A_753 = arith.addi %add3A_752, %mul3A_751 : i32
        %get3A = arith.index_cast %add3A_753 : i32 to index
        %get3A_754 = arith.constant 0 : index
        %get3A_755 = tpu.vector_load %arg7[%get3A, %get3A_754] {strides = array<i32>} : memref<128x64xf32, #tpu.memory_space<vmem>>, vector<1x16xf32>,
        %get3A_756 = vector.shape_cast %get3A_755 : vector<1x16xf32> to vector<16xf32>
        %mul3A_757 = arith.constant 8.000000e+00 : f32
        %mul3A_758 = vector.broadcast %mul3A_757 : f32 to vector<16xf32>
        %mul3A_759 = arith.mulf %get3A_756, %mul3A_758 : vector<16xf32>
        %swap3A = arith.index_cast %add3A_753 : i32 to index
        %swap3A_760 = arith.constant 0 : index
        %swap3A_761 = tpu.vector_load %arg7[%swap3A, %swap3A_760] {strides = array<i32>} : memref<128x64xf32, #tpu.memory_space<vmem>>, vector<1x16xf32>,
        %swap3A_762 = vector.shape_cast %swap3A_761 : vector<1x16xf32> to vector<16xf32>
        %swap3A_763 = vector.shape_cast %mul3A_759 : vector<16xf32> to vector<1x16xf32>
        tpu.vector_store %arg7[%swap3A, %swap3A_760], %swap3A_763 {strides = array<i32>} : memref<128x64xf32, #tpu.memory_space<vmem>>, vector<1x16xf32>,
        %get3A_764 = arith.index_cast %add3A_753 : i32 to index
        %get3A_765 = arith.constant 16 : index
        %get3A_766 = tpu.vector_load %arg7[%get3A_764, %get3A_765] {strides = array<i32>} : memref<128x64xf32, #tpu.memory_space<vmem>>, vector<1x16xf32>,
        %get3A_767 = vector.shape_cast %get3A_766 : vector<1x16xf32> to vector<16xf32>
        %mul3A_768 = arith.constant 8.000000e+00 : f32
        %mul3A_769 = vector.broadcast %mul3A_768 : f32 to vector<16xf32>
        %mul3A_770 = arith.mulf %get3A_767, %mul3A_769 : vector<16xf32>
        %swap3A_771 = arith.index_cast %add3A_753 : i32 to index
        %swap3A_772 = arith.constant 16 : index
        %swap3A_773 = tpu.vector_load %arg7[%swap3A_771, %swap3A_772] {strides = array<i32>} : memref<128x64xf32, #tpu.memory_space<vmem>>, vector<1x16xf32>,
        %swap3A_774 = vector.shape_cast %swap3A_773 : vector<1x16xf32> to vector<16xf32>
        %swap3A_775 = vector.shape_cast %mul3A_770 : vector<16xf32> to vector<1x16xf32>
        tpu.vector_store %arg7[%swap3A_771, %swap3A_772], %swap3A_775 {strides = array<i32>} : memref<128x64xf32, #tpu.memory_space<vmem>>, vector<1x16xf32>,
        %get3A_776 = arith.index_cast %add3A_753 : i32 to index
        %get3A_777 = arith.constant 32 : index
        %get3A_778 = tpu.vector_load %arg7[%get3A_776, %get3A_777] {strides = array<i32>} : memref<128x64xf32, #tpu.memory_space<vmem>>, vector<1x16xf32>,
        %get3A_779 = vector.shape_cast %get3A_778 : vector<1x16xf32> to vector<16xf32>
        %mul3A_780 = arith.constant 8.000000e+00 : f32
        %mul3A_781 = vector.broadcast %mul3A_780 : f32 to vector<16xf32>
        %mul3A_782 = arith.mulf %get3A_779, %mul3A_781 : vector<16xf32>
        %swap3A_783 = arith.index_cast %add3A_753 : i32 to index
        %swap3A_784 = arith.constant 32 : index
        %swap3A_785 = tpu.vector_load %arg7[%swap3A_783, %swap3A_784] {strides = array<i32>} : memref<128x64xf32, #tpu.memory_space<vmem>>, vector<1x16xf32>,
        %swap3A_786 = vector.shape_cast %swap3A_785 : vector<1x16xf32> to vector<16xf32>
        %swap3A_787 = vector.shape_cast %mul3A_782 : vector<16xf32> to vector<1x16xf32>
        tpu.vector_store %arg7[%swap3A_783, %swap3A_784], %swap3A_787 {strides = array<i32>} : memref<128x64xf32, #tpu.memory_space<vmem>>, vector<1x16xf32>,
        %get3A_788 = arith.index_cast %add3A_753 : i32 to index
        %get3A_789 = arith.constant 48 : index
        %get3A_790 = tpu.vector_load %arg7[%get3A_788, %get3A_789] {strides = array<i32>} : memref<128x64xf32, #tpu.memory_space<vmem>>, vector<1x16xf32>,
        %get3A_791 = vector.shape_cast %get3A_790 : vector<1x16xf32> to vector<16xf32>
        %mul3A_792 = arith.constant 8.000000e+00 : f32
        %mul3A_793 = vector.broadcast %mul3A_792 : f32 to vector<16xf32>
        %mul3A_794 = arith.mulf %get3A_791, %mul3A_793 : vector<16xf32>
        %swap3A_795 = arith.index_cast %add3A_753 : i32 to index
        %swap3A_796 = arith.constant 48 : index
        %swap3A_797 = tpu.vector_load %arg7[%swap3A_795, %swap3A_796] {strides = array<i32>} : memref<128x64xf32, #tpu.memory_space<vmem>>, vector<1x16xf32>,
        %swap3A_798 = vector.shape_cast %swap3A_797 : vector<1x16xf32> to vector<16xf32>
        %swap3A_799 = vector.shape_cast %mul3A_794 : vector<16xf32> to vector<1x16xf32>
        tpu.vector_store %arg7[%swap3A_795, %swap3A_796], %swap3A_799 {strides = array<i32>} : memref<128x64xf32, #tpu.memory_space<vmem>>, vector<1x16xf32>,
      }
      %scan3A_609 = arith.constant 128 : i32
      %mul3A_610 = arith.constant 128 : i32
      %mul3A_611 = arith.muli %add3A_595, %mul3A_610 : i32
      %add3A_612 = arith.addi %mul3A_2, %mul3A_611 : i32
      %dma_start3A_613 = arith.constant 1 : i32
      %dma_start3A_614 = arith.constant 0 : i32
      %dma_start3A_615 = tpu.memref_slice %arg4[%add3A_612, %dma_start3A_614] : memref<819200x64xf32, #tpu.memory_space<hbm>> -> memref<128x64xf32, #tpu.memory_space<hbm>>
      %dma_start3A_616 = tpu.memref_slice %arg15[%dma_start3A_613] : memref<8x!tpu.dma_semaphore, #tpu.memory_space<semaphore_mem>> -> memref<1x!tpu.dma_semaphore, #tpu.memory_space<semaphore_mem>>
      %dma_start3A_617 = tpu.memref_squeeze %dma_start3A_616 : memref<1x!tpu.dma_semaphore, #tpu.memory_space<semaphore_mem>> -> memref<!tpu.dma_semaphore, #tpu.memory_space<semaphore_mem>>
      %dma_start3A_618 = arith.constant 0 : i32
      %dma_start3A_619 = tpu.memref_slice %arg4[%add3A_612, %dma_start3A_618] : memref<819200x64xf32, #tpu.memory_space<hbm>> -> memref<128x64xf32, #tpu.memory_space<hbm>>
      tpu.enqueue_dma source(%arg7 : memref<128x64xf32, #tpu.memory_space<vmem>>) target(%dma_start3A_619 : memref<128x64xf32, #tpu.memory_space<hbm>>) target_semaphore(%dma_start3A_617 : memref<!tpu.dma_semaphore, #tpu.memory_space<semaphore_mem>>)
      %sub3A_620 = arith.constant 4 : i32
      %sub3A_621 = arith.subi %add3A_595, %sub3A_620 : i32
      %mul3A_622 = arith.constant 128 : i32
      %mul3A_623 = arith.muli %sub3A_621, %mul3A_622 : i32
      %add3A_624 = arith.addi %mul3A_2, %mul3A_623 : i32
      %dma_wait3A_625 = arith.constant 5 : i32
      %dma_wait3A_626 = arith.constant 0 : i32
      %dma_wait3A_627 = tpu.memref_slice %arg4[%add3A_624, %dma_wait3A_626] : memref<819200x64xf32, #tpu.memory_space<hbm>> -> memref<128x64xf32, #tpu.memory_space<hbm>>
      %dma_wait3A_628 = tpu.memref_slice %arg15[%dma_wait3A_625] : memref<8x!tpu.dma_semaphore, #tpu.memory_space<semaphore_mem>> -> memref<1x!tpu.dma_semaphore, #tpu.memory_space<semaphore_mem>>
      %dma_wait3A_629 = tpu.memref_squeeze %dma_wait3A_628 : memref<1x!tpu.dma_semaphore, #tpu.memory_space<semaphore_mem>> -> memref<!tpu.dma_semaphore, #tpu.memory_space<semaphore_mem>>
      %dma_wait3A_630 = arith.constant 0 : i32
      %dma_wait3A_631 = tpu.memref_slice %arg4[%add3A_624, %dma_wait3A_630] : memref<819200x64xf32, #tpu.memory_space<hbm>> -> memref<128x64xf32, #tpu.memory_space<hbm>>
      tpu.wait_dma2 semaphore(%dma_wait3A_629 : memref<!tpu.dma_semaphore, #tpu.memory_space<semaphore_mem>>) src(%arg11 : memref<128x64xf32, #tpu.memory_space<vmem>>) dst(%dma_wait3A_631 : memref<128x64xf32, #tpu.memory_space<hbm>>)
      %add3A_632 = arith.constant 4 : i32
      %add3A_633 = arith.addi %add3A_595, %add3A_632 : i32
      %mul3A_634 = arith.constant 128 : i32
      %mul3A_635 = arith.muli %add3A_633, %mul3A_634 : i32
      %dma_start3A_636 = arith.constant 5 : i32
      %dma_start3A_637 = tpu.memref_slice %arg5[%mul3A_635] : memref<25600xi32, #tpu.memory_space<vmem>> -> memref<128xi32, #tpu.memory_space<vmem>>
      %dma_start3A_638 = arith.constant 0 : i32
      %dma_start3A_639 = arith.constant 0 : i32
      %dma_start3A_640 = tpu.memref_slice %arg2[%dma_start3A_638, %dma_start3A_639] : memref<1000000x64xf32, #tpu.memory_space<hbm>> -> memref<1000000x64xf32, #tpu.memory_space<hbm>>
      %dma_start3A_641 = tpu.memref_slice %arg14[%dma_start3A_636] : memref<8x!tpu.dma_semaphore, #tpu.memory_space<semaphore_mem>> -> memref<1x!tpu.dma_semaphore, #tpu.memory_space<semaphore_mem>>
      %dma_start3A_642 = tpu.memref_squeeze %dma_start3A_641 : memref<1x!tpu.dma_semaphore, #tpu.memory_space<semaphore_mem>> -> memref<!tpu.dma_semaphore, #tpu.memory_space<semaphore_mem>>
      tpu.enqueue_indirect_dma source(%dma_start3A_640 : memref<1000000x64xf32, #tpu.memory_space<hbm>>) target(%arg11 : memref<128x64xf32, #tpu.memory_space<vmem>>) offsets(%dma_start3A_637 : memref<128xi32, #tpu.memory_space<vmem>>) semaphore(%dma_start3A_642 : memref<!tpu.dma_semaphore, #tpu.memory_space<semaphore_mem>>)
      %mul3A_643 = arith.constant 8 : i32
      %mul3A_644 = arith.muli %add3A_325, %mul3A_643 : i32
      %add3A_645 = arith.constant 4 : i32
      %add3A_646 = arith.addi %add3A_645, %mul3A_644 : i32
      %add3A_647 = arith.constant 6 : i32
      %add3A_648 = arith.addi %add3A_646, %add3A_647 : i32
      %mul3A_649 = arith.constant 128 : i32
      %mul3A_650 = arith.muli %add3A_648, %mul3A_649 : i32
      %dma_wait3A_651 = arith.constant 2 : i32
      %dma_wait3A_652 = tpu.memref_slice %arg5[%mul3A_650] : memref<25600xi32, #tpu.memory_space<vmem>> -> memref<128xi32, #tpu.memory_space<vmem>>
      %dma_wait3A_653 = arith.constant 0 : i32
      %dma_wait3A_654 = arith.constant 0 : i32
      %dma_wait3A_655 = tpu.memref_slice %arg2[%dma_wait3A_653, %dma_wait3A_654] : memref<1000000x64xf32, #tpu.memory_space<hbm>> -> memref<1000000x64xf32, #tpu.memory_space<hbm>>
      %dma_wait3A_656 = tpu.memref_slice %arg14[%dma_wait3A_651] : memref<8x!tpu.dma_semaphore, #tpu.memory_space<semaphore_mem>> -> memref<1x!tpu.dma_semaphore, #tpu.memory_space<semaphore_mem>>
      %dma_wait3A_657 = tpu.memref_squeeze %dma_wait3A_656 : memref<1x!tpu.dma_semaphore, #tpu.memory_space<semaphore_mem>> -> memref<!tpu.dma_semaphore, #tpu.memory_space<semaphore_mem>>
      tpu.wait_indirect_dma semaphore(%dma_wait3A_657 : memref<!tpu.dma_semaphore, #tpu.memory_space<semaphore_mem>>) src(%dma_wait3A_655 : memref<1000000x64xf32, #tpu.memory_space<hbm>>) dst(%arg8 : memref<128x64xf32, #tpu.memory_space<vmem>>)
      %scan3A_658 = arith.constant 0 : i32
      %scan3A_659 = arith.constant 128 : i32
      %scan3A_660 = arith.addi %scan3A_658, %scan3A_659 : i32
      %scan3A_661 = arith.constant 1 : i32
      scf.for %scan3A_749 = %scan3A_658 to %scan3A_660 step %scan3A_661  : i32 {
        %mul3A_750 = arith.constant 1 : i32
        %mul3A_751 = arith.muli %scan3A_749, %mul3A_750 : i32
        %add3A_752 = arith.constant 0 : i32
        %add3A_753 = arith.addi %add3A_752, %mul3A_751 : i32
        %get3A = arith.index_cast %add3A_753 : i32 to index
        %get3A_754 = arith.constant 0 : index
        %get3A_755 = tpu.vector_load %arg8[%get3A, %get3A_754] {strides = array<i32>} : memref<128x64xf32, #tpu.memory_space<vmem>>, vector<1x16xf32>,
        %get3A_756 = vector.shape_cast %get3A_755 : vector<1x16xf32> to vector<16xf32>
        %mul3A_757 = arith.constant 8.000000e+00 : f32
        %mul3A_758 = vector.broadcast %mul3A_757 : f32 to vector<16xf32>
        %mul3A_759 = arith.mulf %get3A_756, %mul3A_758 : vector<16xf32>
        %swap3A = arith.index_cast %add3A_753 : i32 to index
        %swap3A_760 = arith.constant 0 : index
        %swap3A_761 = tpu.vector_load %arg8[%swap3A, %swap3A_760] {strides = array<i32>} : memref<128x64xf32, #tpu.memory_space<vmem>>, vector<1x16xf32>,
        %swap3A_762 = vector.shape_cast %swap3A_761 : vector<1x16xf32> to vector<16xf32>
        %swap3A_763 = vector.shape_cast %mul3A_759 : vector<16xf32> to vector<1x16xf32>
        tpu.vector_store %arg8[%swap3A, %swap3A_760], %swap3A_763 {strides = array<i32>} : memref<128x64xf32, #tpu.memory_space<vmem>>, vector<1x16xf32>,
        %get3A_764 = arith.index_cast %add3A_753 : i32 to index
        %get3A_765 = arith.constant 16 : index
        %get3A_766 = tpu.vector_load %arg8[%get3A_764, %get3A_765] {strides = array<i32>} : memref<128x64xf32, #tpu.memory_space<vmem>>, vector<1x16xf32>,
        %get3A_767 = vector.shape_cast %get3A_766 : vector<1x16xf32> to vector<16xf32>
        %mul3A_768 = arith.constant 8.000000e+00 : f32
        %mul3A_769 = vector.broadcast %mul3A_768 : f32 to vector<16xf32>
        %mul3A_770 = arith.mulf %get3A_767, %mul3A_769 : vector<16xf32>
        %swap3A_771 = arith.index_cast %add3A_753 : i32 to index
        %swap3A_772 = arith.constant 16 : index
        %swap3A_773 = tpu.vector_load %arg8[%swap3A_771, %swap3A_772] {strides = array<i32>} : memref<128x64xf32, #tpu.memory_space<vmem>>, vector<1x16xf32>,
        %swap3A_774 = vector.shape_cast %swap3A_773 : vector<1x16xf32> to vector<16xf32>
        %swap3A_775 = vector.shape_cast %mul3A_770 : vector<16xf32> to vector<1x16xf32>
        tpu.vector_store %arg8[%swap3A_771, %swap3A_772], %swap3A_775 {strides = array<i32>} : memref<128x64xf32, #tpu.memory_space<vmem>>, vector<1x16xf32>,
        %get3A_776 = arith.index_cast %add3A_753 : i32 to index
        %get3A_777 = arith.constant 32 : index
        %get3A_778 = tpu.vector_load %arg8[%get3A_776, %get3A_777] {strides = array<i32>} : memref<128x64xf32, #tpu.memory_space<vmem>>, vector<1x16xf32>,
        %get3A_779 = vector.shape_cast %get3A_778 : vector<1x16xf32> to vector<16xf32>
        %mul3A_780 = arith.constant 8.000000e+00 : f32
        %mul3A_781 = vector.broadcast %mul3A_780 : f32 to vector<16xf32>
        %mul3A_782 = arith.mulf %get3A_779, %mul3A_781 : vector<16xf32>
        %swap3A_783 = arith.index_cast %add3A_753 : i32 to index
        %swap3A_784 = arith.constant 32 : index
        %swap3A_785 = tpu.vector_load %arg8[%swap3A_783, %swap3A_784] {strides = array<i32>} : memref<128x64xf32, #tpu.memory_space<vmem>>, vector<1x16xf32>,
        %swap3A_786 = vector.shape_cast %swap3A_785 : vector<1x16xf32> to vector<16xf32>
        %swap3A_787 = vector.shape_cast %mul3A_782 : vector<16xf32> to vector<1x16xf32>
        tpu.vector_store %arg8[%swap3A_783, %swap3A_784], %swap3A_787 {strides = array<i32>} : memref<128x64xf32, #tpu.memory_space<vmem>>, vector<1x16xf32>,
        %get3A_788 = arith.index_cast %add3A_753 : i32 to index
        %get3A_789 = arith.constant 48 : index
        %get3A_790 = tpu.vector_load %arg8[%get3A_788, %get3A_789] {strides = array<i32>} : memref<128x64xf32, #tpu.memory_space<vmem>>, vector<1x16xf32>,
        %get3A_791 = vector.shape_cast %get3A_790 : vector<1x16xf32> to vector<16xf32>
        %mul3A_792 = arith.constant 8.000000e+00 : f32
        %mul3A_793 = vector.broadcast %mul3A_792 : f32 to vector<16xf32>
        %mul3A_794 = arith.mulf %get3A_791, %mul3A_793 : vector<16xf32>
        %swap3A_795 = arith.index_cast %add3A_753 : i32 to index
        %swap3A_796 = arith.constant 48 : index
        %swap3A_797 = tpu.vector_load %arg8[%swap3A_795, %swap3A_796] {strides = array<i32>} : memref<128x64xf32, #tpu.memory_space<vmem>>, vector<1x16xf32>,
        %swap3A_798 = vector.shape_cast %swap3A_797 : vector<1x16xf32> to vector<16xf32>
        %swap3A_799 = vector.shape_cast %mul3A_794 : vector<16xf32> to vector<1x16xf32>
        tpu.vector_store %arg8[%swap3A_795, %swap3A_796], %swap3A_799 {strides = array<i32>} : memref<128x64xf32, #tpu.memory_space<vmem>>, vector<1x16xf32>,
      }
      %scan3A_662 = arith.constant 128 : i32
      %mul3A_663 = arith.constant 128 : i32
      %mul3A_664 = arith.muli %add3A_648, %mul3A_663 : i32
      %add3A_665 = arith.addi %mul3A_2, %mul3A_664 : i32
      %dma_start3A_666 = arith.constant 2 : i32
      %dma_start3A_667 = arith.constant 0 : i32
      %dma_start3A_668 = tpu.memref_slice %arg4[%add3A_665, %dma_start3A_667] : memref<819200x64xf32, #tpu.memory_space<hbm>> -> memref<128x64xf32, #tpu.memory_space<hbm>>
      %dma_start3A_669 = tpu.memref_slice %arg15[%dma_start3A_666] : memref<8x!tpu.dma_semaphore, #tpu.memory_space<semaphore_mem>> -> memref<1x!tpu.dma_semaphore, #tpu.memory_space<semaphore_mem>>
      %dma_start3A_670 = tpu.memref_squeeze %dma_start3A_669 : memref<1x!tpu.dma_semaphore, #tpu.memory_space<semaphore_mem>> -> memref<!tpu.dma_semaphore, #tpu.memory_space<semaphore_mem>>
      %dma_start3A_671 = arith.constant 0 : i32
      %dma_start3A_672 = tpu.memref_slice %arg4[%add3A_665, %dma_start3A_671] : memref<819200x64xf32, #tpu.memory_space<hbm>> -> memref<128x64xf32, #tpu.memory_space<hbm>>
      tpu.enqueue_dma source(%arg8 : memref<128x64xf32, #tpu.memory_space<vmem>>) target(%dma_start3A_672 : memref<128x64xf32, #tpu.memory_space<hbm>>) target_semaphore(%dma_start3A_670 : memref<!tpu.dma_semaphore, #tpu.memory_space<semaphore_mem>>)
      %sub3A_673 = arith.constant 4 : i32
      %sub3A_674 = arith.subi %add3A_648, %sub3A_673 : i32
      %mul3A_675 = arith.constant 128 : i32
      %mul3A_676 = arith.muli %sub3A_674, %mul3A_675 : i32
      %add3A_677 = arith.addi %mul3A_2, %mul3A_676 : i32
      %dma_wait3A_678 = arith.constant 6 : i32
      %dma_wait3A_679 = arith.constant 0 : i32
      %dma_wait3A_680 = tpu.memref_slice %arg4[%add3A_677, %dma_wait3A_679] : memref<819200x64xf32, #tpu.memory_space<hbm>> -> memref<128x64xf32, #tpu.memory_space<hbm>>
      %dma_wait3A_681 = tpu.memref_slice %arg15[%dma_wait3A_678] : memref<8x!tpu.dma_semaphore, #tpu.memory_space<semaphore_mem>> -> memref<1x!tpu.dma_semaphore, #tpu.memory_space<semaphore_mem>>
      %dma_wait3A_682 = tpu.memref_squeeze %dma_wait3A_681 : memref<1x!tpu.dma_semaphore, #tpu.memory_space<semaphore_mem>> -> memref<!tpu.dma_semaphore, #tpu.memory_space<semaphore_mem>>
      %dma_wait3A_683 = arith.constant 0 : i32
      %dma_wait3A_684 = tpu.memref_slice %arg4[%add3A_677, %dma_wait3A_683] : memref<819200x64xf32, #tpu.memory_space<hbm>> -> memref<128x64xf32, #tpu.memory_space<hbm>>
      tpu.wait_dma2 semaphore(%dma_wait3A_682 : memref<!tpu.dma_semaphore, #tpu.memory_space<semaphore_mem>>) src(%arg12 : memref<128x64xf32, #tpu.memory_space<vmem>>) dst(%dma_wait3A_684 : memref<128x64xf32, #tpu.memory_space<hbm>>)
      %add3A_685 = arith.constant 4 : i32
      %add3A_686 = arith.addi %add3A_648, %add3A_685 : i32
      %mul3A_687 = arith.constant 128 : i32
      %mul3A_688 = arith.muli %add3A_686, %mul3A_687 : i32
      %dma_start3A_689 = arith.constant 6 : i32
      %dma_start3A_690 = tpu.memref_slice %arg5[%mul3A_688] : memref<25600xi32, #tpu.memory_space<vmem>> -> memref<128xi32, #tpu.memory_space<vmem>>
      %dma_start3A_691 = arith.constant 0 : i32
      %dma_start3A_692 = arith.constant 0 : i32
      %dma_start3A_693 = tpu.memref_slice %arg2[%dma_start3A_691, %dma_start3A_692] : memref<1000000x64xf32, #tpu.memory_space<hbm>> -> memref<1000000x64xf32, #tpu.memory_space<hbm>>
      %dma_start3A_694 = tpu.memref_slice %arg14[%dma_start3A_689] : memref<8x!tpu.dma_semaphore, #tpu.memory_space<semaphore_mem>> -> memref<1x!tpu.dma_semaphore, #tpu.memory_space<semaphore_mem>>
      %dma_start3A_695 = tpu.memref_squeeze %dma_start3A_694 : memref<1x!tpu.dma_semaphore, #tpu.memory_space<semaphore_mem>> -> memref<!tpu.dma_semaphore, #tpu.memory_space<semaphore_mem>>
      tpu.enqueue_indirect_dma source(%dma_start3A_693 : memref<1000000x64xf32, #tpu.memory_space<hbm>>) target(%arg12 : memref<128x64xf32, #tpu.memory_space<vmem>>) offsets(%dma_start3A_690 : memref<128xi32, #tpu.memory_space<vmem>>) semaphore(%dma_start3A_695 : memref<!tpu.dma_semaphore, #tpu.memory_space<semaphore_mem>>)
      %mul3A_696 = arith.constant 8 : i32
      %mul3A_697 = arith.muli %add3A_325, %mul3A_696 : i32
      %add3A_698 = arith.constant 4 : i32
      %add3A_699 = arith.addi %add3A_698, %mul3A_697 : i32
      %add3A_700 = arith.constant 7 : i32
      %add3A_701 = arith.addi %add3A_699, %add3A_700 : i32
      %mul3A_702 = arith.constant 128 : i32
      %mul3A_703 = arith.muli %add3A_701, %mul3A_702 : i32
      %dma_wait3A_704 = arith.constant 3 : i32
      %dma_wait3A_705 = tpu.memref_slice %arg5[%mul3A_703] : memref<25600xi32, #tpu.memory_space<vmem>> -> memref<128xi32, #tpu.memory_space<vmem>>
      %dma_wait3A_706 = arith.constant 0 : i32
      %dma_wait3A_707 = arith.constant 0 : i32
      %dma_wait3A_708 = tpu.memref_slice %arg2[%dma_wait3A_706, %dma_wait3A_707] : memref<1000000x64xf32, #tpu.memory_space<hbm>> -> memref<1000000x64xf32, #tpu.memory_space<hbm>>
      %dma_wait3A_709 = tpu.memref_slice %arg14[%dma_wait3A_704] : memref<8x!tpu.dma_semaphore, #tpu.memory_space<semaphore_mem>> -> memref<1x!tpu.dma_semaphore, #tpu.memory_space<semaphore_mem>>
      %dma_wait3A_710 = tpu.memref_squeeze %dma_wait3A_709 : memref<1x!tpu.dma_semaphore, #tpu.memory_space<semaphore_mem>> -> memref<!tpu.dma_semaphore, #tpu.memory_space<semaphore_mem>>
      tpu.wait_indirect_dma semaphore(%dma_wait3A_710 : memref<!tpu.dma_semaphore, #tpu.memory_space<semaphore_mem>>) src(%dma_wait3A_708 : memref<1000000x64xf32, #tpu.memory_space<hbm>>) dst(%arg9 : memref<128x64xf32, #tpu.memory_space<vmem>>)
      %scan3A_711 = arith.constant 0 : i32
      %scan3A_712 = arith.constant 128 : i32
      %scan3A_713 = arith.addi %scan3A_711, %scan3A_712 : i32
      %scan3A_714 = arith.constant 1 : i32
      scf.for %scan3A_749 = %scan3A_711 to %scan3A_713 step %scan3A_714  : i32 {
        %mul3A_750 = arith.constant 1 : i32
        %mul3A_751 = arith.muli %scan3A_749, %mul3A_750 : i32
        %add3A_752 = arith.constant 0 : i32
        %add3A_753 = arith.addi %add3A_752, %mul3A_751 : i32
        %get3A = arith.index_cast %add3A_753 : i32 to index
        %get3A_754 = arith.constant 0 : index
        %get3A_755 = tpu.vector_load %arg9[%get3A, %get3A_754] {strides = array<i32>} : memref<128x64xf32, #tpu.memory_space<vmem>>, vector<1x16xf32>,
        %get3A_756 = vector.shape_cast %get3A_755 : vector<1x16xf32> to vector<16xf32>
        %mul3A_757 = arith.constant 8.000000e+00 : f32
        %mul3A_758 = vector.broadcast %mul3A_757 : f32 to vector<16xf32>
        %mul3A_759 = arith.mulf %get3A_756, %mul3A_758 : vector<16xf32>
        %swap3A = arith.index_cast %add3A_753 : i32 to index
        %swap3A_760 = arith.constant 0 : index
        %swap3A_761 = tpu.vector_load %arg9[%swap3A, %swap3A_760] {strides = array<i32>} : memref<128x64xf32, #tpu.memory_space<vmem>>, vector<1x16xf32>,
        %swap3A_762 = vector.shape_cast %swap3A_761 : vector<1x16xf32> to vector<16xf32>
        %swap3A_763 = vector.shape_cast %mul3A_759 : vector<16xf32> to vector<1x16xf32>
        tpu.vector_store %arg9[%swap3A, %swap3A_760], %swap3A_763 {strides = array<i32>} : memref<128x64xf32, #tpu.memory_space<vmem>>, vector<1x16xf32>,
        %get3A_764 = arith.index_cast %add3A_753 : i32 to index
        %get3A_765 = arith.constant 16 : index
        %get3A_766 = tpu.vector_load %arg9[%get3A_764, %get3A_765] {strides = array<i32>} : memref<128x64xf32, #tpu.memory_space<vmem>>, vector<1x16xf32>,
        %get3A_767 = vector.shape_cast %get3A_766 : vector<1x16xf32> to vector<16xf32>
        %mul3A_768 = arith.constant 8.000000e+00 : f32
        %mul3A_769 = vector.broadcast %mul3A_768 : f32 to vector<16xf32>
        %mul3A_770 = arith.mulf %get3A_767, %mul3A_769 : vector<16xf32>
        %swap3A_771 = arith.index_cast %add3A_753 : i32 to index
        %swap3A_772 = arith.constant 16 : index
        %swap3A_773 = tpu.vector_load %arg9[%swap3A_771, %swap3A_772] {strides = array<i32>} : memref<128x64xf32, #tpu.memory_space<vmem>>, vector<1x16xf32>,
        %swap3A_774 = vector.shape_cast %swap3A_773 : vector<1x16xf32> to vector<16xf32>
        %swap3A_775 = vector.shape_cast %mul3A_770 : vector<16xf32> to vector<1x16xf32>
        tpu.vector_store %arg9[%swap3A_771, %swap3A_772], %swap3A_775 {strides = array<i32>} : memref<128x64xf32, #tpu.memory_space<vmem>>, vector<1x16xf32>,
        %get3A_776 = arith.index_cast %add3A_753 : i32 to index
        %get3A_777 = arith.constant 32 : index
        %get3A_778 = tpu.vector_load %arg9[%get3A_776, %get3A_777] {strides = array<i32>} : memref<128x64xf32, #tpu.memory_space<vmem>>, vector<1x16xf32>,
        %get3A_779 = vector.shape_cast %get3A_778 : vector<1x16xf32> to vector<16xf32>
        %mul3A_780 = arith.constant 8.000000e+00 : f32
        %mul3A_781 = vector.broadcast %mul3A_780 : f32 to vector<16xf32>
        %mul3A_782 = arith.mulf %get3A_779, %mul3A_781 : vector<16xf32>
        %swap3A_783 = arith.index_cast %add3A_753 : i32 to index
        %swap3A_784 = arith.constant 32 : index
        %swap3A_785 = tpu.vector_load %arg9[%swap3A_783, %swap3A_784] {strides = array<i32>} : memref<128x64xf32, #tpu.memory_space<vmem>>, vector<1x16xf32>,
        %swap3A_786 = vector.shape_cast %swap3A_785 : vector<1x16xf32> to vector<16xf32>
        %swap3A_787 = vector.shape_cast %mul3A_782 : vector<16xf32> to vector<1x16xf32>
        tpu.vector_store %arg9[%swap3A_783, %swap3A_784], %swap3A_787 {strides = array<i32>} : memref<128x64xf32, #tpu.memory_space<vmem>>, vector<1x16xf32>,
        %get3A_788 = arith.index_cast %add3A_753 : i32 to index
        %get3A_789 = arith.constant 48 : index
        %get3A_790 = tpu.vector_load %arg9[%get3A_788, %get3A_789] {strides = array<i32>} : memref<128x64xf32, #tpu.memory_space<vmem>>, vector<1x16xf32>,
        %get3A_791 = vector.shape_cast %get3A_790 : vector<1x16xf32> to vector<16xf32>
        %mul3A_792 = arith.constant 8.000000e+00 : f32
        %mul3A_793 = vector.broadcast %mul3A_792 : f32 to vector<16xf32>
        %mul3A_794 = arith.mulf %get3A_791, %mul3A_793 : vector<16xf32>
        %swap3A_795 = arith.index_cast %add3A_753 : i32 to index
        %swap3A_796 = arith.constant 48 : index
        %swap3A_797 = tpu.vector_load %arg9[%swap3A_795, %swap3A_796] {strides = array<i32>} : memref<128x64xf32, #tpu.memory_space<vmem>>, vector<1x16xf32>,
        %swap3A_798 = vector.shape_cast %swap3A_797 : vector<1x16xf32> to vector<16xf32>
        %swap3A_799 = vector.shape_cast %mul3A_794 : vector<16xf32> to vector<1x16xf32>
        tpu.vector_store %arg9[%swap3A_795, %swap3A_796], %swap3A_799 {strides = array<i32>} : memref<128x64xf32, #tpu.memory_space<vmem>>, vector<1x16xf32>,
      }
      %scan3A_715 = arith.constant 128 : i32
      %mul3A_716 = arith.constant 128 : i32
      %mul3A_717 = arith.muli %add3A_701, %mul3A_716 : i32
      %add3A_718 = arith.addi %mul3A_2, %mul3A_717 : i32
      %dma_start3A_719 = arith.constant 3 : i32
      %dma_start3A_720 = arith.constant 0 : i32
      %dma_start3A_721 = tpu.memref_slice %arg4[%add3A_718, %dma_start3A_720] : memref<819200x64xf32, #tpu.memory_space<hbm>> -> memref<128x64xf32, #tpu.memory_space<hbm>>
      %dma_start3A_722 = tpu.memref_slice %arg15[%dma_start3A_719] : memref<8x!tpu.dma_semaphore, #tpu.memory_space<semaphore_mem>> -> memref<1x!tpu.dma_semaphore, #tpu.memory_space<semaphore_mem>>
      %dma_start3A_723 = tpu.memref_squeeze %dma_start3A_722 : memref<1x!tpu.dma_semaphore, #tpu.memory_space<semaphore_mem>> -> memref<!tpu.dma_semaphore, #tpu.memory_space<semaphore_mem>>
      %dma_start3A_724 = arith.constant 0 : i32
      %dma_start3A_725 = tpu.memref_slice %arg4[%add3A_718, %dma_start3A_724] : memref<819200x64xf32, #tpu.memory_space<hbm>> -> memref<128x64xf32, #tpu.memory_space<hbm>>
      tpu.enqueue_dma source(%arg9 : memref<128x64xf32, #tpu.memory_space<vmem>>) target(%dma_start3A_725 : memref<128x64xf32, #tpu.memory_space<hbm>>) target_semaphore(%dma_start3A_723 : memref<!tpu.dma_semaphore, #tpu.memory_space<semaphore_mem>>)
      %sub3A_726 = arith.constant 4 : i32
      %sub3A_727 = arith.subi %add3A_701, %sub3A_726 : i32
      %mul3A_728 = arith.constant 128 : i32
      %mul3A_729 = arith.muli %sub3A_727, %mul3A_728 : i32
      %add3A_730 = arith.addi %mul3A_2, %mul3A_729 : i32
      %dma_wait3A_731 = arith.constant 7 : i32
      %dma_wait3A_732 = arith.constant 0 : i32
      %dma_wait3A_733 = tpu.memref_slice %arg4[%add3A_730, %dma_wait3A_732] : memref<819200x64xf32, #tpu.memory_space<hbm>> -> memref<128x64xf32, #tpu.memory_space<hbm>>
      %dma_wait3A_734 = tpu.memref_slice %arg15[%dma_wait3A_731] : memref<8x!tpu.dma_semaphore, #tpu.memory_space<semaphore_mem>> -> memref<1x!tpu.dma_semaphore, #tpu.memory_space<semaphore_mem>>
      %dma_wait3A_735 = tpu.memref_squeeze %dma_wait3A_734 : memref<1x!tpu.dma_semaphore, #tpu.memory_space<semaphore_mem>> -> memref<!tpu.dma_semaphore, #tpu.memory_space<semaphore_mem>>
      %dma_wait3A_736 = arith.constant 0 : i32
      %dma_wait3A_737 = tpu.memref_slice %arg4[%add3A_730, %dma_wait3A_736] : memref<819200x64xf32, #tpu.memory_space<hbm>> -> memref<128x64xf32, #tpu.memory_space<hbm>>
      tpu.wait_dma2 semaphore(%dma_wait3A_735 : memref<!tpu.dma_semaphore, #tpu.memory_space<semaphore_mem>>) src(%arg13 : memref<128x64xf32, #tpu.memory_space<vmem>>) dst(%dma_wait3A_737 : memref<128x64xf32, #tpu.memory_space<hbm>>)
      %add3A_738 = arith.constant 4 : i32
      %add3A_739 = arith.addi %add3A_701, %add3A_738 : i32
      %mul3A_740 = arith.constant 128 : i32
      %mul3A_741 = arith.muli %add3A_739, %mul3A_740 : i32
      %dma_start3A_742 = arith.constant 7 : i32
      %dma_start3A_743 = tpu.memref_slice %arg5[%mul3A_741] : memref<25600xi32, #tpu.memory_space<vmem>> -> memref<128xi32, #tpu.memory_space<vmem>>
      %dma_start3A_744 = arith.constant 0 : i32
      %dma_start3A_745 = arith.constant 0 : i32
      %dma_start3A_746 = tpu.memref_slice %arg2[%dma_start3A_744, %dma_start3A_745] : memref<1000000x64xf32, #tpu.memory_space<hbm>> -> memref<1000000x64xf32, #tpu.memory_space<hbm>>
      %dma_start3A_747 = tpu.memref_slice %arg14[%dma_start3A_742] : memref<8x!tpu.dma_semaphore, #tpu.memory_space<semaphore_mem>> -> memref<1x!tpu.dma_semaphore, #tpu.memory_space<semaphore_mem>>
      %dma_start3A_748 = tpu.memref_squeeze %dma_start3A_747 : memref<1x!tpu.dma_semaphore, #tpu.memory_space<semaphore_mem>> -> memref<!tpu.dma_semaphore, #tpu.memory_space<semaphore_mem>>
      tpu.enqueue_indirect_dma source(%dma_start3A_746 : memref<1000000x64xf32, #tpu.memory_space<hbm>>) target(%arg13 : memref<128x64xf32, #tpu.memory_space<vmem>>) offsets(%dma_start3A_743 : memref<128xi32, #tpu.memory_space<vmem>>) semaphore(%dma_start3A_748 : memref<!tpu.dma_semaphore, #tpu.memory_space<semaphore_mem>>)
    }
    %scan3A_160 = arith.constant 24 : i32
    %dma_wait3A_161 = arith.constant 4 : i32
    %dma_wait3A_162 = arith.constant 25088 : i32
    %dma_wait3A_163 = tpu.memref_slice %arg5[%dma_wait3A_162] : memref<25600xi32, #tpu.memory_space<vmem>> -> memref<128xi32, #tpu.memory_space<vmem>>
    %dma_wait3A_164 = arith.constant 0 : i32
    %dma_wait3A_165 = arith.constant 0 : i32
    %dma_wait3A_166 = tpu.memref_slice %arg2[%dma_wait3A_164, %dma_wait3A_165] : memref<1000000x64xf32, #tpu.memory_space<hbm>> -> memref<1000000x64xf32, #tpu.memory_space<hbm>>
    %dma_wait3A_167 = tpu.memref_slice %arg14[%dma_wait3A_161] : memref<8x!tpu.dma_semaphore, #tpu.memory_space<semaphore_mem>> -> memref<1x!tpu.dma_semaphore, #tpu.memory_space<semaphore_mem>>
    %dma_wait3A_168 = tpu.memref_squeeze %dma_wait3A_167 : memref<1x!tpu.dma_semaphore, #tpu.memory_space<semaphore_mem>> -> memref<!tpu.dma_semaphore, #tpu.memory_space<semaphore_mem>>
    tpu.wait_indirect_dma semaphore(%dma_wait3A_168 : memref<!tpu.dma_semaphore, #tpu.memory_space<semaphore_mem>>) src(%dma_wait3A_166 : memref<1000000x64xf32, #tpu.memory_space<hbm>>) dst(%arg10 : memref<128x64xf32, #tpu.memory_space<vmem>>)
    %scan3A_169 = arith.constant 0 : i32
    %scan3A_170 = arith.constant 128 : i32
    %scan3A_171 = arith.addi %scan3A_169, %scan3A_170 : i32
    %scan3A_172 = arith.constant 1 : i32
    scf.for %scan3A_321 = %scan3A_169 to %scan3A_171 step %scan3A_172  : i32 {
      %mul3A_322 = arith.constant 1 : i32
      %mul3A_323 = arith.muli %scan3A_321, %mul3A_322 : i32
      %add3A_324 = arith.constant 0 : i32
      %add3A_325 = arith.addi %add3A_324, %mul3A_323 : i32
      %get3A = arith.index_cast %add3A_325 : i32 to index
      %get3A_326 = arith.constant 0 : index
      %get3A_327 = tpu.vector_load %arg10[%get3A, %get3A_326] {strides = array<i32>} : memref<128x64xf32, #tpu.memory_space<vmem>>, vector<1x16xf32>,
      %get3A_328 = vector.shape_cast %get3A_327 : vector<1x16xf32> to vector<16xf32>
      %mul3A_329 = arith.constant 8.000000e+00 : f32
      %mul3A_330 = vector.broadcast %mul3A_329 : f32 to vector<16xf32>
      %mul3A_331 = arith.mulf %get3A_328, %mul3A_330 : vector<16xf32>
      %swap3A = arith.index_cast %add3A_325 : i32 to index
      %swap3A_332 = arith.constant 0 : index
      %swap3A_333 = tpu.vector_load %arg10[%swap3A, %swap3A_332] {strides = array<i32>} : memref<128x64xf32, #tpu.memory_space<vmem>>, vector<1x16xf32>,
      %swap3A_334 = vector.shape_cast %swap3A_333 : vector<1x16xf32> to vector<16xf32>
      %swap3A_335 = vector.shape_cast %mul3A_331 : vector<16xf32> to vector<1x16xf32>
      tpu.vector_store %arg10[%swap3A, %swap3A_332], %swap3A_335 {strides = array<i32>} : memref<128x64xf32, #tpu.memory_space<vmem>>, vector<1x16xf32>,
      %get3A_336 = arith.index_cast %add3A_325 : i32 to index
      %get3A_337 = arith.constant 16 : index
      %get3A_338 = tpu.vector_load %arg10[%get3A_336, %get3A_337] {strides = array<i32>} : memref<128x64xf32, #tpu.memory_space<vmem>>, vector<1x16xf32>,
      %get3A_339 = vector.shape_cast %get3A_338 : vector<1x16xf32> to vector<16xf32>
      %mul3A_340 = arith.constant 8.000000e+00 : f32
      %mul3A_341 = vector.broadcast %mul3A_340 : f32 to vector<16xf32>
      %mul3A_342 = arith.mulf %get3A_339, %mul3A_341 : vector<16xf32>
      %swap3A_343 = arith.index_cast %add3A_325 : i32 to index
      %swap3A_344 = arith.constant 16 : index
      %swap3A_345 = tpu.vector_load %arg10[%swap3A_343, %swap3A_344] {strides = array<i32>} : memref<128x64xf32, #tpu.memory_space<vmem>>, vector<1x16xf32>,
      %swap3A_346 = vector.shape_cast %swap3A_345 : vector<1x16xf32> to vector<16xf32>
      %swap3A_347 = vector.shape_cast %mul3A_342 : vector<16xf32> to vector<1x16xf32>
      tpu.vector_store %arg10[%swap3A_343, %swap3A_344], %swap3A_347 {strides = array<i32>} : memref<128x64xf32, #tpu.memory_space<vmem>>, vector<1x16xf32>,
      %get3A_348 = arith.index_cast %add3A_325 : i32 to index
      %get3A_349 = arith.constant 32 : index
      %get3A_350 = tpu.vector_load %arg10[%get3A_348, %get3A_349] {strides = array<i32>} : memref<128x64xf32, #tpu.memory_space<vmem>>, vector<1x16xf32>,
      %get3A_351 = vector.shape_cast %get3A_350 : vector<1x16xf32> to vector<16xf32>
      %mul3A_352 = arith.constant 8.000000e+00 : f32
      %mul3A_353 = vector.broadcast %mul3A_352 : f32 to vector<16xf32>
      %mul3A_354 = arith.mulf %get3A_351, %mul3A_353 : vector<16xf32>
      %swap3A_355 = arith.index_cast %add3A_325 : i32 to index
      %swap3A_356 = arith.constant 32 : index
      %swap3A_357 = tpu.vector_load %arg10[%swap3A_355, %swap3A_356] {strides = array<i32>} : memref<128x64xf32, #tpu.memory_space<vmem>>, vector<1x16xf32>,
      %swap3A_358 = vector.shape_cast %swap3A_357 : vector<1x16xf32> to vector<16xf32>
      %swap3A_359 = vector.shape_cast %mul3A_354 : vector<16xf32> to vector<1x16xf32>
      tpu.vector_store %arg10[%swap3A_355, %swap3A_356], %swap3A_359 {strides = array<i32>} : memref<128x64xf32, #tpu.memory_space<vmem>>, vector<1x16xf32>,
      %get3A_360 = arith.index_cast %add3A_325 : i32 to index
      %get3A_361 = arith.constant 48 : index
      %get3A_362 = tpu.vector_load %arg10[%get3A_360, %get3A_361] {strides = array<i32>} : memref<128x64xf32, #tpu.memory_space<vmem>>, vector<1x16xf32>,
      %get3A_363 = vector.shape_cast %get3A_362 : vector<1x16xf32> to vector<16xf32>
      %mul3A_364 = arith.constant 8.000000e+00 : f32
      %mul3A_365 = vector.broadcast %mul3A_364 : f32 to vector<16xf32>
      %mul3A_366 = arith.mulf %get3A_363, %mul3A_365 : vector<16xf32>
      %swap3A_367 = arith.index_cast %add3A_325 : i32 to index
      %swap3A_368 = arith.constant 48 : index
      %swap3A_369 = tpu.vector_load %arg10[%swap3A_367, %swap3A_368] {strides = array<i32>} : memref<128x64xf32, #tpu.memory_space<vmem>>, vector<1x16xf32>,
      %swap3A_370 = vector.shape_cast %swap3A_369 : vector<1x16xf32> to vector<16xf32>
      %swap3A_371 = vector.shape_cast %mul3A_366 : vector<16xf32> to vector<1x16xf32>
      tpu.vector_store %arg10[%swap3A_367, %swap3A_368], %swap3A_371 {strides = array<i32>} : memref<128x64xf32, #tpu.memory_space<vmem>>, vector<1x16xf32>,
    }
    %scan3A_173 = arith.constant 128 : i32
    %add3A_174 = arith.constant 25088 : i32
    %add3A_175 = arith.addi %mul3A_2, %add3A_174 : i32
    %dma_start3A_176 = arith.constant 4 : i32
    %dma_start3A_177 = arith.constant 0 : i32
    %dma_start3A_178 = tpu.memref_slice %arg4[%add3A_175, %dma_start3A_177] : memref<819200x64xf32, #tpu.memory_space<hbm>> -> memref<128x64xf32, #tpu.memory_space<hbm>>
    %dma_start3A_179 = tpu.memref_slice %arg15[%dma_start3A_176] : memref<8x!tpu.dma_semaphore, #tpu.memory_space<semaphore_mem>> -> memref<1x!tpu.dma_semaphore, #tpu.memory_space<semaphore_mem>>
    %dma_start3A_180 = tpu.memref_squeeze %dma_start3A_179 : memref<1x!tpu.dma_semaphore, #tpu.memory_space<semaphore_mem>> -> memref<!tpu.dma_semaphore, #tpu.memory_space<semaphore_mem>>
    %dma_start3A_181 = arith.constant 0 : i32
    %dma_start3A_182 = tpu.memref_slice %arg4[%add3A_175, %dma_start3A_181] : memref<819200x64xf32, #tpu.memory_space<hbm>> -> memref<128x64xf32, #tpu.memory_space<hbm>>
    tpu.enqueue_dma source(%arg10 : memref<128x64xf32, #tpu.memory_space<vmem>>) target(%dma_start3A_182 : memref<128x64xf32, #tpu.memory_space<hbm>>) target_semaphore(%dma_start3A_180 : memref<!tpu.dma_semaphore, #tpu.memory_space<semaphore_mem>>)
    %dma_wait3A_183 = arith.constant 5 : i32
    %dma_wait3A_184 = arith.constant 25216 : i32
    %dma_wait3A_185 = tpu.memref_slice %arg5[%dma_wait3A_184] : memref<25600xi32, #tpu.memory_space<vmem>> -> memref<128xi32, #tpu.memory_space<vmem>>
    %dma_wait3A_186 = arith.constant 0 : i32
    %dma_wait3A_187 = arith.constant 0 : i32
    %dma_wait3A_188 = tpu.memref_slice %arg2[%dma_wait3A_186, %dma_wait3A_187] : memref<1000000x64xf32, #tpu.memory_space<hbm>> -> memref<1000000x64xf32, #tpu.memory_space<hbm>>
    %dma_wait3A_189 = tpu.memref_slice %arg14[%dma_wait3A_183] : memref<8x!tpu.dma_semaphore, #tpu.memory_space<semaphore_mem>> -> memref<1x!tpu.dma_semaphore, #tpu.memory_space<semaphore_mem>>
    %dma_wait3A_190 = tpu.memref_squeeze %dma_wait3A_189 : memref<1x!tpu.dma_semaphore, #tpu.memory_space<semaphore_mem>> -> memref<!tpu.dma_semaphore, #tpu.memory_space<semaphore_mem>>
    tpu.wait_indirect_dma semaphore(%dma_wait3A_190 : memref<!tpu.dma_semaphore, #tpu.memory_space<semaphore_mem>>) src(%dma_wait3A_188 : memref<1000000x64xf32, #tpu.memory_space<hbm>>) dst(%arg11 : memref<128x64xf32, #tpu.memory_space<vmem>>)
    %scan3A_191 = arith.constant 0 : i32
    %scan3A_192 = arith.constant 128 : i32
    %scan3A_193 = arith.addi %scan3A_191, %scan3A_192 : i32
    %scan3A_194 = arith.constant 1 : i32
    scf.for %scan3A_321 = %scan3A_191 to %scan3A_193 step %scan3A_194  : i32 {
      %mul3A_322 = arith.constant 1 : i32
      %mul3A_323 = arith.muli %scan3A_321, %mul3A_322 : i32
      %add3A_324 = arith.constant 0 : i32
      %add3A_325 = arith.addi %add3A_324, %mul3A_323 : i32
      %get3A = arith.index_cast %add3A_325 : i32 to index
      %get3A_326 = arith.constant 0 : index
      %get3A_327 = tpu.vector_load %arg11[%get3A, %get3A_326] {strides = array<i32>} : memref<128x64xf32, #tpu.memory_space<vmem>>, vector<1x16xf32>,
      %get3A_328 = vector.shape_cast %get3A_327 : vector<1x16xf32> to vector<16xf32>
      %mul3A_329 = arith.constant 8.000000e+00 : f32
      %mul3A_330 = vector.broadcast %mul3A_329 : f32 to vector<16xf32>
      %mul3A_331 = arith.mulf %get3A_328, %mul3A_330 : vector<16xf32>
      %swap3A = arith.index_cast %add3A_325 : i32 to index
      %swap3A_332 = arith.constant 0 : index
      %swap3A_333 = tpu.vector_load %arg11[%swap3A, %swap3A_332] {strides = array<i32>} : memref<128x64xf32, #tpu.memory_space<vmem>>, vector<1x16xf32>,
      %swap3A_334 = vector.shape_cast %swap3A_333 : vector<1x16xf32> to vector<16xf32>
      %swap3A_335 = vector.shape_cast %mul3A_331 : vector<16xf32> to vector<1x16xf32>
      tpu.vector_store %arg11[%swap3A, %swap3A_332], %swap3A_335 {strides = array<i32>} : memref<128x64xf32, #tpu.memory_space<vmem>>, vector<1x16xf32>,
      %get3A_336 = arith.index_cast %add3A_325 : i32 to index
      %get3A_337 = arith.constant 16 : index
      %get3A_338 = tpu.vector_load %arg11[%get3A_336, %get3A_337] {strides = array<i32>} : memref<128x64xf32, #tpu.memory_space<vmem>>, vector<1x16xf32>,
      %get3A_339 = vector.shape_cast %get3A_338 : vector<1x16xf32> to vector<16xf32>
      %mul3A_340 = arith.constant 8.000000e+00 : f32
      %mul3A_341 = vector.broadcast %mul3A_340 : f32 to vector<16xf32>
      %mul3A_342 = arith.mulf %get3A_339, %mul3A_341 : vector<16xf32>
      %swap3A_343 = arith.index_cast %add3A_325 : i32 to index
      %swap3A_344 = arith.constant 16 : index
      %swap3A_345 = tpu.vector_load %arg11[%swap3A_343, %swap3A_344] {strides = array<i32>} : memref<128x64xf32, #tpu.memory_space<vmem>>, vector<1x16xf32>,
      %swap3A_346 = vector.shape_cast %swap3A_345 : vector<1x16xf32> to vector<16xf32>
      %swap3A_347 = vector.shape_cast %mul3A_342 : vector<16xf32> to vector<1x16xf32>
      tpu.vector_store %arg11[%swap3A_343, %swap3A_344], %swap3A_347 {strides = array<i32>} : memref<128x64xf32, #tpu.memory_space<vmem>>, vector<1x16xf32>,
      %get3A_348 = arith.index_cast %add3A_325 : i32 to index
      %get3A_349 = arith.constant 32 : index
      %get3A_350 = tpu.vector_load %arg11[%get3A_348, %get3A_349] {strides = array<i32>} : memref<128x64xf32, #tpu.memory_space<vmem>>, vector<1x16xf32>,
      %get3A_351 = vector.shape_cast %get3A_350 : vector<1x16xf32> to vector<16xf32>
      %mul3A_352 = arith.constant 8.000000e+00 : f32
      %mul3A_353 = vector.broadcast %mul3A_352 : f32 to vector<16xf32>
      %mul3A_354 = arith.mulf %get3A_351, %mul3A_353 : vector<16xf32>
      %swap3A_355 = arith.index_cast %add3A_325 : i32 to index
      %swap3A_356 = arith.constant 32 : index
      %swap3A_357 = tpu.vector_load %arg11[%swap3A_355, %swap3A_356] {strides = array<i32>} : memref<128x64xf32, #tpu.memory_space<vmem>>, vector<1x16xf32>,
      %swap3A_358 = vector.shape_cast %swap3A_357 : vector<1x16xf32> to vector<16xf32>
      %swap3A_359 = vector.shape_cast %mul3A_354 : vector<16xf32> to vector<1x16xf32>
      tpu.vector_store %arg11[%swap3A_355, %swap3A_356], %swap3A_359 {strides = array<i32>} : memref<128x64xf32, #tpu.memory_space<vmem>>, vector<1x16xf32>,
      %get3A_360 = arith.index_cast %add3A_325 : i32 to index
      %get3A_361 = arith.constant 48 : index
      %get3A_362 = tpu.vector_load %arg11[%get3A_360, %get3A_361] {strides = array<i32>} : memref<128x64xf32, #tpu.memory_space<vmem>>, vector<1x16xf32>,
      %get3A_363 = vector.shape_cast %get3A_362 : vector<1x16xf32> to vector<16xf32>
      %mul3A_364 = arith.constant 8.000000e+00 : f32
      %mul3A_365 = vector.broadcast %mul3A_364 : f32 to vector<16xf32>
      %mul3A_366 = arith.mulf %get3A_363, %mul3A_365 : vector<16xf32>
      %swap3A_367 = arith.index_cast %add3A_325 : i32 to index
      %swap3A_368 = arith.constant 48 : index
      %swap3A_369 = tpu.vector_load %arg11[%swap3A_367, %swap3A_368] {strides = array<i32>} : memref<128x64xf32, #tpu.memory_space<vmem>>, vector<1x16xf32>,
      %swap3A_370 = vector.shape_cast %swap3A_369 : vector<1x16xf32> to vector<16xf32>
      %swap3A_371 = vector.shape_cast %mul3A_366 : vector<16xf32> to vector<1x16xf32>
      tpu.vector_store %arg11[%swap3A_367, %swap3A_368], %swap3A_371 {strides = array<i32>} : memref<128x64xf32, #tpu.memory_space<vmem>>, vector<1x16xf32>,
    }
    %scan3A_195 = arith.constant 128 : i32
    %add3A_196 = arith.constant 25216 : i32
    %add3A_197 = arith.addi %mul3A_2, %add3A_196 : i32
    %dma_start3A_198 = arith.constant 5 : i32
    %dma_start3A_199 = arith.constant 0 : i32
    %dma_start3A_200 = tpu.memref_slice %arg4[%add3A_197, %dma_start3A_199] : memref<819200x64xf32, #tpu.memory_space<hbm>> -> memref<128x64xf32, #tpu.memory_space<hbm>>
    %dma_start3A_201 = tpu.memref_slice %arg15[%dma_start3A_198] : memref<8x!tpu.dma_semaphore, #tpu.memory_space<semaphore_mem>> -> memref<1x!tpu.dma_semaphore, #tpu.memory_space<semaphore_mem>>
    %dma_start3A_202 = tpu.memref_squeeze %dma_start3A_201 : memref<1x!tpu.dma_semaphore, #tpu.memory_space<semaphore_mem>> -> memref<!tpu.dma_semaphore, #tpu.memory_space<semaphore_mem>>
    %dma_start3A_203 = arith.constant 0 : i32
    %dma_start3A_204 = tpu.memref_slice %arg4[%add3A_197, %dma_start3A_203] : memref<819200x64xf32, #tpu.memory_space<hbm>> -> memref<128x64xf32, #tpu.memory_space<hbm>>
    tpu.enqueue_dma source(%arg11 : memref<128x64xf32, #tpu.memory_space<vmem>>) target(%dma_start3A_204 : memref<128x64xf32, #tpu.memory_space<hbm>>) target_semaphore(%dma_start3A_202 : memref<!tpu.dma_semaphore, #tpu.memory_space<semaphore_mem>>)
    %dma_wait3A_205 = arith.constant 6 : i32
    %dma_wait3A_206 = arith.constant 25344 : i32
    %dma_wait3A_207 = tpu.memref_slice %arg5[%dma_wait3A_206] : memref<25600xi32, #tpu.memory_space<vmem>> -> memref<128xi32, #tpu.memory_space<vmem>>
    %dma_wait3A_208 = arith.constant 0 : i32
    %dma_wait3A_209 = arith.constant 0 : i32
    %dma_wait3A_210 = tpu.memref_slice %arg2[%dma_wait3A_208, %dma_wait3A_209] : memref<1000000x64xf32, #tpu.memory_space<hbm>> -> memref<1000000x64xf32, #tpu.memory_space<hbm>>
    %dma_wait3A_211 = tpu.memref_slice %arg14[%dma_wait3A_205] : memref<8x!tpu.dma_semaphore, #tpu.memory_space<semaphore_mem>> -> memref<1x!tpu.dma_semaphore, #tpu.memory_space<semaphore_mem>>
    %dma_wait3A_212 = tpu.memref_squeeze %dma_wait3A_211 : memref<1x!tpu.dma_semaphore, #tpu.memory_space<semaphore_mem>> -> memref<!tpu.dma_semaphore, #tpu.memory_space<semaphore_mem>>
    tpu.wait_indirect_dma semaphore(%dma_wait3A_212 : memref<!tpu.dma_semaphore, #tpu.memory_space<semaphore_mem>>) src(%dma_wait3A_210 : memref<1000000x64xf32, #tpu.memory_space<hbm>>) dst(%arg12 : memref<128x64xf32, #tpu.memory_space<vmem>>)
    %scan3A_213 = arith.constant 0 : i32
    %scan3A_214 = arith.constant 128 : i32
    %scan3A_215 = arith.addi %scan3A_213, %scan3A_214 : i32
    %scan3A_216 = arith.constant 1 : i32
    scf.for %scan3A_321 = %scan3A_213 to %scan3A_215 step %scan3A_216  : i32 {
      %mul3A_322 = arith.constant 1 : i32
      %mul3A_323 = arith.muli %scan3A_321, %mul3A_322 : i32
      %add3A_324 = arith.constant 0 : i32
      %add3A_325 = arith.addi %add3A_324, %mul3A_323 : i32
      %get3A = arith.index_cast %add3A_325 : i32 to index
      %get3A_326 = arith.constant 0 : index
      %get3A_327 = tpu.vector_load %arg12[%get3A, %get3A_326] {strides = array<i32>} : memref<128x64xf32, #tpu.memory_space<vmem>>, vector<1x16xf32>,
      %get3A_328 = vector.shape_cast %get3A_327 : vector<1x16xf32> to vector<16xf32>
      %mul3A_329 = arith.constant 8.000000e+00 : f32
      %mul3A_330 = vector.broadcast %mul3A_329 : f32 to vector<16xf32>
      %mul3A_331 = arith.mulf %get3A_328, %mul3A_330 : vector<16xf32>
      %swap3A = arith.index_cast %add3A_325 : i32 to index
      %swap3A_332 = arith.constant 0 : index
      %swap3A_333 = tpu.vector_load %arg12[%swap3A, %swap3A_332] {strides = array<i32>} : memref<128x64xf32, #tpu.memory_space<vmem>>, vector<1x16xf32>,
      %swap3A_334 = vector.shape_cast %swap3A_333 : vector<1x16xf32> to vector<16xf32>
      %swap3A_335 = vector.shape_cast %mul3A_331 : vector<16xf32> to vector<1x16xf32>
      tpu.vector_store %arg12[%swap3A, %swap3A_332], %swap3A_335 {strides = array<i32>} : memref<128x64xf32, #tpu.memory_space<vmem>>, vector<1x16xf32>,
      %get3A_336 = arith.index_cast %add3A_325 : i32 to index
      %get3A_337 = arith.constant 16 : index
      %get3A_338 = tpu.vector_load %arg12[%get3A_336, %get3A_337] {strides = array<i32>} : memref<128x64xf32, #tpu.memory_space<vmem>>, vector<1x16xf32>,
      %get3A_339 = vector.shape_cast %get3A_338 : vector<1x16xf32> to vector<16xf32>
      %mul3A_340 = arith.constant 8.000000e+00 : f32
      %mul3A_341 = vector.broadcast %mul3A_340 : f32 to vector<16xf32>
      %mul3A_342 = arith.mulf %get3A_339, %mul3A_341 : vector<16xf32>
      %swap3A_343 = arith.index_cast %add3A_325 : i32 to index
      %swap3A_344 = arith.constant 16 : index
      %swap3A_345 = tpu.vector_load %arg12[%swap3A_343, %swap3A_344] {strides = array<i32>} : memref<128x64xf32, #tpu.memory_space<vmem>>, vector<1x16xf32>,
      %swap3A_346 = vector.shape_cast %swap3A_345 : vector<1x16xf32> to vector<16xf32>
      %swap3A_347 = vector.shape_cast %mul3A_342 : vector<16xf32> to vector<1x16xf32>
      tpu.vector_store %arg12[%swap3A_343, %swap3A_344], %swap3A_347 {strides = array<i32>} : memref<128x64xf32, #tpu.memory_space<vmem>>, vector<1x16xf32>,
      %get3A_348 = arith.index_cast %add3A_325 : i32 to index
      %get3A_349 = arith.constant 32 : index
      %get3A_350 = tpu.vector_load %arg12[%get3A_348, %get3A_349] {strides = array<i32>} : memref<128x64xf32, #tpu.memory_space<vmem>>, vector<1x16xf32>,
      %get3A_351 = vector.shape_cast %get3A_350 : vector<1x16xf32> to vector<16xf32>
      %mul3A_352 = arith.constant 8.000000e+00 : f32
      %mul3A_353 = vector.broadcast %mul3A_352 : f32 to vector<16xf32>
      %mul3A_354 = arith.mulf %get3A_351, %mul3A_353 : vector<16xf32>
      %swap3A_355 = arith.index_cast %add3A_325 : i32 to index
      %swap3A_356 = arith.constant 32 : index
      %swap3A_357 = tpu.vector_load %arg12[%swap3A_355, %swap3A_356] {strides = array<i32>} : memref<128x64xf32, #tpu.memory_space<vmem>>, vector<1x16xf32>,
      %swap3A_358 = vector.shape_cast %swap3A_357 : vector<1x16xf32> to vector<16xf32>
      %swap3A_359 = vector.shape_cast %mul3A_354 : vector<16xf32> to vector<1x16xf32>
      tpu.vector_store %arg12[%swap3A_355, %swap3A_356], %swap3A_359 {strides = array<i32>} : memref<128x64xf32, #tpu.memory_space<vmem>>, vector<1x16xf32>,
      %get3A_360 = arith.index_cast %add3A_325 : i32 to index
      %get3A_361 = arith.constant 48 : index
      %get3A_362 = tpu.vector_load %arg12[%get3A_360, %get3A_361] {strides = array<i32>} : memref<128x64xf32, #tpu.memory_space<vmem>>, vector<1x16xf32>,
      %get3A_363 = vector.shape_cast %get3A_362 : vector<1x16xf32> to vector<16xf32>
      %mul3A_364 = arith.constant 8.000000e+00 : f32
      %mul3A_365 = vector.broadcast %mul3A_364 : f32 to vector<16xf32>
      %mul3A_366 = arith.mulf %get3A_363, %mul3A_365 : vector<16xf32>
      %swap3A_367 = arith.index_cast %add3A_325 : i32 to index
      %swap3A_368 = arith.constant 48 : index
      %swap3A_369 = tpu.vector_load %arg12[%swap3A_367, %swap3A_368] {strides = array<i32>} : memref<128x64xf32, #tpu.memory_space<vmem>>, vector<1x16xf32>,
      %swap3A_370 = vector.shape_cast %swap3A_369 : vector<1x16xf32> to vector<16xf32>
      %swap3A_371 = vector.shape_cast %mul3A_366 : vector<16xf32> to vector<1x16xf32>
      tpu.vector_store %arg12[%swap3A_367, %swap3A_368], %swap3A_371 {strides = array<i32>} : memref<128x64xf32, #tpu.memory_space<vmem>>, vector<1x16xf32>,
    }
    %scan3A_217 = arith.constant 128 : i32
    %add3A_218 = arith.constant 25344 : i32
    %add3A_219 = arith.addi %mul3A_2, %add3A_218 : i32
    %dma_start3A_220 = arith.constant 6 : i32
    %dma_start3A_221 = arith.constant 0 : i32
    %dma_start3A_222 = tpu.memref_slice %arg4[%add3A_219, %dma_start3A_221] : memref<819200x64xf32, #tpu.memory_space<hbm>> -> memref<128x64xf32, #tpu.memory_space<hbm>>
    %dma_start3A_223 = tpu.memref_slice %arg15[%dma_start3A_220] : memref<8x!tpu.dma_semaphore, #tpu.memory_space<semaphore_mem>> -> memref<1x!tpu.dma_semaphore, #tpu.memory_space<semaphore_mem>>
    %dma_start3A_224 = tpu.memref_squeeze %dma_start3A_223 : memref<1x!tpu.dma_semaphore, #tpu.memory_space<semaphore_mem>> -> memref<!tpu.dma_semaphore, #tpu.memory_space<semaphore_mem>>
    %dma_start3A_225 = arith.constant 0 : i32
    %dma_start3A_226 = tpu.memref_slice %arg4[%add3A_219, %dma_start3A_225] : memref<819200x64xf32, #tpu.memory_space<hbm>> -> memref<128x64xf32, #tpu.memory_space<hbm>>
    tpu.enqueue_dma source(%arg12 : memref<128x64xf32, #tpu.memory_space<vmem>>) target(%dma_start3A_226 : memref<128x64xf32, #tpu.memory_space<hbm>>) target_semaphore(%dma_start3A_224 : memref<!tpu.dma_semaphore, #tpu.memory_space<semaphore_mem>>)
    %dma_wait3A_227 = arith.constant 7 : i32
    %dma_wait3A_228 = arith.constant 25472 : i32
    %dma_wait3A_229 = tpu.memref_slice %arg5[%dma_wait3A_228] : memref<25600xi32, #tpu.memory_space<vmem>> -> memref<128xi32, #tpu.memory_space<vmem>>
    %dma_wait3A_230 = arith.constant 0 : i32
    %dma_wait3A_231 = arith.constant 0 : i32
    %dma_wait3A_232 = tpu.memref_slice %arg2[%dma_wait3A_230, %dma_wait3A_231] : memref<1000000x64xf32, #tpu.memory_space<hbm>> -> memref<1000000x64xf32, #tpu.memory_space<hbm>>
    %dma_wait3A_233 = tpu.memref_slice %arg14[%dma_wait3A_227] : memref<8x!tpu.dma_semaphore, #tpu.memory_space<semaphore_mem>> -> memref<1x!tpu.dma_semaphore, #tpu.memory_space<semaphore_mem>>
    %dma_wait3A_234 = tpu.memref_squeeze %dma_wait3A_233 : memref<1x!tpu.dma_semaphore, #tpu.memory_space<semaphore_mem>> -> memref<!tpu.dma_semaphore, #tpu.memory_space<semaphore_mem>>
    tpu.wait_indirect_dma semaphore(%dma_wait3A_234 : memref<!tpu.dma_semaphore, #tpu.memory_space<semaphore_mem>>) src(%dma_wait3A_232 : memref<1000000x64xf32, #tpu.memory_space<hbm>>) dst(%arg13 : memref<128x64xf32, #tpu.memory_space<vmem>>)
    %scan3A_235 = arith.constant 0 : i32
    %scan3A_236 = arith.constant 128 : i32
    %scan3A_237 = arith.addi %scan3A_235, %scan3A_236 : i32
    %scan3A_238 = arith.constant 1 : i32
    scf.for %scan3A_321 = %scan3A_235 to %scan3A_237 step %scan3A_238  : i32 {
      %mul3A_322 = arith.constant 1 : i32
      %mul3A_323 = arith.muli %scan3A_321, %mul3A_322 : i32
      %add3A_324 = arith.constant 0 : i32
      %add3A_325 = arith.addi %add3A_324, %mul3A_323 : i32
      %get3A = arith.index_cast %add3A_325 : i32 to index
      %get3A_326 = arith.constant 0 : index
      %get3A_327 = tpu.vector_load %arg13[%get3A, %get3A_326] {strides = array<i32>} : memref<128x64xf32, #tpu.memory_space<vmem>>, vector<1x16xf32>,
      %get3A_328 = vector.shape_cast %get3A_327 : vector<1x16xf32> to vector<16xf32>
      %mul3A_329 = arith.constant 8.000000e+00 : f32
      %mul3A_330 = vector.broadcast %mul3A_329 : f32 to vector<16xf32>
      %mul3A_331 = arith.mulf %get3A_328, %mul3A_330 : vector<16xf32>
      %swap3A = arith.index_cast %add3A_325 : i32 to index
      %swap3A_332 = arith.constant 0 : index
      %swap3A_333 = tpu.vector_load %arg13[%swap3A, %swap3A_332] {strides = array<i32>} : memref<128x64xf32, #tpu.memory_space<vmem>>, vector<1x16xf32>,
      %swap3A_334 = vector.shape_cast %swap3A_333 : vector<1x16xf32> to vector<16xf32>
      %swap3A_335 = vector.shape_cast %mul3A_331 : vector<16xf32> to vector<1x16xf32>
      tpu.vector_store %arg13[%swap3A, %swap3A_332], %swap3A_335 {strides = array<i32>} : memref<128x64xf32, #tpu.memory_space<vmem>>, vector<1x16xf32>,
      %get3A_336 = arith.index_cast %add3A_325 : i32 to index
      %get3A_337 = arith.constant 16 : index
      %get3A_338 = tpu.vector_load %arg13[%get3A_336, %get3A_337] {strides = array<i32>} : memref<128x64xf32, #tpu.memory_space<vmem>>, vector<1x16xf32>,
      %get3A_339 = vector.shape_cast %get3A_338 : vector<1x16xf32> to vector<16xf32>
      %mul3A_340 = arith.constant 8.000000e+00 : f32
      %mul3A_341 = vector.broadcast %mul3A_340 : f32 to vector<16xf32>
      %mul3A_342 = arith.mulf %get3A_339, %mul3A_341 : vector<16xf32>
      %swap3A_343 = arith.index_cast %add3A_325 : i32 to index
      %swap3A_344 = arith.constant 16 : index
      %swap3A_345 = tpu.vector_load %arg13[%swap3A_343, %swap3A_344] {strides = array<i32>} : memref<128x64xf32, #tpu.memory_space<vmem>>, vector<1x16xf32>,
      %swap3A_346 = vector.shape_cast %swap3A_345 : vector<1x16xf32> to vector<16xf32>
      %swap3A_347 = vector.shape_cast %mul3A_342 : vector<16xf32> to vector<1x16xf32>
      tpu.vector_store %arg13[%swap3A_343, %swap3A_344], %swap3A_347 {strides = array<i32>} : memref<128x64xf32, #tpu.memory_space<vmem>>, vector<1x16xf32>,
      %get3A_348 = arith.index_cast %add3A_325 : i32 to index
      %get3A_349 = arith.constant 32 : index
      %get3A_350 = tpu.vector_load %arg13[%get3A_348, %get3A_349] {strides = array<i32>} : memref<128x64xf32, #tpu.memory_space<vmem>>, vector<1x16xf32>,
      %get3A_351 = vector.shape_cast %get3A_350 : vector<1x16xf32> to vector<16xf32>
      %mul3A_352 = arith.constant 8.000000e+00 : f32
      %mul3A_353 = vector.broadcast %mul3A_352 : f32 to vector<16xf32>
      %mul3A_354 = arith.mulf %get3A_351, %mul3A_353 : vector<16xf32>
      %swap3A_355 = arith.index_cast %add3A_325 : i32 to index
      %swap3A_356 = arith.constant 32 : index
      %swap3A_357 = tpu.vector_load %arg13[%swap3A_355, %swap3A_356] {strides = array<i32>} : memref<128x64xf32, #tpu.memory_space<vmem>>, vector<1x16xf32>,
      %swap3A_358 = vector.shape_cast %swap3A_357 : vector<1x16xf32> to vector<16xf32>
      %swap3A_359 = vector.shape_cast %mul3A_354 : vector<16xf32> to vector<1x16xf32>
      tpu.vector_store %arg13[%swap3A_355, %swap3A_356], %swap3A_359 {strides = array<i32>} : memref<128x64xf32, #tpu.memory_space<vmem>>, vector<1x16xf32>,
      %get3A_360 = arith.index_cast %add3A_325 : i32 to index
      %get3A_361 = arith.constant 48 : index
      %get3A_362 = tpu.vector_load %arg13[%get3A_360, %get3A_361] {strides = array<i32>} : memref<128x64xf32, #tpu.memory_space<vmem>>, vector<1x16xf32>,
      %get3A_363 = vector.shape_cast %get3A_362 : vector<1x16xf32> to vector<16xf32>
      %mul3A_364 = arith.constant 8.000000e+00 : f32
      %mul3A_365 = vector.broadcast %mul3A_364 : f32 to vector<16xf32>
      %mul3A_366 = arith.mulf %get3A_363, %mul3A_365 : vector<16xf32>
      %swap3A_367 = arith.index_cast %add3A_325 : i32 to index
      %swap3A_368 = arith.constant 48 : index
      %swap3A_369 = tpu.vector_load %arg13[%swap3A_367, %swap3A_368] {strides = array<i32>} : memref<128x64xf32, #tpu.memory_space<vmem>>, vector<1x16xf32>,
      %swap3A_370 = vector.shape_cast %swap3A_369 : vector<1x16xf32> to vector<16xf32>
      %swap3A_371 = vector.shape_cast %mul3A_366 : vector<16xf32> to vector<1x16xf32>
      tpu.vector_store %arg13[%swap3A_367, %swap3A_368], %swap3A_371 {strides = array<i32>} : memref<128x64xf32, #tpu.memory_space<vmem>>, vector<1x16xf32>,
    }
    %scan3A_239 = arith.constant 128 : i32
    %add3A_240 = arith.constant 25472 : i32
    %add3A_241 = arith.addi %mul3A_2, %add3A_240 : i32
    %dma_start3A_242 = arith.constant 7 : i32
    %dma_start3A_243 = arith.constant 0 : i32
    %dma_start3A_244 = tpu.memref_slice %arg4[%add3A_241, %dma_start3A_243] : memref<819200x64xf32, #tpu.memory_space<hbm>> -> memref<128x64xf32, #tpu.memory_space<hbm>>
    %dma_start3A_245 = tpu.memref_slice %arg15[%dma_start3A_242] : memref<8x!tpu.dma_semaphore, #tpu.memory_space<semaphore_mem>> -> memref<1x!tpu.dma_semaphore, #tpu.memory_space<semaphore_mem>>
    %dma_start3A_246 = tpu.memref_squeeze %dma_start3A_245 : memref<1x!tpu.dma_semaphore, #tpu.memory_space<semaphore_mem>> -> memref<!tpu.dma_semaphore, #tpu.memory_space<semaphore_mem>>
    %dma_start3A_247 = arith.constant 0 : i32
    %dma_start3A_248 = tpu.memref_slice %arg4[%add3A_241, %dma_start3A_247] : memref<819200x64xf32, #tpu.memory_space<hbm>> -> memref<128x64xf32, #tpu.memory_space<hbm>>
    tpu.enqueue_dma source(%arg13 : memref<128x64xf32, #tpu.memory_space<vmem>>) target(%dma_start3A_248 : memref<128x64xf32, #tpu.memory_space<hbm>>) target_semaphore(%dma_start3A_246 : memref<!tpu.dma_semaphore, #tpu.memory_space<semaphore_mem>>)
    %add3A_249 = arith.constant 24576 : i32
    %add3A_250 = arith.addi %mul3A_2, %add3A_249 : i32
    %dma_wait3A_251 = arith.constant 0 : i32
    %dma_wait3A_252 = arith.constant 0 : i32
    %dma_wait3A_253 = tpu.memref_slice %arg4[%add3A_250, %dma_wait3A_252] : memref<819200x64xf32, #tpu.memory_space<hbm>> -> memref<128x64xf32, #tpu.memory_space<hbm>>
    %dma_wait3A_254 = tpu.memref_slice %arg15[%dma_wait3A_251] : memref<8x!tpu.dma_semaphore, #tpu.memory_space<semaphore_mem>> -> memref<1x!tpu.dma_semaphore, #tpu.memory_space<semaphore_mem>>
    %dma_wait3A_255 = tpu.memref_squeeze %dma_wait3A_254 : memref<1x!tpu.dma_semaphore, #tpu.memory_space<semaphore_mem>> -> memref<!tpu.dma_semaphore, #tpu.memory_space<semaphore_mem>>
    %dma_wait3A_256 = arith.constant 0 : i32
    %dma_wait3A_257 = tpu.memref_slice %arg4[%add3A_250, %dma_wait3A_256] : memref<819200x64xf32, #tpu.memory_space<hbm>> -> memref<128x64xf32, #tpu.memory_space<hbm>>
    tpu.wait_dma2 semaphore(%dma_wait3A_255 : memref<!tpu.dma_semaphore, #tpu.memory_space<semaphore_mem>>) src(%arg6 : memref<128x64xf32, #tpu.memory_space<vmem>>) dst(%dma_wait3A_257 : memref<128x64xf32, #tpu.memory_space<hbm>>)
    %add3A_258 = arith.constant 24704 : i32
    %add3A_259 = arith.addi %mul3A_2, %add3A_258 : i32
    %dma_wait3A_260 = arith.constant 1 : i32
    %dma_wait3A_261 = arith.constant 0 : i32
    %dma_wait3A_262 = tpu.memref_slice %arg4[%add3A_259, %dma_wait3A_261] : memref<819200x64xf32, #tpu.memory_space<hbm>> -> memref<128x64xf32, #tpu.memory_space<hbm>>
    %dma_wait3A_263 = tpu.memref_slice %arg15[%dma_wait3A_260] : memref<8x!tpu.dma_semaphore, #tpu.memory_space<semaphore_mem>> -> memref<1x!tpu.dma_semaphore, #tpu.memory_space<semaphore_mem>>
    %dma_wait3A_264 = tpu.memref_squeeze %dma_wait3A_263 : memref<1x!tpu.dma_semaphore, #tpu.memory_space<semaphore_mem>> -> memref<!tpu.dma_semaphore, #tpu.memory_space<semaphore_mem>>
    %dma_wait3A_265 = arith.constant 0 : i32
    %dma_wait3A_266 = tpu.memref_slice %arg4[%add3A_259, %dma_wait3A_265] : memref<819200x64xf32, #tpu.memory_space<hbm>> -> memref<128x64xf32, #tpu.memory_space<hbm>>
    tpu.wait_dma2 semaphore(%dma_wait3A_264 : memref<!tpu.dma_semaphore, #tpu.memory_space<semaphore_mem>>) src(%arg7 : memref<128x64xf32, #tpu.memory_space<vmem>>) dst(%dma_wait3A_266 : memref<128x64xf32, #tpu.memory_space<hbm>>)
    %add3A_267 = arith.constant 24832 : i32
    %add3A_268 = arith.addi %mul3A_2, %add3A_267 : i32
    %dma_wait3A_269 = arith.constant 2 : i32
    %dma_wait3A_270 = arith.constant 0 : i32
    %dma_wait3A_271 = tpu.memref_slice %arg4[%add3A_268, %dma_wait3A_270] : memref<819200x64xf32, #tpu.memory_space<hbm>> -> memref<128x64xf32, #tpu.memory_space<hbm>>
    %dma_wait3A_272 = tpu.memref_slice %arg15[%dma_wait3A_269] : memref<8x!tpu.dma_semaphore, #tpu.memory_space<semaphore_mem>> -> memref<1x!tpu.dma_semaphore, #tpu.memory_space<semaphore_mem>>
    %dma_wait3A_273 = tpu.memref_squeeze %dma_wait3A_272 : memref<1x!tpu.dma_semaphore, #tpu.memory_space<semaphore_mem>> -> memref<!tpu.dma_semaphore, #tpu.memory_space<semaphore_mem>>
    %dma_wait3A_274 = arith.constant 0 : i32
    %dma_wait3A_275 = tpu.memref_slice %arg4[%add3A_268, %dma_wait3A_274] : memref<819200x64xf32, #tpu.memory_space<hbm>> -> memref<128x64xf32, #tpu.memory_space<hbm>>
    tpu.wait_dma2 semaphore(%dma_wait3A_273 : memref<!tpu.dma_semaphore, #tpu.memory_space<semaphore_mem>>) src(%arg8 : memref<128x64xf32, #tpu.memory_space<vmem>>) dst(%dma_wait3A_275 : memref<128x64xf32, #tpu.memory_space<hbm>>)
    %add3A_276 = arith.constant 24960 : i32
    %add3A_277 = arith.addi %mul3A_2, %add3A_276 : i32
    %dma_wait3A_278 = arith.constant 3 : i32
    %dma_wait3A_279 = arith.constant 0 : i32
    %dma_wait3A_280 = tpu.memref_slice %arg4[%add3A_277, %dma_wait3A_279] : memref<819200x64xf32, #tpu.memory_space<hbm>> -> memref<128x64xf32, #tpu.memory_space<hbm>>
    %dma_wait3A_281 = tpu.memref_slice %arg15[%dma_wait3A_278] : memref<8x!tpu.dma_semaphore, #tpu.memory_space<semaphore_mem>> -> memref<1x!tpu.dma_semaphore, #tpu.memory_space<semaphore_mem>>
    %dma_wait3A_282 = tpu.memref_squeeze %dma_wait3A_281 : memref<1x!tpu.dma_semaphore, #tpu.memory_space<semaphore_mem>> -> memref<!tpu.dma_semaphore, #tpu.memory_space<semaphore_mem>>
    %dma_wait3A_283 = arith.constant 0 : i32
    %dma_wait3A_284 = tpu.memref_slice %arg4[%add3A_277, %dma_wait3A_283] : memref<819200x64xf32, #tpu.memory_space<hbm>> -> memref<128x64xf32, #tpu.memory_space<hbm>>
    tpu.wait_dma2 semaphore(%dma_wait3A_282 : memref<!tpu.dma_semaphore, #tpu.memory_space<semaphore_mem>>) src(%arg9 : memref<128x64xf32, #tpu.memory_space<vmem>>) dst(%dma_wait3A_284 : memref<128x64xf32, #tpu.memory_space<hbm>>)
    %add3A_285 = arith.constant 25088 : i32
    %add3A_286 = arith.addi %mul3A_2, %add3A_285 : i32
    %dma_wait3A_287 = arith.constant 4 : i32
    %dma_wait3A_288 = arith.constant 0 : i32
    %dma_wait3A_289 = tpu.memref_slice %arg4[%add3A_286, %dma_wait3A_288] : memref<819200x64xf32, #tpu.memory_space<hbm>> -> memref<128x64xf32, #tpu.memory_space<hbm>>
    %dma_wait3A_290 = tpu.memref_slice %arg15[%dma_wait3A_287] : memref<8x!tpu.dma_semaphore, #tpu.memory_space<semaphore_mem>> -> memref<1x!tpu.dma_semaphore, #tpu.memory_space<semaphore_mem>>
    %dma_wait3A_291 = tpu.memref_squeeze %dma_wait3A_290 : memref<1x!tpu.dma_semaphore, #tpu.memory_space<semaphore_mem>> -> memref<!tpu.dma_semaphore, #tpu.memory_space<semaphore_mem>>
    %dma_wait3A_292 = arith.constant 0 : i32
    %dma_wait3A_293 = tpu.memref_slice %arg4[%add3A_286, %dma_wait3A_292] : memref<819200x64xf32, #tpu.memory_space<hbm>> -> memref<128x64xf32, #tpu.memory_space<hbm>>
    tpu.wait_dma2 semaphore(%dma_wait3A_291 : memref<!tpu.dma_semaphore, #tpu.memory_space<semaphore_mem>>) src(%arg10 : memref<128x64xf32, #tpu.memory_space<vmem>>) dst(%dma_wait3A_293 : memref<128x64xf32, #tpu.memory_space<hbm>>)
    %add3A_294 = arith.constant 25216 : i32
    %add3A_295 = arith.addi %mul3A_2, %add3A_294 : i32
    %dma_wait3A_296 = arith.constant 5 : i32
    %dma_wait3A_297 = arith.constant 0 : i32
    %dma_wait3A_298 = tpu.memref_slice %arg4[%add3A_295, %dma_wait3A_297] : memref<819200x64xf32, #tpu.memory_space<hbm>> -> memref<128x64xf32, #tpu.memory_space<hbm>>
    %dma_wait3A_299 = tpu.memref_slice %arg15[%dma_wait3A_296] : memref<8x!tpu.dma_semaphore, #tpu.memory_space<semaphore_mem>> -> memref<1x!tpu.dma_semaphore, #tpu.memory_space<semaphore_mem>>
    %dma_wait3A_300 = tpu.memref_squeeze %dma_wait3A_299 : memref<1x!tpu.dma_semaphore, #tpu.memory_space<semaphore_mem>> -> memref<!tpu.dma_semaphore, #tpu.memory_space<semaphore_mem>>
    %dma_wait3A_301 = arith.constant 0 : i32
    %dma_wait3A_302 = tpu.memref_slice %arg4[%add3A_295, %dma_wait3A_301] : memref<819200x64xf32, #tpu.memory_space<hbm>> -> memref<128x64xf32, #tpu.memory_space<hbm>>
    tpu.wait_dma2 semaphore(%dma_wait3A_300 : memref<!tpu.dma_semaphore, #tpu.memory_space<semaphore_mem>>) src(%arg11 : memref<128x64xf32, #tpu.memory_space<vmem>>) dst(%dma_wait3A_302 : memref<128x64xf32, #tpu.memory_space<hbm>>)
    %add3A_303 = arith.constant 25344 : i32
    %add3A_304 = arith.addi %mul3A_2, %add3A_303 : i32
    %dma_wait3A_305 = arith.constant 6 : i32
    %dma_wait3A_306 = arith.constant 0 : i32
    %dma_wait3A_307 = tpu.memref_slice %arg4[%add3A_304, %dma_wait3A_306] : memref<819200x64xf32, #tpu.memory_space<hbm>> -> memref<128x64xf32, #tpu.memory_space<hbm>>
    %dma_wait3A_308 = tpu.memref_slice %arg15[%dma_wait3A_305] : memref<8x!tpu.dma_semaphore, #tpu.memory_space<semaphore_mem>> -> memref<1x!tpu.dma_semaphore, #tpu.memory_space<semaphore_mem>>
    %dma_wait3A_309 = tpu.memref_squeeze %dma_wait3A_308 : memref<1x!tpu.dma_semaphore, #tpu.memory_space<semaphore_mem>> -> memref<!tpu.dma_semaphore, #tpu.memory_space<semaphore_mem>>
    %dma_wait3A_310 = arith.constant 0 : i32
    %dma_wait3A_311 = tpu.memref_slice %arg4[%add3A_304, %dma_wait3A_310] : memref<819200x64xf32, #tpu.memory_space<hbm>> -> memref<128x64xf32, #tpu.memory_space<hbm>>
    tpu.wait_dma2 semaphore(%dma_wait3A_309 : memref<!tpu.dma_semaphore, #tpu.memory_space<semaphore_mem>>) src(%arg12 : memref<128x64xf32, #tpu.memory_space<vmem>>) dst(%dma_wait3A_311 : memref<128x64xf32, #tpu.memory_space<hbm>>)
    %add3A_312 = arith.constant 25472 : i32
    %add3A_313 = arith.addi %mul3A_2, %add3A_312 : i32
    %dma_wait3A_314 = arith.constant 7 : i32
    %dma_wait3A_315 = arith.constant 0 : i32
    %dma_wait3A_316 = tpu.memref_slice %arg4[%add3A_313, %dma_wait3A_315] : memref<819200x64xf32, #tpu.memory_space<hbm>> -> memref<128x64xf32, #tpu.memory_space<hbm>>
    %dma_wait3A_317 = tpu.memref_slice %arg15[%dma_wait3A_314] : memref<8x!tpu.dma_semaphore, #tpu.memory_space<semaphore_mem>> -> memref<1x!tpu.dma_semaphore, #tpu.memory_space<semaphore_mem>>
    %dma_wait3A_318 = tpu.memref_squeeze %dma_wait3A_317 : memref<1x!tpu.dma_semaphore, #tpu.memory_space<semaphore_mem>> -> memref<!tpu.dma_semaphore, #tpu.memory_space<semaphore_mem>>
    %dma_wait3A_319 = arith.constant 0 : i32
    %dma_wait3A_320 = tpu.memref_slice %arg4[%add3A_313, %dma_wait3A_319] : memref<819200x64xf32, #tpu.memory_space<hbm>> -> memref<128x64xf32, #tpu.memory_space<hbm>>
    tpu.wait_dma2 semaphore(%dma_wait3A_318 : memref<!tpu.dma_semaphore, #tpu.memory_space<semaphore_mem>>) src(%arg13 : memref<128x64xf32, #tpu.memory_space<vmem>>) dst(%dma_wait3A_320 : memref<128x64xf32, #tpu.memory_space<hbm>>)
    return
  }
}

</mosaic_0001>

<sc_bundles>
// kernel: kernel.3.cloned.1.call-start
scs
__scs_entry_jumppad:
0x0: {  	(pc) =	sbr.rel $0x88, $3  }
0x1: {  	(tag) =	ssettag $0x0;
	lr =	simm.s32 $0x1  }
0x2: {  	[smem:$0x3F9F] =	sst lr;
	_ =	strace $0xD0000000  }
0x3: {  	_ = 	snop  }
0x4: {  	_ = 	snop  }
0x5: {  	_ = 	snop  }
0x6: {  	_ = 	snop  }
0x7: {  	_ = 	snop  }
__scs_overlays_trampoline_lowered:
0x8: {  	[smem:$0x3FAE] =	sst s0  }
0x9: {  	[smem:$0x3FAF] =	sst s1  }
0xa: {  	[smem:$0x3FB0] =	sst s2  }
0xb: {  	[smem:$0x3FB1] =	sst s3  }
0xc: {  	[smem:$0x3FB2] =	sst s4  }
0xd: {  	[smem:$0x3FB3] =	sst s5  }
0xe: {  	[smem:$0x3FB4] =	sst s6  }
0xf: {  	[smem:$0x3FB5] =	sst s7  }
0x10: {  	[smem:$0x3FB6] =	sst s8  }
0x11: {  	[smem:$0x3FB7] =	sst s9;
	s0 =	simm.s32 @!p0 $0x0  }
0x12: {  	s1 =	sld [smem:$0x3F9D];
	s0 =	simm.s32 @p0 $0x1  }
0x13: {  	[smem:$0x3FB8] =	sst s0;
	s0 =	simm.s32 @!p1 $0x0  }
0x14: {  	s2 =	sld [smem:$0x3F9C];
	s0 =	simm.s32 @p1 $0x1  }
0x15: {  	[smem:$0x3FB9] =	sst s0;
	s0 =	simm.s32 @!p2 $0x0  }
0x16: {  	s3 =	sld [smem:$0x3FDB];
	s0 =	simm.s32 @p2 $0x1  }
0x17: {  	s4 =	simm.s32 $0x1BF5;
	[smem:$0x3FBB] =	sst s0  }
0x18: {  	s0 =	sld [smem:$0x3F9E];
	_ =	swait.ge [sflag:s4], $0x0  }
0x19: {  	s7 =	sld [smem:$0x3F9F]  }
0x1a: {  	s8 =	sadd.s32 $0xFFFFE003, lr  }
0x1b: {  	s9 =	sadd.s32 $0xFFFFFEF7, lr;
	s5 =	simm.s32 $0xFFFFFFFF;
	p2 =	slt.u32 s8, $0xFFFFF086  }
0x1c: {  	p1 =	slt.u32 s9, $0xF7A;
	s5 =	simm.s32 @!p2 $0x0  }
0x1d: {  	s5 =	simm.s32 @p1 $0x1;
	p0 =	seq.s32 s7, s2  }
0x1e: {  	s7 =	smul.u32 @!p0 $0xF7A, s2;
	p2 =	seq.s32 @!p0 s5, $0x0  }
0x1f: {  	s9 =	smul.u32 $0xF7A, s1;
	s8 =	simm.s32 @!p0 $0x1BF5;
	p2 =	por !p2, p0  }
0x20: {  	[sflag:s8] =	ssyncset.s32 @!p0 $0xFFFFF086;
	s6 =	sadd.s32 @!p0 s3, s7;
	s7 =	simm.s32 @!p0 $0x108  }
0x21: {  	s3 =	sadd.s32 s3, s9;
	s6 =	sadd.s32 @!p0 $0x88, s6;
	s7 =	simm.s32 @p2 $0x1082  }
0x22: {  	[simem:s7], [sflag:s8] =	dma.local @!p0 [hbm:s6], $0xF7A  }
0x23: {  	s9 =	sor.u32 $0xD0000000, s2;
	s6 =	simm.s32 $0x108;
	_ =	swait.ge @!p0 [sflag:s8], $0x0  }
0x24: {  	s3 =	sadd.s32 $0x88, s3;
	s6 =	simm.s32 @!p1 $0x1082;
	[sflag:s4] =	ssyncset.s32 $0xFFFFF086  }
0x25: {  	[simem:s6], [sflag:s4] =	dma.local [hbm:s3], $0xF7A  }
0x26: {  	[smem:$0x3F9F] =	sst s1;
	(tag) =	ssettag s2;
	_ =	strace s9  }
0x27: {  	s1 =	sld [smem:$0x3FAF]  }
0x28: {  	s2 =	sld [smem:$0x3FB0]  }
0x29: {  	s4 =	sld [smem:$0x3FB2]  }
0x2a: {  	p0 =	seq.s32 s5, $0x0;
	s5 =	sld [smem:$0x3FB3]  }
0x2b: {  	s6 =	sld [smem:$0x3FB4]  }
0x2c: {  	s7 =	sld [smem:$0x3FB5]  }
0x2d: {  	s3 =	simm.s32 $0x108;
	s8 =	sld [smem:$0x3FB6]  }
0x2e: {  	s3 =	simm.s32 @!p0 $0x1082;
	s9 =	sld [smem:$0x3FB7]  }
0x2f: {  	lr =	sadd.s32 s0, s3;
	s0 =	sld [smem:$0x3FAE]  }
0x30: {  	s3 =	sld [smem:$0x3FB1]  }
0x31: {  	[smem:$0x3FBA] =	sst s10  }
0x32: {  	s10 =	sld [smem:$0x3FB8];
	_ =	sdelay $0x3  }
0x33: {  	p0 =	seq.s32 s10, $0x1;
	s10 =	sld [smem:$0x3FBA];
	_ =	sdelay $0x3  }
0x34: {  	[smem:$0x3FBA] =	sst s10  }
0x35: {  	s10 =	sld [smem:$0x3FB9];
	_ =	sdelay $0x3  }
0x36: {  	p1 =	seq.s32 s10, $0x1;
	s10 =	sld [smem:$0x3FBA];
	_ =	sdelay $0x3  }
0x37: {  	[smem:$0x3FBA] =	sst s10  }
0x38: {  	s10 =	sld [smem:$0x3FBB]  }
0x39: {  	_ = 	snop;
	(pc) =	sbr.ind lr, $3  }
0x3a: {  	_ = 	snop  }
0x3b: {  	_ = 	snop  }
0x3c: {  	p2 =	seq.s32 s10, $0x1;
	s10 =	sld [smem:$0x3FBA]  }
0x3d: {  	_ =	shalt  }
0x3e: {  	_ =	shalt  }
0x3f: {  	_ =	shalt  }
0x40: {  	_ =	shalt  }
0x41: {  	_ =	shalt  }
0x42: {  	_ =	shalt  }
0x43: {  	_ =	shalt  }
0x44: {  	_ =	shalt  }
0x45: {  	_ =	shalt  }
0x46: {  	_ =	shalt  }
0x47: {  	_ =	shalt  }
0x48: {  	_ =	shalt  }
0x49: {  	_ =	shalt  }
0x4a: {  	_ =	shalt  }
0x4b: {  	_ =	shalt  }
0x4c: {  	_ =	shalt  }
0x4d: {  	_ =	shalt  }
0x4e: {  	_ =	shalt  }
0x4f: {  	_ =	shalt  }
0x50: {  	_ =	shalt  }
0x51: {  	_ =	shalt  }
0x52: {  	_ =	shalt  }
0x53: {  	_ =	shalt  }
0x54: {  	_ =	shalt  }
0x55: {  	_ =	shalt  }
0x56: {  	_ =	shalt  }
0x57: {  	_ =	shalt  }
0x58: {  	_ =	shalt  }
0x59: {  	_ =	shalt  }
0x5a: {  	_ =	shalt  }
0x5b: {  	_ =	shalt  }
0x5c: {  	_ =	shalt  }
0x5d: {  	_ =	shalt  }
0x5e: {  	_ =	shalt  }
0x5f: {  	_ =	shalt  }
0x60: {  	_ =	shalt  }
0x61: {  	_ =	shalt  }
0x62: {  	_ =	shalt  }
0x63: {  	_ =	shalt  }
0x64: {  	_ =	shalt  }
0x65: {  	_ =	shalt  }
0x66: {  	_ =	shalt  }
0x67: {  	_ =	shalt  }
0x68: {  	_ =	shalt  }
0x69: {  	_ =	shalt  }
0x6a: {  	_ =	shalt  }
0x6b: {  	_ =	shalt  }
0x6c: {  	_ =	shalt  }
0x6d: {  	_ =	shalt  }
0x6e: {  	_ =	shalt  }
0x6f: {  	_ =	shalt  }
0x70: {  	_ =	shalt  }
0x71: {  	_ =	shalt  }
0x72: {  	_ =	shalt  }
0x73: {  	_ =	shalt  }
0x74: {  	_ =	shalt  }
0x75: {  	_ =	shalt  }
0x76: {  	_ =	shalt  }
0x77: {  	_ =	shalt  }
0x78: {  	_ =	shalt  }
0x79: {  	_ =	shalt  }
0x7a: {  	_ =	shalt  }
0x7b: {  	_ =	shalt  }
0x7c: {  	_ =	shalt  }
0x7d: {  	_ =	shalt  }
0x7e: {  	_ =	shalt  }
0x7f: {  	_ =	shalt  }
0x80: {  	_ =	shalt  }
0x81: {  	_ =	shalt  }
0x82: {  	_ =	shalt  }
0x83: {  	_ =	shalt  }
0x84: {  	_ =	shalt  }
0x85: {  	_ =	shalt  }
0x86: {  	_ =	shalt  }
0x87: {  	_ =	shalt  }
.Lfunc_end0:
.L_simem_size_0:
called_computation.1_lowered:
.L_overlay_start_0:
0x88: {  	s2 =	sld [smem:$0x3FD9]  }
0x89: {  	s3 =	sld [smem:$0x3FFE];
	_ =	sdelay $0x1  }
0x8a: {  	s1 =	srdreg.scid  }
0x8b: {  	s0 =	sand.u32 $0x1, s1  }
0x8c: {  	s17 =	sshll.u32 s0, $0xA;
	s2 =	sadd.s32 s3, s2  }
0x8d: {  	s2 =	sadd.s32 s2, s17  }
0x8e: {  	[smem:$0x3FC6] =	sst s2  }
0x8f: {  	_ = 	snop  }
0x90: {  	s2 =	sld [smem:$0x3FD0];
	(tm) =	ssettm $0x1  }
0x91: {  	s18 =	sld [smem:$0x3FFB];
	_ =	sdelay $0x3  }
0x92: {  	_ =	strace s18  }
0x93: {  	s3 =	sld [smem:$0x3FFC];
	_ =	sdelay $0x3  }
0x94: {  	_ =	strace s3  }
0x95: {  	s3 =	sld [smem:$0x3FFD];
	_ =	sdelay $0x3  }
0x96: {  	_ =	strace s3  }
0x97: {  	_ =	strace $0x8FFFFFFF  }
0x98: {  	s19 =	sld [smem:$0x3FDB];
	_ =	sdelay $0x1  }
0x99: {  	s4 =	simm.s32 $_scs_section_size  }
0x9a: {  	s5 =	simm.s32 $_size__tile_overlayer_lowered;
	s6 =	simm.s32 $_tile_overlayer_lowered  }
0x9b: {  	s22 =	simm.s32 $0x1BFF;
	s21 =	sshll.u32 s6, $0x1;
	s3 =	sadd.s32 s4, s19  }
0x9c: {  	s7 =	simm.s32 $0x0;
	s20 =	sshll.u32 s5, $0x1;
	s5 =	sadd.s32 s21, s3  }
0x9d: {  	[timem:s7], [sflag:s22] =	dma.local [hbm:s5], s20  }
0x9e: {  	_ =	swait.ge [sflag:s22], s20  }
0x9f: {  	s4 =	ssub.s32 $0x0, s20;
	[sflag:s22] =	ssyncset.done $0x0  }
0xa0: {  	[sflag:s22] =	ssyncadd.s32 s4;
	_ =	sdelay $0x1  }
0xa1: {  	s23 =	simm.s32 $0x1B8B  }
0xa2: {  	_ =	swait.ge [sflag:s23], $0x1  }
0xa3: {  	[sflag:s23] =	ssyncset.done $0x0  }
0xa4: {  	s25 =	simm.s32 $0x1B8E;
	s24 =	sld [smem:$0x3FFE];
	[sflag:s23] =	ssyncadd.s32 $0xFFFFFFFF  }
0xa5: {  	s26 =	simm.s32 $execute0_lowered;
	[smem:$0x3FD2] =	sst s25  }
0xa6: {  	s5 =	sshll.u32 s26, $0x1;
	_ =	strace $0x80000046;
	[dreg:$0x1] =	wrdreg $0xFFFFFFFF  }
0xa7: {  	s28 =	simm.s32 $_size_execute0_lowered;
	s3 =	sadd.s32 s3, s5;
	[dreg:$0x0] =	wrdreg $0x0  }
0xa8: {  	s5 =	sshll.u32 s28, $0x1;
	[dreg:$0x2] =	wrdreg s3  }
0xa9: {  	[dreg:$0x3] =	wrdreg s5  }
0xaa: {  	[dreg:$0x4] =	wrdreg $0xC0  }
0xab: {  	_ =	task [dreg:s7], $0x5FFFF  }
0xac: {  	[dreg:$0x1] =	wrdreg $0xFFFFFFFF  }
0xad: {  	[dreg:$0x0] =	wrdreg $0x60  }
0xae: {  	[dreg:$0x2] =	wrdreg s24  }
0xaf: {  	[dreg:$0x3] =	wrdreg s2  }
0xb0: {  	[dreg:$0x4] =	wrdreg $0x9  }
0xb1: {  	_ =	task.clear_ibuf [dreg:s7], $0x5FFFF;
	_ =	strace $0x90000046  }
0xb2: {  	s29 =	simm.s32 $0x9;
	_ =	strace $0x80000048  }
0xb3: {  	_ =	swait.ge [sflag:s29], $0x1  }
0xb4: {  	[sflag:s29] =	ssyncadd.s32 $0xFFFFFFFF  }
0xb5: {  	_ =	strace $0x90000048  }
0xb6: {  	_ =	sfence  }
0xb7: {  	s30 =	sld [smem:$0x0];
	_ =	sdelay $0x2  }
0xb8: {  	s31 =	sshll.u32 s1, $0xD;
	s1 =	sshrl.u32 s1, $0x2  }
0xb9: {  	s3 =	sand.u32 $0x4000, s31;
	s1 =	sadd.s32 s1, s30  }
0xba: {  	s0 =	sor.u32 s3, s0;
	s1 =	sshll.u32 s1, $0x11  }
0xbb: {  	s0 =	sor.u32 s1, s0  }
0xbc: {  	s0 =	sadd.s32 $0x8F2B, s0  }
0xbd: {  	[sflag:s0] =	ssyncadd.remote.s32 $0x1  }
0xbe: {  	_ =	sfence.sel $0xFFFF  }
0xbf: {  	[dreg:$0x0] =	wrdreg $0xFFFFFFFF;
	(pc) =	sbr.abs _section_cstart, $3  }
0xc0: {  	[dreg:$0x1] =	wrdreg $0xFFFFFFFF  }
0xc1: {  	_ =	task.clear_ibuf [dreg:s7], $0x2FFFF;
	_ =	strace $0x9FFFFFFF  }
0xc2: {  	(tm) =	ssettm $0x7FFFFFFF  }
0xc3: {  	_ =	shalt  }
tec
execute0_lowered:
.L_overlay_start_1:
0x0: {  	(tag) =	ssettag $0x1  }
0x1: {  	s0 =	rddreg [dreg:$0x0];
	s1 =	srdreg.scid  }
0x2: {  	s3 =	stileid.u32;
	s2 =	rddreg [dreg:$0x1];
	s22 =	simm.s32 $0x0  }
0x3: {  	s31 =	simm.s32 $0x6400;
	s28 =	simm.s32 $0x8400;
	s29 =	simm.s32 $0x1  }
0x4: {  	s30 =	simm.s32 $0x4;
	s1 =	sand.u32 $0x1, s1;
	s3 =	sshll.u32 s3, $0x1  }
0x5: {  	s8 =	simm.s32 $0x5;
	s9 =	simm.s32 $0x9;
	s3 =	sor.u32 s1, s3  }
0x6: {  	s10 =	simm.s32 $0x6;
	s11 =	simm.s32 $0x10;
	s4 =	smul.u32 $0x6400, s3  }
0x7: {  	[smem:$0x7FF] =	sst s22;
	s1 =	ssub.s32 $0x2, s1;
	s7 =	smul.u32 $0x32000, s3  }
0x8: {  	s5 =	sadd.s32 $0xF42E00, s0;
	s12 =	sshrl.u32 s1, $0x1;
	s3 =	smul.u32 $0x190000, s3  }
0x9: {  	_ =	strace $0x80000047;
	s1 =	ssub.s32 s1, s12;
	s6 =	sshrl.u32 s4, $0x3  }
0xa: {  	s13 =	sadd.s32 s2, s7;
	s17 =	sor.u32 $0x200, s4;
	s18 =	sshrl.u32 s3, $0x3  }
0xb: {  	s19 =	sor.u32 $0x280, s4;
	s20 =	sor.u32 $0x300, s4;
	[dreg:$0x3] =	wrdreg s13  }
0xc: {  	s21 =	sor.u32 $0x380, s4;
	s26 =	smax.u32 s1, $0x1;
	[dreg:$0x8] =	wrdreg s17  }
0xd: {  	s1 =	simm.s32 $0x2;
	s7 =	simm.s32 $0x14400;
	[dreg:$0x9] =	wrdreg s19  }
0xe: {  	s3 =	simm.s32 $0xF;
	s0 =	sadd.s32 s6, s0;
	[dreg:$0xa] =	wrdreg s20  }
0xf: {  	s14 =	sadd.s32 $0x400, s13;
	s15 =	sadd.s32 $0x800, s13;
	[dreg:$0xb] =	wrdreg s21  }
0x10: {  	s16 =	sadd.s32 $0xC00, s13;
	[dreg:$0x10] =	wrdreg s26;
	s21 =	simm.s32 $0x80  }
0x11: {  	s26 =	simm.s32 $0x3;
	s17 =	simm.s32 $0xB;
	[dreg:$0x5] =	wrdreg s14  }
0x12: {  	s19 =	simm.s32 $0xC;
	s0 =	sadd.s32 $0xA00, s0;
	[dreg:$0x6] =	wrdreg s15  }
0x13: {  	s6 =	simm.s32 $0xD;
	[dreg:$0x4] =	wrdreg s0;
	s0 =	sadd.s32 s2, s18  }
0x14: {  	s20 =	simm.s32 $0xE;
	[dreg:$0x7] =	wrdreg s16;
	s23 =	sadd.s32 $0x31000, s0  }
0x15: {  	s13 =	simm.s32 $0x0;
	s24 =	sadd.s32 $0x31400, s0;
	[dreg:$0xc] =	wrdreg s23  }
0x16: {  	s15 =	simm.s32 $0xA;
	s25 =	sadd.s32 $0x31800, s0;
	[dreg:$0xd] =	wrdreg s24  }
0x17: {  	s16 =	simm.s32 $0x7;
	s0 =	sadd.s32 $0x31C00, s0;
	[dreg:$0xe] =	wrdreg s25  }
0x18: {  	s18 =	simm.s32 $0x8;
	[dreg:$0xf] =	wrdreg s0;
	s0 =	simm.s32 $0x12400  }
.LBB2_1:
0x19: {  	[dreg:$0x11] =	wrdreg s13  }
0x1a: {  	s12 =	rddreg [dreg:$0x4];
	s14 =	simm.s32 $0x11  }
0x1b: {  	[tilespmem:s22], [sflag:$0x11] =	stream.linear.gather [hbm4b:s12+s22], $0x6400, $0x38;
	[tilespmem:$0x16400] =	vst v63  }
0x1c: {  	_ =	swait.ge [sflag:s14], $0x6400  }
0x1d: {  	[sflag:s14] =	ssyncset.done $0x0  }
0x1e: {  	[sflag:s14] =	ssyncadd.s32 $0xFFFF9C00  }
0x1f: {  	[tilespmem:s31], [sflag:$0x1] =	stream.indirect.gather [hbm4b:s5+s21], $0x40, s22, s21, $0xb8;
	[tilespmem:$0x16400] =	vst v63  }
0x20: {  	_ = 	snop  }
0x21: {  	[tilespmem:s28], [sflag:$0x2] =	stream.indirect.gather [hbm4b:s5+s21], $0x40, s21, s21, $0xb8;
	[tilespmem:$0x16400] =	vst v63  }
0x22: {  	s23 =	simm.s32 $0xA400;
	s22 =	simm.s32 $0x100  }
0x23: {  	[tilespmem:s23], [sflag:$0x3] =	stream.indirect.gather [hbm4b:s5+s21], $0x40, s22, s21, $0xb8;
	[tilespmem:$0x16400] =	vst v63  }
0x24: {  	s24 =	simm.s32 $0x180;
	s25 =	simm.s32 $0xC400  }
0x25: {  	[tilespmem:s25], [sflag:$0x4] =	stream.indirect.gather [hbm4b:s5+s21], $0x40, s24, s21, $0xb8;
	[tilespmem:$0x16400] =	vst v63  }
0x26: {  	_ =	swait.ge [sflag:s29], $0x2000  }
0x27: {  	[sflag:s29] =	ssyncset.done $0x0  }
0x28: {  	s12 =	simm.s32 $0x0;
	[sflag:s29] =	ssyncadd.s32 $0xFFFFE000  }
0x29: {  	v0 =	vld [tilespmem:s12+$0x6400]  }
0x2a: {  	v2 =	vld [tilespmem:s12+$0x6410]  }
0x2b: {  	s13 =	simm.s32 $0x100;
	v1 =	vld [tilespmem:s12+$0x6420]  }
.LBB2_2:
0x2c: {  	p0 =	sne.s32 s13, $0x7F00;
	v3 =	vld [tilespmem:s12+$0x6430];
	_ =	sdelay $0x1  }
0x2d: {  	v0 =	vmul.f32 $8.000000000e+00, v0  }
.Ltmp0:
0x2e: {  	v2 =	vmul.f32 $8.000000000e+00, v2;
	(pc) =	sbr.rel @p0 .LBB2_2-.Ltmp0, $4  }
0x2f: {  	s14 =	sshra.s32 s13, $0x2;
	[tilespmem:s12+$0x6400] =	vst v0;
	v1 =	vmul.f32 $8.000000000e+00, v1  }
0x30: {  	v0 =	vld [tilespmem:s14+$0x6400];
	[tilespmem:s12+$0x6410] =	vst v2;
	v3 =	vmul.f32 $8.000000000e+00, v3  }
0x31: {  	v2 =	vld [tilespmem:s14+$0x6410];
	[tilespmem:s12+$0x6420] =	vst v1  }
0x32: {  	s13 =	sadd.s32 $0x100, s13;
	v1 =	vld [tilespmem:s14+$0x6420];
	[tilespmem:s12+$0x6430] =	vst v3;
	s12 =	smov.u32 s14  }
0x33: {  	v3 =	vld [tilespmem:s12+$0x6430];
	_ =	sdelay $0x1  }
0x34: {  	v0 =	vmul.f32 $8.000000000e+00, v0  }
0x35: {  	v2 =	vmul.f32 $8.000000000e+00, v2  }
0x36: {  	[tilespmem:s12+$0x6400] =	vst v0;
	v0 =	vmul.f32 $8.000000000e+00, v1  }
0x37: {  	[tilespmem:s12+$0x6410] =	vst v2;
	v1 =	vmul.f32 $8.000000000e+00, v3  }
0x38: {  	[tilespmem:s12+$0x6420] =	vst v0  }
0x39: {  	s23 =	simm.s32 $0x0;
	s13 =	rddreg [dreg:$0x3];
	[tilespmem:s12+$0x6430] =	vst v1  }
0x3a: {  	[hbm4b:s13+s23] =	stream.linear.scatter [tilespmem:s31], [sflag:$0x9], $0x2000, $0x38;
	[tilespmem:$0x16400] =	vst v63  }
0x3b: {  	s24 =	simm.s32 $0x200;
	s25 =	simm.s32 $0xE400  }
0x3c: {  	[tilespmem:s25], [sflag:$0x5] =	stream.indirect.gather [hbm4b:s5+s21], $0x40, s24, s21, $0xb8;
	[tilespmem:$0x16400] =	vst v63  }
0x3d: {  	_ =	swait.ge [sflag:s1], $0x2000  }
0x3e: {  	[sflag:s1] =	ssyncset.done $0x0  }
0x3f: {  	s12 =	simm.s32 $0x0;
	[sflag:s1] =	ssyncadd.s32 $0xFFFFE000  }
0x40: {  	v0 =	vld [tilespmem:s12+$0x8400]  }
0x41: {  	v2 =	vld [tilespmem:s12+$0x8410]  }
0x42: {  	s13 =	simm.s32 $0x100;
	v1 =	vld [tilespmem:s12+$0x8420]  }
.LBB2_4:
0x43: {  	p0 =	sne.s32 s13, $0x7F00;
	v3 =	vld [tilespmem:s12+$0x8430];
	_ =	sdelay $0x1  }
0x44: {  	v0 =	vmul.f32 $8.000000000e+00, v0  }
.Ltmp1:
0x45: {  	v2 =	vmul.f32 $8.000000000e+00, v2;
	(pc) =	sbr.rel @p0 .LBB2_4-.Ltmp1, $4  }
0x46: {  	s14 =	sshra.s32 s13, $0x2;
	[tilespmem:s12+$0x8400] =	vst v0;
	v1 =	vmul.f32 $8.000000000e+00, v1  }
0x47: {  	v0 =	vld [tilespmem:s14+$0x8400];
	[tilespmem:s12+$0x8410] =	vst v2;
	v3 =	vmul.f32 $8.000000000e+00, v3  }
0x48: {  	v2 =	vld [tilespmem:s14+$0x8410];
	[tilespmem:s12+$0x8420] =	vst v1  }
0x49: {  	s13 =	sadd.s32 $0x100, s13;
	v1 =	vld [tilespmem:s14+$0x8420];
	[tilespmem:s12+$0x8430] =	vst v3;
	s12 =	smov.u32 s14  }
0x4a: {  	v3 =	vld [tilespmem:s12+$0x8430];
	_ =	sdelay $0x1  }
0x4b: {  	v0 =	vmul.f32 $8.000000000e+00, v0  }
0x4c: {  	v2 =	vmul.f32 $8.000000000e+00, v2  }
0x4d: {  	[tilespmem:s12+$0x8400] =	vst v0;
	v0 =	vmul.f32 $8.000000000e+00, v1  }
0x4e: {  	[tilespmem:s12+$0x8410] =	vst v2;
	v1 =	vmul.f32 $8.000000000e+00, v3  }
0x4f: {  	[tilespmem:s12+$0x8420] =	vst v0  }
0x50: {  	s23 =	simm.s32 $0x0;
	s13 =	rddreg [dreg:$0x5];
	[tilespmem:s12+$0x8430] =	vst v1  }
0x51: {  	[hbm4b:s13+s23] =	stream.linear.scatter [tilespmem:s28], [sflag:$0xA], $0x2000, $0x38;
	[tilespmem:$0x16400] =	vst v63  }
0x52: {  	s24 =	simm.s32 $0x280;
	s25 =	simm.s32 $0x10400  }
0x53: {  	[tilespmem:s25], [sflag:$0x6] =	stream.indirect.gather [hbm4b:s5+s21], $0x40, s24, s21, $0xb8;
	[tilespmem:$0x16400] =	vst v63  }
0x54: {  	_ =	swait.ge [sflag:s26], $0x2000  }
0x55: {  	[sflag:s26] =	ssyncset.done $0x0  }
0x56: {  	s12 =	simm.s32 $0x0;
	[sflag:s26] =	ssyncadd.s32 $0xFFFFE000  }
0x57: {  	v0 =	vld [tilespmem:s12+$0xA400]  }
0x58: {  	v2 =	vld [tilespmem:s12+$0xA410]  }
0x59: {  	s13 =	simm.s32 $0x100;
	v1 =	vld [tilespmem:s12+$0xA420]  }
.LBB2_6:
0x5a: {  	p0 =	sne.s32 s13, $0x7F00;
	v3 =	vld [tilespmem:s12+$0xA430];
	_ =	sdelay $0x1  }
0x5b: {  	v0 =	vmul.f32 $8.000000000e+00, v0  }
.Ltmp2:
0x5c: {  	v2 =	vmul.f32 $8.000000000e+00, v2;
	(pc) =	sbr.rel @p0 .LBB2_6-.Ltmp2, $4  }
0x5d: {  	s14 =	sshra.s32 s13, $0x2;
	[tilespmem:s12+$0xA400] =	vst v0;
	v1 =	vmul.f32 $8.000000000e+00, v1  }
0x5e: {  	v0 =	vld [tilespmem:s14+$0xA400];
	[tilespmem:s12+$0xA410] =	vst v2;
	v3 =	vmul.f32 $8.000000000e+00, v3  }
0x5f: {  	v2 =	vld [tilespmem:s14+$0xA410];
	[tilespmem:s12+$0xA420] =	vst v1  }
0x60: {  	s13 =	sadd.s32 $0x100, s13;
	v1 =	vld [tilespmem:s14+$0xA420];
	[tilespmem:s12+$0xA430] =	vst v3;
	s12 =	smov.u32 s14  }
0x61: {  	v3 =	vld [tilespmem:s12+$0xA430];
	_ =	sdelay $0x1  }
0x62: {  	v0 =	vmul.f32 $8.000000000e+00, v0  }
0x63: {  	v2 =	vmul.f32 $8.000000000e+00, v2  }
0x64: {  	[tilespmem:s12+$0xA400] =	vst v0;
	v0 =	vmul.f32 $8.000000000e+00, v1  }
0x65: {  	[tilespmem:s12+$0xA410] =	vst v2;
	v1 =	vmul.f32 $8.000000000e+00, v3  }
0x66: {  	[tilespmem:s12+$0xA420] =	vst v0  }
0x67: {  	s24 =	simm.s32 $0x0;
	s13 =	rddreg [dreg:$0x6];
	s14 =	simm.s32 $0xA400;
	[tilespmem:s12+$0xA430] =	vst v1  }
0x68: {  	[hbm4b:s13+s24] =	stream.linear.scatter [tilespmem:s14], [sflag:$0xB], $0x2000, $0x38;
	[tilespmem:$0x16400] =	vst v63  }
0x69: {  	s25 =	simm.s32 $0x300  }
0x6a: {  	[tilespmem:s0], [sflag:$0x7] =	stream.indirect.gather [hbm4b:s5+s21], $0x40, s25, s21, $0xb8;
	[tilespmem:$0x16400] =	vst v63  }
0x6b: {  	_ =	swait.ge [sflag:s30], $0x2000  }
0x6c: {  	[sflag:s30] =	ssyncset.done $0x0  }
0x6d: {  	s12 =	simm.s32 $0x0;
	[sflag:s30] =	ssyncadd.s32 $0xFFFFE000  }
0x6e: {  	v0 =	vld [tilespmem:s12+$0xC400]  }
0x6f: {  	v2 =	vld [tilespmem:s12+$0xC410]  }
0x70: {  	s13 =	simm.s32 $0x100;
	v1 =	vld [tilespmem:s12+$0xC420]  }
.LBB2_8:
0x71: {  	p0 =	sne.s32 s13, $0x7F00;
	v3 =	vld [tilespmem:s12+$0xC430];
	_ =	sdelay $0x1  }
0x72: {  	v0 =	vmul.f32 $8.000000000e+00, v0  }
.Ltmp3:
0x73: {  	v2 =	vmul.f32 $8.000000000e+00, v2;
	(pc) =	sbr.rel @p0 .LBB2_8-.Ltmp3, $4  }
0x74: {  	s14 =	sshra.s32 s13, $0x2;
	[tilespmem:s12+$0xC400] =	vst v0;
	v1 =	vmul.f32 $8.000000000e+00, v1  }
0x75: {  	v0 =	vld [tilespmem:s14+$0xC400];
	[tilespmem:s12+$0xC410] =	vst v2;
	v3 =	vmul.f32 $8.000000000e+00, v3  }
0x76: {  	v2 =	vld [tilespmem:s14+$0xC410];
	[tilespmem:s12+$0xC420] =	vst v1  }
0x77: {  	s13 =	sadd.s32 $0x100, s13;
	v1 =	vld [tilespmem:s14+$0xC420];
	[tilespmem:s12+$0xC430] =	vst v3;
	s12 =	smov.u32 s14  }
0x78: {  	v3 =	vld [tilespmem:s12+$0xC430];
	_ =	sdelay $0x1  }
0x79: {  	v0 =	vmul.f32 $8.000000000e+00, v0  }
0x7a: {  	v2 =	vmul.f32 $8.000000000e+00, v2  }
0x7b: {  	[tilespmem:s12+$0xC400] =	vst v0;
	v62 =	vmul.f32 $8.000000000e+00, v1  }
0x7c: {  	[tilespmem:s12+$0xC410] =	vst v2;
	v63 =	vmul.f32 $8.000000000e+00, v3  }
0x7d: {  	[tilespmem:s12+$0xC420] =	vst v62  }
0x7e: {  	s13 =	rddreg [dreg:$0x7];
	s14 =	simm.s32 $0xC400;
	[tilespmem:s12+$0xC430] =	vst v63;
	s12 =	simm.s32 $0x0  }
0x7f: {  	[hbm4b:s13+s12] =	stream.linear.scatter [tilespmem:s14], [sflag:$0xC], $0x2000, $0x38;
	[tilespmem:$0x16400] =	vst v63  }
0x80: {  	s25 =	simm.s32 $0x380  }
0x81: {  	[tilespmem:s7], [sflag:$0x8] =	stream.indirect.gather [hbm4b:s5+s21], $0x40, s25, s21, $0xb8;
	[tilespmem:$0x16400] =	vst v63  }
.LBB2_10:
0x82: {  	_ =	swait.ge [sflag:s8], $0x2000  }
0x83: {  	[sflag:s8] =	ssyncset.done $0x0  }
0x84: {  	s14 =	simm.s32 $0x0;
	[sflag:s8] =	ssyncadd.s32 $0xFFFFE000  }
0x85: {  	v1 =	vld [tilespmem:s14+$0xE400]  }
0x86: {  	v2 =	vld [tilespmem:s14+$0xE410]  }
0x87: {  	s13 =	simm.s32 $0x100;
	v0 =	vld [tilespmem:s14+$0xE420]  }
.LBB2_11:
0x88: {  	p0 =	sne.s32 s13, $0x7F00;
	v3 =	vld [tilespmem:s14+$0xE430];
	_ =	sdelay $0x1  }
0x89: {  	v1 =	vmul.f32 $8.000000000e+00, v1  }
.Ltmp4:
0x8a: {  	v2 =	vmul.f32 $8.000000000e+00, v2;
	(pc) =	sbr.rel @p0 .LBB2_11-.Ltmp4, $4  }
0x8b: {  	s22 =	sshra.s32 s13, $0x2;
	[tilespmem:s14+$0xE400] =	vst v1;
	v0 =	vmul.f32 $8.000000000e+00, v0  }
0x8c: {  	v1 =	vld [tilespmem:s22+$0xE400];
	[tilespmem:s14+$0xE410] =	vst v2;
	v3 =	vmul.f32 $8.000000000e+00, v3  }
0x8d: {  	v2 =	vld [tilespmem:s22+$0xE410];
	[tilespmem:s14+$0xE420] =	vst v0  }
0x8e: {  	s13 =	sadd.s32 $0x100, s13;
	v0 =	vld [tilespmem:s22+$0xE420];
	[tilespmem:s14+$0xE430] =	vst v3;
	s14 =	smov.u32 s22  }
0x8f: {  	v3 =	vld [tilespmem:s14+$0xE430];
	_ =	sdelay $0x1  }
0x90: {  	v1 =	vmul.f32 $8.000000000e+00, v1  }
0x91: {  	s13 =	sshll.u32 s12, $0xA;
	s22 =	rddreg [dreg:$0x8];
	v2 =	vmul.f32 $8.000000000e+00, v2  }
0x92: {  	s22 =	sadd.s32 s13, s22;
	[tilespmem:s14+$0xE400] =	vst v1;
	v0 =	vmul.f32 $8.000000000e+00, v0  }
0x93: {  	s22 =	sshll.u32 s22, $0x3;
	[tilespmem:s14+$0xE410] =	vst v2;
	v1 =	vmul.f32 $8.000000000e+00, v3  }
0x94: {  	s22 =	sand.u32 $0x1FFFF000, s22;
	[tilespmem:s14+$0xE420] =	vst v0  }
0x95: {  	s25 =	simm.s32 $0x0;
	s23 =	simm.s32 $0xE400;
	s24 =	sadd.s32 s2, s22;
	[tilespmem:s14+$0xE430] =	vst v1  }
0x96: {  	[hbm4b:s24+s25] =	stream.linear.scatter [tilespmem:s23], [sflag:$0xD], $0x2000, $0x38;
	[tilespmem:$0x16400] =	vst v63  }
0x97: {  	_ =	swait.ge [sflag:s9], $0x2000  }
0x98: {  	[sflag:s9] =	ssyncset.done $0x0  }
0x99: {  	s25 =	sadd.s32 $0x400, s13;
	[sflag:s9] =	ssyncadd.s32 $0xFFFFE000  }
0x9a: {  	[tilespmem:s31], [sflag:$0x1] =	stream.indirect.gather [hbm4b:s5+s21], $0x40, s25, s21, $0xb8;
	[tilespmem:$0x16400] =	vst v63  }
0x9b: {  	_ =	swait.ge [sflag:s10], $0x2000  }
0x9c: {  	[sflag:s10] =	ssyncset.done $0x0  }
0x9d: {  	s14 =	simm.s32 $0x0;
	[sflag:s10] =	ssyncadd.s32 $0xFFFFE000  }
0x9e: {  	v0 =	vld [tilespmem:s14+$0x10400]  }
0x9f: {  	v2 =	vld [tilespmem:s14+$0x10410]  }
0xa0: {  	s22 =	simm.s32 $0x100;
	v1 =	vld [tilespmem:s14+$0x10420]  }
.LBB2_13:
0xa1: {  	p0 =	sne.s32 s22, $0x7F00;
	v3 =	vld [tilespmem:s14+$0x10430];
	_ =	sdelay $0x1  }
0xa2: {  	v0 =	vmul.f32 $8.000000000e+00, v0  }
.Ltmp5:
0xa3: {  	v2 =	vmul.f32 $8.000000000e+00, v2;
	(pc) =	sbr.rel @p0 .LBB2_13-.Ltmp5, $4  }
0xa4: {  	s23 =	sshra.s32 s22, $0x2;
	[tilespmem:s14+$0x10400] =	vst v0;
	v1 =	vmul.f32 $8.000000000e+00, v1  }
0xa5: {  	v0 =	vld [tilespmem:s23+$0x10400];
	[tilespmem:s14+$0x10410] =	vst v2;
	v3 =	vmul.f32 $8.000000000e+00, v3  }
0xa6: {  	v2 =	vld [tilespmem:s23+$0x10410];
	[tilespmem:s14+$0x10420] =	vst v1  }
0xa7: {  	s22 =	sadd.s32 $0x100, s22;
	v1 =	vld [tilespmem:s23+$0x10420];
	[tilespmem:s14+$0x10430] =	vst v3;
	s14 =	smov.u32 s23  }
0xa8: {  	v3 =	vld [tilespmem:s14+$0x10430];
	_ =	sdelay $0x1  }
0xa9: {  	v0 =	vmul.f32 $8.000000000e+00, v0  }
0xaa: {  	s22 =	rddreg [dreg:$0x9];
	v2 =	vmul.f32 $8.000000000e+00, v2  }
0xab: {  	s22 =	sadd.s32 s13, s22;
	[tilespmem:s14+$0x10400] =	vst v0;
	v0 =	vmul.f32 $8.000000000e+00, v1  }
0xac: {  	s22 =	sshll.u32 s22, $0x3;
	[tilespmem:s14+$0x10410] =	vst v2;
	v1 =	vmul.f32 $8.000000000e+00, v3  }
0xad: {  	s22 =	sand.u32 $0x1FFFF400, s22;
	[tilespmem:s14+$0x10420] =	vst v0  }
0xae: {  	s31 =	simm.s32 $0x0;
	s23 =	simm.s32 $0x10400;
	s24 =	sadd.s32 s2, s22;
	[tilespmem:s14+$0x10430] =	vst v1  }
0xaf: {  	[hbm4b:s24+s31] =	stream.linear.scatter [tilespmem:s23], [sflag:$0xE], $0x2000, $0x38;
	[tilespmem:$0x16400] =	vst v63  }
0xb0: {  	_ =	swait.ge [sflag:s15], $0x2000  }
0xb1: {  	[sflag:s15] =	ssyncset.done $0x0  }
0xb2: {  	s14 =	sadd.s32 $0x480, s13;
	[sflag:s15] =	ssyncadd.s32 $0xFFFFE000  }
0xb3: {  	[tilespmem:s28], [sflag:$0x2] =	stream.indirect.gather [hbm4b:s5+s21], $0x40, s14, s21, $0xb8;
	[tilespmem:$0x16400] =	vst v63  }
0xb4: {  	_ =	swait.ge [sflag:s16], $0x2000  }
0xb5: {  	[sflag:s16] =	ssyncset.done $0x0  }
0xb6: {  	s22 =	simm.s32 $0x0;
	[sflag:s16] =	ssyncadd.s32 $0xFFFFE000  }
0xb7: {  	v0 =	vld [tilespmem:s22+$0x12400]  }
0xb8: {  	v2 =	vld [tilespmem:s22+$0x12410]  }
0xb9: {  	s23 =	simm.s32 $0x100;
	v1 =	vld [tilespmem:s22+$0x12420]  }
.LBB2_15:
0xba: {  	p0 =	sne.s32 s23, $0x7F00;
	v3 =	vld [tilespmem:s22+$0x12430];
	_ =	sdelay $0x1  }
0xbb: {  	v0 =	vmul.f32 $8.000000000e+00, v0  }
.Ltmp6:
0xbc: {  	v2 =	vmul.f32 $8.000000000e+00, v2;
	(pc) =	sbr.rel @p0 .LBB2_15-.Ltmp6, $4  }
0xbd: {  	s28 =	sshra.s32 s23, $0x2;
	[tilespmem:s22+$0x12400] =	vst v0;
	v1 =	vmul.f32 $8.000000000e+00, v1  }
0xbe: {  	v0 =	vld [tilespmem:s28+$0x12400];
	[tilespmem:s22+$0x12410] =	vst v2;
	v3 =	vmul.f32 $8.000000000e+00, v3  }
0xbf: {  	v2 =	vld [tilespmem:s28+$0x12410];
	[tilespmem:s22+$0x12420] =	vst v1  }
0xc0: {  	s23 =	sadd.s32 $0x100, s23;
	v1 =	vld [tilespmem:s28+$0x12420];
	[tilespmem:s22+$0x12430] =	vst v3;
	s22 =	smov.u32 s28  }
0xc1: {  	v3 =	vld [tilespmem:s22+$0x12430];
	_ =	sdelay $0x1  }
0xc2: {  	v0 =	vmul.f32 $8.000000000e+00, v0  }
0xc3: {  	s23 =	rddreg [dreg:$0xa];
	v2 =	vmul.f32 $8.000000000e+00, v2  }
0xc4: {  	s23 =	sadd.s32 s13, s23;
	[tilespmem:s22+$0x12400] =	vst v0;
	v0 =	vmul.f32 $8.000000000e+00, v1  }
0xc5: {  	s23 =	sshll.u32 s23, $0x3;
	[tilespmem:s22+$0x12410] =	vst v2;
	v1 =	vmul.f32 $8.000000000e+00, v3  }
0xc6: {  	s23 =	sand.u32 $0x1FFFF800, s23;
	[tilespmem:s22+$0x12420] =	vst v0  }
0xc7: {  	s24 =	simm.s32 $0x0;
	s23 =	sadd.s32 s2, s23;
	[tilespmem:s22+$0x12430] =	vst v1  }
0xc8: {  	[hbm4b:s23+s24] =	stream.linear.scatter [tilespmem:s0], [sflag:$0xF], $0x2000, $0x38;
	[tilespmem:$0x16400] =	vst v63  }
0xc9: {  	_ =	swait.ge [sflag:s17], $0x2000  }
0xca: {  	[sflag:s17] =	ssyncset.done $0x0  }
0xcb: {  	s31 =	simm.s32 $0xA400;
	s22 =	sadd.s32 $0x500, s13;
	[sflag:s17] =	ssyncadd.s32 $0xFFFFE000  }
0xcc: {  	[tilespmem:s31], [sflag:$0x3] =	stream.indirect.gather [hbm4b:s5+s21], $0x40, s22, s21, $0xb8;
	[tilespmem:$0x16400] =	vst v63  }
0xcd: {  	_ =	swait.ge [sflag:s18], $0x2000  }
0xce: {  	[sflag:s18] =	ssyncset.done $0x0  }
0xcf: {  	s23 =	simm.s32 $0x0;
	[sflag:s18] =	ssyncadd.s32 $0xFFFFE000  }
0xd0: {  	v0 =	vld [tilespmem:s23+$0x14400]  }
0xd1: {  	v2 =	vld [tilespmem:s23+$0x14410]  }
0xd2: {  	s28 =	simm.s32 $0x100;
	v1 =	vld [tilespmem:s23+$0x14420]  }
.LBB2_17:
0xd3: {  	p0 =	sne.s32 s28, $0x7F00;
	v3 =	vld [tilespmem:s23+$0x14430];
	_ =	sdelay $0x1  }
0xd4: {  	v0 =	vmul.f32 $8.000000000e+00, v0  }
.Ltmp7:
0xd5: {  	v2 =	vmul.f32 $8.000000000e+00, v2;
	(pc) =	sbr.rel @p0 .LBB2_17-.Ltmp7, $4  }
0xd6: {  	s31 =	sshra.s32 s28, $0x2;
	[tilespmem:s23+$0x14400] =	vst v0;
	v1 =	vmul.f32 $8.000000000e+00, v1  }
0xd7: {  	v0 =	vld [tilespmem:s31+$0x14400];
	[tilespmem:s23+$0x14410] =	vst v2;
	v3 =	vmul.f32 $8.000000000e+00, v3  }
0xd8: {  	v2 =	vld [tilespmem:s31+$0x14410];
	[tilespmem:s23+$0x14420] =	vst v1  }
0xd9: {  	s28 =	sadd.s32 $0x100, s28;
	v1 =	vld [tilespmem:s31+$0x14420];
	[tilespmem:s23+$0x14430] =	vst v3;
	s23 =	smov.u32 s31  }
0xda: {  	v3 =	vld [tilespmem:s23+$0x14430];
	_ =	sdelay $0x1  }
0xdb: {  	v0 =	vmul.f32 $8.000000000e+00, v0  }
0xdc: {  	s24 =	rddreg [dreg:$0xb];
	v2 =	vmul.f32 $8.000000000e+00, v2  }
0xdd: {  	s28 =	sadd.s32 s13, s24;
	[tilespmem:s23+$0x14400] =	vst v0;
	v0 =	vmul.f32 $8.000000000e+00, v1  }
0xde: {  	s28 =	sshll.u32 s28, $0x3;
	[tilespmem:s23+$0x14410] =	vst v2;
	v1 =	vmul.f32 $8.000000000e+00, v3  }
0xdf: {  	s28 =	sand.u32 $0x1FFFFC00, s28;
	[tilespmem:s23+$0x14420] =	vst v0  }
0xe0: {  	s24 =	sadd.s32 s2, s28;
	s28 =	simm.s32 $0x0;
	[tilespmem:s23+$0x14430] =	vst v1  }
0xe1: {  	[hbm4b:s24+s28] =	stream.linear.scatter [tilespmem:s7], [sflag:$0x10], $0x2000, $0x38;
	[tilespmem:$0x16400] =	vst v63  }
0xe2: {  	_ =	swait.ge [sflag:s19], $0x2000  }
0xe3: {  	[sflag:s19] =	ssyncset.done $0x0  }
0xe4: {  	s23 =	sadd.s32 $0x580, s13;
	s24 =	simm.s32 $0xC400;
	[sflag:s19] =	ssyncadd.s32 $0xFFFFE000  }
0xe5: {  	[tilespmem:s24], [sflag:$0x4] =	stream.indirect.gather [hbm4b:s5+s21], $0x40, s23, s21, $0xb8;
	[tilespmem:$0x16400] =	vst v63  }
0xe6: {  	_ =	swait.ge [sflag:s29], $0x2000  }
0xe7: {  	[sflag:s29] =	ssyncset.done $0x0  }
0xe8: {  	s28 =	simm.s32 $0x0;
	[sflag:s29] =	ssyncadd.s32 $0xFFFFE000  }
0xe9: {  	v0 =	vld [tilespmem:s28+$0x6400]  }
0xea: {  	v2 =	vld [tilespmem:s28+$0x6410]  }
0xeb: {  	s31 =	simm.s32 $0x100;
	v1 =	vld [tilespmem:s28+$0x6420]  }
.LBB2_19:
0xec: {  	p0 =	sne.s32 s31, $0x7F00;
	v3 =	vld [tilespmem:s28+$0x6430];
	_ =	sdelay $0x1  }
0xed: {  	v0 =	vmul.f32 $8.000000000e+00, v0  }
.Ltmp8:
0xee: {  	v2 =	vmul.f32 $8.000000000e+00, v2;
	(pc) =	sbr.rel @p0 .LBB2_19-.Ltmp8, $4  }
0xef: {  	s24 =	sshra.s32 s31, $0x2;
	[tilespmem:s28+$0x6400] =	vst v0;
	v1 =	vmul.f32 $8.000000000e+00, v1  }
0xf0: {  	v0 =	vld [tilespmem:s24+$0x6400];
	[tilespmem:s28+$0x6410] =	vst v2;
	v3 =	vmul.f32 $8.000000000e+00, v3  }
0xf1: {  	v2 =	vld [tilespmem:s24+$0x6410];
	[tilespmem:s28+$0x6420] =	vst v1  }
0xf2: {  	s31 =	sadd.s32 $0x100, s31;
	v1 =	vld [tilespmem:s24+$0x6420];
	[tilespmem:s28+$0x6430] =	vst v3;
	s28 =	smov.u32 s24  }
0xf3: {  	v3 =	vld [tilespmem:s28+$0x6430];
	_ =	sdelay $0x1  }
0xf4: {  	v0 =	vmul.f32 $8.000000000e+00, v0  }
0xf5: {  	v2 =	vmul.f32 $8.000000000e+00, v2  }
0xf6: {  	s24 =	sadd.s32 s4, s25;
	[tilespmem:s28+$0x6400] =	vst v0;
	v0 =	vmul.f32 $8.000000000e+00, v1  }
0xf7: {  	s24 =	sshll.u32 s24, $0x3;
	[tilespmem:s28+$0x6410] =	vst v2;
	v1 =	vmul.f32 $8.000000000e+00, v3  }
0xf8: {  	s24 =	sand.u32 $0x1FFFE000, s24;
	[tilespmem:s28+$0x6420] =	vst v0  }
0xf9: {  	s25 =	simm.s32 $0x0;
	s31 =	simm.s32 $0x6400;
	s24 =	sadd.s32 s2, s24;
	[tilespmem:s28+$0x6430] =	vst v1  }
0xfa: {  	[hbm4b:s24+s25] =	stream.linear.scatter [tilespmem:s31], [sflag:$0x9], $0x2000, $0x38;
	[tilespmem:$0x16400] =	vst v63  }
0xfb: {  	_ =	swait.ge [sflag:s6], $0x2000  }
0xfc: {  	s13 =	sand.u32 $0x3FFFFC00, s13;
	[sflag:s6] =	ssyncset.done $0x0  }
0xfd: {  	s24 =	sadd.s32 $0x600, s13;
	s25 =	simm.s32 $0xE400;
	[sflag:s6] =	ssyncadd.s32 $0xFFFFE000  }
0xfe: {  	[tilespmem:s25], [sflag:$0x5] =	stream.indirect.gather [hbm4b:s5+s21], $0x40, s24, s21, $0xb8;
	[tilespmem:$0x16400] =	vst v63  }
0xff: {  	_ =	swait.ge [sflag:s1], $0x2000  }
0x100: {  	[sflag:s1] =	ssyncset.done $0x0  }
0x101: {  	s25 =	simm.s32 $0x0;
	[sflag:s1] =	ssyncadd.s32 $0xFFFFE000  }
0x102: {  	v0 =	vld [tilespmem:s25+$0x8400]  }
0x103: {  	v2 =	vld [tilespmem:s25+$0x8410]  }
0x104: {  	s28 =	simm.s32 $0x100;
	v1 =	vld [tilespmem:s25+$0x8420]  }
.LBB2_21:
0x105: {  	p0 =	sne.s32 s28, $0x7F00;
	v3 =	vld [tilespmem:s25+$0x8430];
	_ =	sdelay $0x1  }
0x106: {  	v0 =	vmul.f32 $8.000000000e+00, v0  }
.Ltmp9:
0x107: {  	v2 =	vmul.f32 $8.000000000e+00, v2;
	(pc) =	sbr.rel @p0 .LBB2_21-.Ltmp9, $4  }
0x108: {  	s24 =	sshra.s32 s28, $0x2;
	[tilespmem:s25+$0x8400] =	vst v0;
	v1 =	vmul.f32 $8.000000000e+00, v1  }
0x109: {  	v0 =	vld [tilespmem:s24+$0x8400];
	[tilespmem:s25+$0x8410] =	vst v2;
	v3 =	vmul.f32 $8.000000000e+00, v3  }
0x10a: {  	v2 =	vld [tilespmem:s24+$0x8410];
	[tilespmem:s25+$0x8420] =	vst v1  }
0x10b: {  	s28 =	sadd.s32 $0x100, s28;
	v1 =	vld [tilespmem:s24+$0x8420];
	[tilespmem:s25+$0x8430] =	vst v3;
	s25 =	smov.u32 s24  }
0x10c: {  	v3 =	vld [tilespmem:s25+$0x8430];
	_ =	sdelay $0x1  }
0x10d: {  	v0 =	vmul.f32 $8.000000000e+00, v0  }
0x10e: {  	v2 =	vmul.f32 $8.000000000e+00, v2  }
0x10f: {  	s14 =	sadd.s32 s4, s14;
	[tilespmem:s25+$0x8400] =	vst v0;
	v0 =	vmul.f32 $8.000000000e+00, v1  }
0x110: {  	s14 =	sshll.u32 s14, $0x3;
	[tilespmem:s25+$0x8410] =	vst v2;
	v1 =	vmul.f32 $8.000000000e+00, v3  }
0x111: {  	s14 =	sand.u32 $0x1FFFE400, s14;
	[tilespmem:s25+$0x8420] =	vst v0  }
0x112: {  	s24 =	simm.s32 $0x0;
	s28 =	simm.s32 $0x8400;
	s14 =	sadd.s32 s2, s14;
	[tilespmem:s25+$0x8430] =	vst v1  }
0x113: {  	[hbm4b:s14+s24] =	stream.linear.scatter [tilespmem:s28], [sflag:$0xA], $0x2000, $0x38;
	[tilespmem:$0x16400] =	vst v63  }
0x114: {  	_ =	swait.ge [sflag:s20], $0x2000  }
0x115: {  	[sflag:s20] =	ssyncset.done $0x0  }
0x116: {  	s25 =	simm.s32 $0x10400;
	s24 =	sadd.s32 $0x680, s13;
	[sflag:s20] =	ssyncadd.s32 $0xFFFFE000  }
0x117: {  	[tilespmem:s25], [sflag:$0x6] =	stream.indirect.gather [hbm4b:s5+s21], $0x40, s24, s21, $0xb8;
	[tilespmem:$0x16400] =	vst v63  }
0x118: {  	_ =	swait.ge [sflag:s26], $0x2000  }
0x119: {  	[sflag:s26] =	ssyncset.done $0x0  }
0x11a: {  	s14 =	simm.s32 $0x0;
	[sflag:s26] =	ssyncadd.s32 $0xFFFFE000  }
0x11b: {  	v0 =	vld [tilespmem:s14+$0xA400]  }
0x11c: {  	v2 =	vld [tilespmem:s14+$0xA410]  }
0x11d: {  	s25 =	simm.s32 $0x100;
	v1 =	vld [tilespmem:s14+$0xA420]  }
.LBB2_23:
0x11e: {  	p0 =	sne.s32 s25, $0x7F00;
	v3 =	vld [tilespmem:s14+$0xA430];
	_ =	sdelay $0x1  }
0x11f: {  	v0 =	vmul.f32 $8.000000000e+00, v0  }
.Ltmp10:
0x120: {  	v2 =	vmul.f32 $8.000000000e+00, v2;
	(pc) =	sbr.rel @p0 .LBB2_23-.Ltmp10, $4  }
0x121: {  	s24 =	sshra.s32 s25, $0x2;
	[tilespmem:s14+$0xA400] =	vst v0;
	v1 =	vmul.f32 $8.000000000e+00, v1  }
0x122: {  	v0 =	vld [tilespmem:s24+$0xA400];
	[tilespmem:s14+$0xA410] =	vst v2;
	v3 =	vmul.f32 $8.000000000e+00, v3  }
0x123: {  	v2 =	vld [tilespmem:s24+$0xA410];
	[tilespmem:s14+$0xA420] =	vst v1  }
0x124: {  	s25 =	sadd.s32 $0x100, s25;
	v1 =	vld [tilespmem:s24+$0xA420];
	[tilespmem:s14+$0xA430] =	vst v3;
	s14 =	smov.u32 s24  }
0x125: {  	v3 =	vld [tilespmem:s14+$0xA430];
	_ =	sdelay $0x1  }
0x126: {  	v0 =	vmul.f32 $8.000000000e+00, v0  }
0x127: {  	v2 =	vmul.f32 $8.000000000e+00, v2  }
0x128: {  	s22 =	sadd.s32 s4, s22;
	[tilespmem:s14+$0xA400] =	vst v0;
	v0 =	vmul.f32 $8.000000000e+00, v1  }
0x129: {  	s22 =	sshll.u32 s22, $0x3;
	[tilespmem:s14+$0xA410] =	vst v2;
	v1 =	vmul.f32 $8.000000000e+00, v3  }
0x12a: {  	s22 =	sand.u32 $0x1FFFE800, s22;
	[tilespmem:s14+$0xA420] =	vst v0  }
0x12b: {  	s25 =	simm.s32 $0x0;
	s24 =	simm.s32 $0xA400;
	s22 =	sadd.s32 s2, s22;
	[tilespmem:s14+$0xA430] =	vst v1  }
0x12c: {  	[hbm4b:s22+s25] =	stream.linear.scatter [tilespmem:s24], [sflag:$0xB], $0x2000, $0x38;
	[tilespmem:$0x16400] =	vst v63  }
0x12d: {  	_ =	swait.ge [sflag:s3], $0x2000  }
0x12e: {  	[sflag:s3] =	ssyncset.done $0x0  }
0x12f: {  	s25 =	sadd.s32 $0x700, s13;
	[sflag:s3] =	ssyncadd.s32 $0xFFFFE000  }
0x130: {  	[tilespmem:s0], [sflag:$0x7] =	stream.indirect.gather [hbm4b:s5+s21], $0x40, s25, s21, $0xb8;
	[tilespmem:$0x16400] =	vst v63  }
0x131: {  	_ =	swait.ge [sflag:s30], $0x2000  }
0x132: {  	[sflag:s30] =	ssyncset.done $0x0  }
0x133: {  	s14 =	simm.s32 $0x0;
	[sflag:s30] =	ssyncadd.s32 $0xFFFFE000  }
0x134: {  	v0 =	vld [tilespmem:s14+$0xC400]  }
0x135: {  	v2 =	vld [tilespmem:s14+$0xC410]  }
0x136: {  	s22 =	simm.s32 $0x100;
	v1 =	vld [tilespmem:s14+$0xC420]  }
.LBB2_25:
0x137: {  	p0 =	sne.s32 s22, $0x7F00;
	v3 =	vld [tilespmem:s14+$0xC430];
	_ =	sdelay $0x1  }
0x138: {  	v0 =	vmul.f32 $8.000000000e+00, v0  }
.Ltmp11:
0x139: {  	v2 =	vmul.f32 $8.000000000e+00, v2;
	(pc) =	sbr.rel @p0 .LBB2_25-.Ltmp11, $4  }
0x13a: {  	s24 =	sshra.s32 s22, $0x2;
	[tilespmem:s14+$0xC400] =	vst v0;
	v1 =	vmul.f32 $8.000000000e+00, v1  }
0x13b: {  	v0 =	vld [tilespmem:s24+$0xC400];
	[tilespmem:s14+$0xC410] =	vst v2;
	v3 =	vmul.f32 $8.000000000e+00, v3  }
0x13c: {  	v2 =	vld [tilespmem:s24+$0xC410];
	[tilespmem:s14+$0xC420] =	vst v1  }
0x13d: {  	s22 =	sadd.s32 $0x100, s22;
	v1 =	vld [tilespmem:s24+$0xC420];
	[tilespmem:s14+$0xC430] =	vst v3;
	s14 =	smov.u32 s24  }
0x13e: {  	v3 =	vld [tilespmem:s14+$0xC430];
	_ =	sdelay $0x1  }
0x13f: {  	v0 =	vmul.f32 $8.000000000e+00, v0  }
0x140: {  	v2 =	vmul.f32 $8.000000000e+00, v2  }
0x141: {  	s22 =	sadd.s32 s4, s23;
	[tilespmem:s14+$0xC400] =	vst v0;
	v62 =	vmul.f32 $8.000000000e+00, v1  }
0x142: {  	s22 =	sshll.u32 s22, $0x3;
	[tilespmem:s14+$0xC410] =	vst v2;
	v63 =	vmul.f32 $8.000000000e+00, v3  }
0x143: {  	s25 =	simm.s32 $0xC400;
	s12 =	sadd.s32 $0x1, s12;
	s22 =	sand.u32 $0x1FFFEC00, s22;
	[tilespmem:s14+$0xC420] =	vst v62  }
0x144: {  	p0 =	sne.s32 s12, $0x18;
	s24 =	sadd.s32 s2, s22;
	s22 =	simm.s32 $0x0;
	[tilespmem:s14+$0xC430] =	vst v63  }
0x145: {  	[hbm4b:s24+s22] =	stream.linear.scatter [tilespmem:s25], [sflag:$0xC], $0x2000, $0x38;
	[tilespmem:$0x16400] =	vst v63  }
.Ltmp12:
0x146: {  	_ = 	snop;
	(pc) =	sbr.rel @p0 .LBB2_10-.Ltmp12, $4  }
0x147: {  	_ =	swait.ge [sflag:s11], $0x2000  }
0x148: {  	[sflag:s11] =	ssyncset.done $0x0  }
0x149: {  	s13 =	sadd.s32 $0x780, s13;
	[sflag:s11] =	ssyncadd.s32 $0xFFFFE000  }
0x14a: {  	[tilespmem:s7], [sflag:$0x8] =	stream.indirect.gather [hbm4b:s5+s21], $0x40, s13, s21, $0xb8;
	[tilespmem:$0x16400] =	vst v63  }
0x14b: {  	_ =	swait.ge [sflag:s8], $0x2000  }
0x14c: {  	[sflag:s8] =	ssyncset.done $0x0  }
0x14d: {  	s12 =	simm.s32 $0x0;
	[sflag:s8] =	ssyncadd.s32 $0xFFFFE000  }
0x14e: {  	v0 =	vld [tilespmem:s12+$0xE400]  }
0x14f: {  	v2 =	vld [tilespmem:s12+$0xE410]  }
0x150: {  	s13 =	simm.s32 $0x100;
	v1 =	vld [tilespmem:s12+$0xE420]  }
.LBB2_28:
0x151: {  	p0 =	sne.s32 s13, $0x7F00;
	v3 =	vld [tilespmem:s12+$0xE430];
	_ =	sdelay $0x1  }
0x152: {  	v0 =	vmul.f32 $8.000000000e+00, v0  }
.Ltmp13:
0x153: {  	v2 =	vmul.f32 $8.000000000e+00, v2;
	(pc) =	sbr.rel @p0 .LBB2_28-.Ltmp13, $4  }
0x154: {  	s14 =	sshra.s32 s13, $0x2;
	[tilespmem:s12+$0xE400] =	vst v0;
	v1 =	vmul.f32 $8.000000000e+00, v1  }
0x155: {  	v0 =	vld [tilespmem:s14+$0xE400];
	[tilespmem:s12+$0xE410] =	vst v2;
	v3 =	vmul.f32 $8.000000000e+00, v3  }
0x156: {  	v2 =	vld [tilespmem:s14+$0xE410];
	[tilespmem:s12+$0xE420] =	vst v1  }
0x157: {  	s13 =	sadd.s32 $0x100, s13;
	v1 =	vld [tilespmem:s14+$0xE420];
	[tilespmem:s12+$0xE430] =	vst v3;
	s12 =	smov.u32 s14  }
0x158: {  	v3 =	vld [tilespmem:s12+$0xE430];
	_ =	sdelay $0x1  }
0x159: {  	v0 =	vmul.f32 $8.000000000e+00, v0  }
0x15a: {  	v2 =	vmul.f32 $8.000000000e+00, v2  }
0x15b: {  	[tilespmem:s12+$0xE400] =	vst v0;
	v0 =	vmul.f32 $8.000000000e+00, v1  }
0x15c: {  	[tilespmem:s12+$0xE410] =	vst v2;
	v1 =	vmul.f32 $8.000000000e+00, v3  }
0x15d: {  	[tilespmem:s12+$0xE420] =	vst v0  }
0x15e: {  	s25 =	simm.s32 $0x0;
	s13 =	rddreg [dreg:$0xc];
	s14 =	simm.s32 $0xE400;
	[tilespmem:s12+$0xE430] =	vst v1  }
0x15f: {  	[hbm4b:s13+s25] =	stream.linear.scatter [tilespmem:s14], [sflag:$0xD], $0x2000, $0x38;
	[tilespmem:$0x16400] =	vst v63  }
0x160: {  	_ =	swait.ge [sflag:s10], $0x2000  }
0x161: {  	[sflag:s10] =	ssyncset.done $0x0  }
0x162: {  	s12 =	simm.s32 $0x0;
	[sflag:s10] =	ssyncadd.s32 $0xFFFFE000  }
0x163: {  	v0 =	vld [tilespmem:s12+$0x10400]  }
0x164: {  	v2 =	vld [tilespmem:s12+$0x10410]  }
0x165: {  	s13 =	simm.s32 $0x100;
	v1 =	vld [tilespmem:s12+$0x10420]  }
.LBB2_30:
0x166: {  	p0 =	sne.s32 s13, $0x7F00;
	v3 =	vld [tilespmem:s12+$0x10430];
	_ =	sdelay $0x1  }
0x167: {  	v0 =	vmul.f32 $8.000000000e+00, v0  }
.Ltmp14:
0x168: {  	v2 =	vmul.f32 $8.000000000e+00, v2;
	(pc) =	sbr.rel @p0 .LBB2_30-.Ltmp14, $4  }
0x169: {  	s14 =	sshra.s32 s13, $0x2;
	[tilespmem:s12+$0x10400] =	vst v0;
	v1 =	vmul.f32 $8.000000000e+00, v1  }
0x16a: {  	v0 =	vld [tilespmem:s14+$0x10400];
	[tilespmem:s12+$0x10410] =	vst v2;
	v3 =	vmul.f32 $8.000000000e+00, v3  }
0x16b: {  	v2 =	vld [tilespmem:s14+$0x10410];
	[tilespmem:s12+$0x10420] =	vst v1  }
0x16c: {  	s13 =	sadd.s32 $0x100, s13;
	v1 =	vld [tilespmem:s14+$0x10420];
	[tilespmem:s12+$0x10430] =	vst v3;
	s12 =	smov.u32 s14  }
0x16d: {  	v3 =	vld [tilespmem:s12+$0x10430];
	_ =	sdelay $0x1  }
0x16e: {  	v0 =	vmul.f32 $8.000000000e+00, v0  }
0x16f: {  	v2 =	vmul.f32 $8.000000000e+00, v2  }
0x170: {  	[tilespmem:s12+$0x10400] =	vst v0;
	v0 =	vmul.f32 $8.000000000e+00, v1  }
0x171: {  	[tilespmem:s12+$0x10410] =	vst v2;
	v1 =	vmul.f32 $8.000000000e+00, v3  }
0x172: {  	[tilespmem:s12+$0x10420] =	vst v0  }
0x173: {  	s25 =	simm.s32 $0x0;
	s13 =	rddreg [dreg:$0xd];
	s14 =	simm.s32 $0x10400;
	[tilespmem:s12+$0x10430] =	vst v1  }
0x174: {  	[hbm4b:s13+s25] =	stream.linear.scatter [tilespmem:s14], [sflag:$0xE], $0x2000, $0x38;
	[tilespmem:$0x16400] =	vst v63  }
0x175: {  	_ =	swait.ge [sflag:s16], $0x2000  }
0x176: {  	[sflag:s16] =	ssyncset.done $0x0  }
0x177: {  	s12 =	simm.s32 $0x0;
	[sflag:s16] =	ssyncadd.s32 $0xFFFFE000  }
0x178: {  	v0 =	vld [tilespmem:s12+$0x12400]  }
0x179: {  	v2 =	vld [tilespmem:s12+$0x12410]  }
0x17a: {  	s13 =	simm.s32 $0x100;
	v1 =	vld [tilespmem:s12+$0x12420]  }
.LBB2_32:
0x17b: {  	p0 =	sne.s32 s13, $0x7F00;
	v3 =	vld [tilespmem:s12+$0x12430];
	_ =	sdelay $0x1  }
0x17c: {  	v0 =	vmul.f32 $8.000000000e+00, v0  }
.Ltmp15:
0x17d: {  	v2 =	vmul.f32 $8.000000000e+00, v2;
	(pc) =	sbr.rel @p0 .LBB2_32-.Ltmp15, $4  }
0x17e: {  	s14 =	sshra.s32 s13, $0x2;
	[tilespmem:s12+$0x12400] =	vst v0;
	v1 =	vmul.f32 $8.000000000e+00, v1  }
0x17f: {  	v0 =	vld [tilespmem:s14+$0x12400];
	[tilespmem:s12+$0x12410] =	vst v2;
	v3 =	vmul.f32 $8.000000000e+00, v3  }
0x180: {  	v2 =	vld [tilespmem:s14+$0x12410];
	[tilespmem:s12+$0x12420] =	vst v1  }
0x181: {  	s13 =	sadd.s32 $0x100, s13;
	v1 =	vld [tilespmem:s14+$0x12420];
	[tilespmem:s12+$0x12430] =	vst v3;
	s12 =	smov.u32 s14  }
0x182: {  	v3 =	vld [tilespmem:s12+$0x12430];
	_ =	sdelay $0x1  }
0x183: {  	v0 =	vmul.f32 $8.000000000e+00, v0  }
0x184: {  	v2 =	vmul.f32 $8.000000000e+00, v2  }
0x185: {  	[tilespmem:s12+$0x12400] =	vst v0;
	v0 =	vmul.f32 $8.000000000e+00, v1  }
0x186: {  	[tilespmem:s12+$0x12410] =	vst v2;
	v1 =	vmul.f32 $8.000000000e+00, v3  }
0x187: {  	[tilespmem:s12+$0x12420] =	vst v0  }
0x188: {  	s25 =	simm.s32 $0x0;
	s13 =	rddreg [dreg:$0xe];
	[tilespmem:s12+$0x12430] =	vst v1  }
0x189: {  	[hbm4b:s13+s25] =	stream.linear.scatter [tilespmem:s0], [sflag:$0xF], $0x2000, $0x38;
	[tilespmem:$0x16400] =	vst v63  }
0x18a: {  	_ =	swait.ge [sflag:s18], $0x2000  }
0x18b: {  	[sflag:s18] =	ssyncset.done $0x0  }
0x18c: {  	s12 =	simm.s32 $0x0;
	[sflag:s18] =	ssyncadd.s32 $0xFFFFE000  }
0x18d: {  	v0 =	vld [tilespmem:s12+$0x14400]  }
0x18e: {  	v2 =	vld [tilespmem:s12+$0x14410]  }
0x18f: {  	s13 =	simm.s32 $0x100;
	v1 =	vld [tilespmem:s12+$0x14420]  }
.LBB2_34:
0x190: {  	p0 =	sne.s32 s13, $0x7F00;
	v3 =	vld [tilespmem:s12+$0x14430];
	_ =	sdelay $0x1  }
0x191: {  	v0 =	vmul.f32 $8.000000000e+00, v0  }
.Ltmp16:
0x192: {  	v2 =	vmul.f32 $8.000000000e+00, v2;
	(pc) =	sbr.rel @p0 .LBB2_34-.Ltmp16, $4  }
0x193: {  	s14 =	sshra.s32 s13, $0x2;
	[tilespmem:s12+$0x14400] =	vst v0;
	v1 =	vmul.f32 $8.000000000e+00, v1  }
0x194: {  	v0 =	vld [tilespmem:s14+$0x14400];
	[tilespmem:s12+$0x14410] =	vst v2;
	v3 =	vmul.f32 $8.000000000e+00, v3  }
0x195: {  	v2 =	vld [tilespmem:s14+$0x14410];
	[tilespmem:s12+$0x14420] =	vst v1  }
0x196: {  	s13 =	sadd.s32 $0x100, s13;
	v1 =	vld [tilespmem:s14+$0x14420];
	[tilespmem:s12+$0x14430] =	vst v3;
	s12 =	smov.u32 s14  }
0x197: {  	v3 =	vld [tilespmem:s12+$0x14430];
	_ =	sdelay $0x1  }
0x198: {  	v0 =	vmul.f32 $8.000000000e+00, v0  }
0x199: {  	v2 =	vmul.f32 $8.000000000e+00, v2  }
0x19a: {  	[tilespmem:s12+$0x14400] =	vst v0;
	v62 =	vmul.f32 $8.000000000e+00, v1  }
0x19b: {  	[tilespmem:s12+$0x14410] =	vst v2;
	v63 =	vmul.f32 $8.000000000e+00, v3  }
0x19c: {  	[tilespmem:s12+$0x14420] =	vst v62  }
0x19d: {  	s24 =	rddreg [dreg:$0xf];
	[tilespmem:s12+$0x14430] =	vst v63  }
0x19e: {  	[hbm4b:s24+s22] =	stream.linear.scatter [tilespmem:s7], [sflag:$0x10], $0x2000, $0x38;
	[tilespmem:$0x16400] =	vst v63  }
0x19f: {  	_ =	swait.ge [sflag:s9], $0x2000  }
0x1a0: {  	[sflag:s9] =	ssyncset.done $0x0  }
0x1a1: {  	[sflag:s9] =	ssyncadd.s32 $0xFFFFE000  }
0x1a2: {  	_ =	swait.ge [sflag:s15], $0x2000  }
0x1a3: {  	[sflag:s15] =	ssyncset.done $0x0  }
0x1a4: {  	[sflag:s15] =	ssyncadd.s32 $0xFFFFE000  }
0x1a5: {  	_ =	swait.ge [sflag:s17], $0x2000  }
0x1a6: {  	[sflag:s17] =	ssyncset.done $0x0  }
0x1a7: {  	[sflag:s17] =	ssyncadd.s32 $0xFFFFE000  }
0x1a8: {  	_ =	swait.ge [sflag:s19], $0x2000  }
0x1a9: {  	[sflag:s19] =	ssyncset.done $0x0  }
0x1aa: {  	[sflag:s19] =	ssyncadd.s32 $0xFFFFE000  }
0x1ab: {  	_ =	swait.ge [sflag:s6], $0x2000  }
0x1ac: {  	[sflag:s6] =	ssyncset.done $0x0  }
0x1ad: {  	[sflag:s6] =	ssyncadd.s32 $0xFFFFE000  }
0x1ae: {  	_ =	swait.ge [sflag:s20], $0x2000  }
0x1af: {  	[sflag:s20] =	ssyncset.done $0x0  }
0x1b0: {  	[sflag:s20] =	ssyncadd.s32 $0xFFFFE000  }
0x1b1: {  	_ =	swait.ge [sflag:s3], $0x2000  }
0x1b2: {  	[sflag:s3] =	ssyncset.done $0x0  }
0x1b3: {  	[sflag:s3] =	ssyncadd.s32 $0xFFFFE000  }
0x1b4: {  	_ =	swait.ge [sflag:s11], $0x2000  }
0x1b5: {  	s13 =	rddreg [dreg:$0x11]  }
0x1b6: {  	s25 =	rddreg [dreg:$0x10];
	s13 =	sadd.s32 $0x1, s13  }
0x1b7: {  	p0 =	sne.s32 s13, s25  }
.Ltmp17:
0x1b8: {  	_ = 	snop;
	(pc) =	sbr.rel @p0 .LBB2_1-.Ltmp17, $3  }
0x1b9: {  	_ =	sdelay $0x1  }
0x1ba: {  	[sflag:s11] =	ssyncset.done $0x0  }
0x1bb: {  	[sflag:s11] =	ssyncadd.s32 $0xFFFFE000  }
0x1bc: {  	_ =	sfence.sel $0x180000  }
0x1bd: {  	[bflag:$0x0] =	sbarrier.arrive $0xFFFF  }
0x1be: {  	_ =	strace $0x90000047  }
0x1bf: {  	s0 =	stileid.u32;
	[bflag:$0x2] =	sbarrier.arrive $0xFFFF  }
0x1c0: {  	p0 =	sne.s32 s0, $0x0;
	s0 =	rddreg [dreg:$0x2]  }
0x1c1: {  	s0 =	sadd.s32 @!p0 $0x100000, s0  }
0x1c2: {  	[sflag:s0] =	ssyncadd.tile.s32 @!p0 $0x1;
	_ =	shalt  }
.Lfunc_end2:
_tile_overlayer_lowered:
.L_overlay_start_2:
0x1c3: {  	(tag) =	ssettag $0x2  }
0x1c4: {  	s0 =	rddreg [dreg:$0x0];
	s2 =	stileid.u32  }
0x1c5: {  	s1 =	rddreg [dreg:$0x1];
	p0 =	sne.s32 s2, $0x0  }
0x1c6: {  	s3 =	rddreg [dreg:$0x2];
	[bflag:$0x3] =	sbarrier.arrive $0xFFFF;
	s2 =	simm.s32 @!p0 $0x1C12  }
0x1c7: {  	[timem:s3], [sflag:s2] =	dma.local @!p0 [hbm:s0], s1  }
0x1c8: {  	s0 =	simm.s32 @!p0 $0x12  }
0x1c9: {  	_ =	swait.ge @!p0 [sflag:s0], s1  }
0x1ca: {  	s1 =	ssub.s32 @!p0 $0x0, s1;
	[sflag:s0] =	ssyncset.done @!p0 $0x0  }
0x1cb: {  	[sflag:s0] =	ssyncadd.s32 @!p0 s1  }
0x1cc: {  	[bflag:$0x3] =	sbarrier.arrive $0xFFFF  }
0x1cd: {  	_ =	shalt  }

// kernel: sparse-core-data-format-call.cloned.1.call-start
scs
called_computation_lowered:
.L_overlay_start_0:
0x0: {  	s2 =	sld [smem:$0x3FD9]  }
0x1: {  	s3 =	sld [smem:$0x3FFE];
	_ =	sdelay $0x1  }
0x2: {  	s1 =	srdreg.scid  }
0x3: {  	s0 =	sand.u32 $0x1, s1  }
0x4: {  	s18 =	sshll.u32 s0, $0xA;
	s2 =	sadd.s32 s3, s2  }
0x5: {  	s2 =	sadd.s32 s2, s18  }
0x6: {  	[smem:$0x3FC6] =	sst s2  }
0x7: {  	_ = 	snop  }
0x8: {  	s2 =	sld [smem:$0x3FD0];
	(tm) =	ssettm $0x1  }
0x9: {  	s19 =	sld [smem:$0x3FFB];
	_ =	sdelay $0x3  }
0xa: {  	_ =	strace s19  }
0xb: {  	s3 =	sld [smem:$0x3FFC];
	_ =	sdelay $0x3  }
0xc: {  	_ =	strace s3  }
0xd: {  	s3 =	sld [smem:$0x3FFD];
	_ =	sdelay $0x3  }
0xe: {  	_ =	strace s3  }
0xf: {  	_ =	strace $0x8FFFFFFF  }
0x10: {  	s20 =	sld [smem:$0x3FDB];
	_ =	sdelay $0x1  }
0x11: {  	s4 =	simm.s32 $_scs_section_size  }
0x12: {  	s5 =	simm.s32 $_size__tile_overlayer_lowered;
	s6 =	simm.s32 $_tile_overlayer_lowered  }
0x13: {  	s23 =	simm.s32 $0x1BFF;
	s22 =	sshll.u32 s6, $0x1;
	s3 =	sadd.s32 s4, s20  }
0x14: {  	s7 =	simm.s32 $0x0;
	s21 =	sshll.u32 s5, $0x1;
	s5 =	sadd.s32 s22, s3  }
0x15: {  	[timem:s7], [sflag:s23] =	dma.local [hbm:s5], s21  }
0x16: {  	_ =	swait.ge [sflag:s23], s21  }
0x17: {  	s4 =	ssub.s32 $0x0, s21;
	[sflag:s23] =	ssyncset.done $0x0  }
0x18: {  	[sflag:s23] =	ssyncadd.s32 s4;
	_ =	sdelay $0x1  }
0x19: {  	s24 =	simm.s32 $0x1B8B  }
0x1a: {  	_ =	swait.ge [sflag:s24], $0x1  }
0x1b: {  	[sflag:s24] =	ssyncset.done $0x0  }
0x1c: {  	s26 =	simm.s32 $0x1B8E;
	s25 =	sld [smem:$0x3FFE];
	[sflag:s24] =	ssyncadd.s32 $0xFFFFFFFF  }
0x1d: {  	s27 =	simm.s32 $execute0_lowered;
	[smem:$0x3FD2] =	sst s26  }
0x1e: {  	s5 =	sshll.u32 s27, $0x1;
	_ =	strace $0x80000049;
	[dreg:$0x1] =	wrdreg $0xFFFFFFFF  }
0x1f: {  	s28 =	simm.s32 $_size_execute0_lowered;
	s3 =	sadd.s32 s3, s5;
	[dreg:$0x0] =	wrdreg $0x0  }
0x20: {  	s5 =	sshll.u32 s28, $0x1;
	[dreg:$0x2] =	wrdreg s3  }
0x21: {  	[dreg:$0x3] =	wrdreg s5  }
0x22: {  	[dreg:$0x4] =	wrdreg $0xC0  }
0x23: {  	_ =	task [dreg:s7], $0x5FFFF  }
0x24: {  	[dreg:$0x1] =	wrdreg $0xFFFFFFFF  }
0x25: {  	[dreg:$0x0] =	wrdreg $0x60  }
0x26: {  	[dreg:$0x2] =	wrdreg s25  }
0x27: {  	[dreg:$0x3] =	wrdreg s2  }
0x28: {  	[dreg:$0x4] =	wrdreg $0x9  }
0x29: {  	_ =	task.clear_ibuf [dreg:s7], $0x5FFFF;
	_ =	strace $0x90000049  }
0x2a: {  	s29 =	simm.s32 $0x9;
	_ =	strace $0x8000004B  }
0x2b: {  	_ =	swait.ge [sflag:s29], $0x1  }
0x2c: {  	[sflag:s29] =	ssyncadd.s32 $0xFFFFFFFF  }
0x2d: {  	_ =	strace $0x9000004B  }
0x2e: {  	_ =	sfence  }
0x2f: {  	s30 =	sld [smem:$0x0];
	_ =	sdelay $0x2  }
0x30: {  	s31 =	sshll.u32 s1, $0xD;
	s1 =	sshrl.u32 s1, $0x2  }
0x31: {  	s3 =	sand.u32 $0x4000, s31;
	s1 =	sadd.s32 s1, s30  }
0x32: {  	s0 =	sor.u32 s3, s0;
	s1 =	sshll.u32 s1, $0x11  }
0x33: {  	s0 =	sor.u32 s1, s0  }
0x34: {  	s0 =	sadd.s32 $0x8F2B, s0  }
0x35: {  	[sflag:s0] =	ssyncadd.remote.s32 $0x1  }
0x36: {  	_ =	sfence.sel $0xFFFF  }
0x37: {  	[dreg:$0x0] =	wrdreg $0xFFFFFFFF;
	(pc) =	sbr.abs _section_cstart, $3  }
0x38: {  	[dreg:$0x1] =	wrdreg $0xFFFFFFFF  }
0x39: {  	_ =	task.clear_ibuf [dreg:s7], $0x2FFFF;
	_ =	strace $0x9FFFFFFF  }
0x3a: {  	(tm) =	ssettm $0x7FFFFFFF  }
0x3b: {  	_ =	shalt  }
tec
execute0_lowered:
.L_overlay_start_1:
0x0: {  	(tag) =	ssettag $0x1  }
0x1: {  	s0 =	srdreg.scid  }
0x2: {  	s1 =	sshll.u32 s0, $0x4  }
0x3: {  	s0 =	stileid.u32;
	s1 =	sand.u32 $0x10, s1  }
0x4: {  	s1 =	sor.u32 s0, s1  }
0x5: {  	s6 =	rddreg [dreg:$0x0];
	s4 =	simm.s32 $0x1;
	s2 =	sshll.u32 s1, $0x7  }
0x6: {  	s7 =	simm.s32 $0x2;
	s12 =	simm.s32 $0x0;
	s1 =	ssub.s32 $0x1000, s2  }
0x7: {  	s8 =	simm.s32 $0x8000;
	s13 =	simm.s32 $0x0;
	s3 =	sand.u32 $0xF80, s1  }
0x8: {  	s9 =	simm.s32 $0x0;
	s5 =	sshrl.u32 s1, $0xC;
	p0 =	sne.s32 s3, $0x0  }
.Ltmp0:
0x9: {  	s1 =	rddreg [dreg:$0x2];
	s4 =	simm.s32 @!p0 $0x0;
	(pc) =	sbr.rel .LBB1_1-.Ltmp0, $4  }
0xa: {  	s11 =	simm.s32 $0x0;
	s3 =	rddreg [dreg:$0x1];
	s5 =	sadd.s32 s4, s5  }
0xb: {  	_ =	strace $0x8000004A;
	s4 =	simm.s32 $0x1;
	s5 =	smul.u32 $0xC8, s5  }
0xc: {  	s6 =	sadd.s32 $0xA00, s6;
	s10 =	smov.u32 s2;
	[sflag:s4] =	ssyncpa.u1 $0x0  }
0xd: {  	p0 =	por $0x0, $0x0;
	[sflag:s7] =	ssyncpa.u1 $0x0;
	s7 =	sor.u32 $0x1, s5  }
.LBB1_4:
0xe: {  	s16 =	sshll.u32 s13, $0x3;
	s17 =	sand.u32 $0x78, s13  }
0xf: {  	s30 =	sand.u32 $0x7E00, s13;
	s12 =	sshll.u32 s12, $0xF;
	s16 =	sand.u32 $0xC00, s16  }
0x10: {  	[tilespmem:s15+$0x810 ss:$0x81] =	vst.msk $0xffff, v2;
	s31 =	sand.u32 $0x7, s13;
	s16 =	sor.u32 s17, s16;
	s17 =	sadd.s32 s3, s30  }
0x11: {  	[tilespmem:s15+$0x1020 ss:$0x81] =	vst.msk $0xffff, v0;
	s13 =	sshll.u32 s31, $0x12;
	s12 =	sadd.s32 s12, s17;
	s16 =	sshrl.u32 s16, $0x3  }
0x12: {  	[tilespmem:s15+$0x0 ss:$0x81] =	vst.msk $0xffff, v1;
	s13 =	sor.u32 $0x400, s13;
	s12 =	sadd.s32 s16, s12  }
0x13: {  	[hbm4b:s12+s13] =	stream.strided.scatter [tilespmem:s14], [sflag:$0x2], $0x2000, s8, s13, $0x20;
	[tilespmem:$0x8080] =	vst v63  }
.LBB1_5:
0x14: {  	s14 =	sadd.s32 $0x1, s9  }
0x15: {  	s12 =	sadd.s32 $0x1000, s10;
	s16 =	smov.u32 s10;
	p2 =	sgt.s32 s14, $0xC7  }
0x16: {  	s16 =	smov.u32 @p2 s12  }
0x17: {  	s14 =	simm.s32 @p2 $0x0;
	p2 =	sgt.s32 s16, $0xFFF  }
0x18: {  	s16 =	smov.u32 @p2 s2;
	p2 =	sne.s32 s11, s7  }
.Ltmp1:
0x19: {  	p1 =	slt.u32 s11, $0x2;
	(pc) =	sbr.rel @!p2 .LBB1_6-.Ltmp1, $4  }
0x1a: {  	s15 =	simm.s32 @!p1 $0x2  }
0x1b: {  	s13 =	smov.u32 s10;
	p0 =	por !p0, !p0;
	_ =	swait.ge @!p1 [sflag:s15], $0x2000  }
0x1c: {  	s12 =	smov.u32 s9;
	[sflag:s15] =	ssyncset.done @!p1 $0x0;
	s9 =	smov.u32 s14  }
0x1d: {  	s11 =	sadd.s32 $0x1, s11;
	[sflag:s15] =	ssyncadd.s32 @!p1 $0xFFFFE000;
	s10 =	smov.u32 s16  }
.LBB1_1:
0x1e: {  	p1 =	sge.u32 s11, s5  }
0x1f: {  	s14 =	sand.u32 @!p1 $0x1FFFFFF, s9  }
0x20: {  	s15 =	smulhi.u32 @!p1 $0x147AE15, s14;
	_ =	sdelay $0x1  }
0x21: {  	s15 =	smul.u32 @!p1 $0xC8, s15  }
0x22: {  	s16 =	sxor.u32 @!p1 $0xFFFFFFFF, s11;
	s17 =	smul.u32 @!p1 $0xC80, s10  }
0x23: {  	s31 =	sadd.s32 $0xFFFFFFFF, s11;
	s16 =	sshll.u32 @!p1 s16, $0xD;
	s14 =	ssub.s32 @!p1 s14, s15  }
0x24: {  	s15 =	sand.u32 @!p1 $0x2000, s16;
	s16 =	sadd.s32 @!p1 s6, s17;
	s14 =	sshll.u32 @!p1 s14, $0x4  }
0x25: {  	s17 =	simm.s32 @!p1 $0x6400;
	s14 =	sadd.s32 @!p1 s14, s16;
	s16 =	simm.s32 @!p1 $0x40  }
0x26: {  	[tilespmem:s15], [sflag:$0x1] =	stream.strided.gather @!p1 [hbm4b:s14+s16], $0x2000, s17, s16, $0x38;
	[tilespmem:$0x8080] =	vst v63  }
0x27: {  	p1 =	sge.u32 s31, s5  }
.Ltmp2:
0x28: {  	_ = 	snop;
	(pc) =	sbr.rel @p1 .LBB1_5-.Ltmp2, $1  }
0x29: {  	_ =	sdelay $0x3  }
0x2a: {  	s14 =	simm.s32 $0x1  }
0x2b: {  	_ =	swait.ge [sflag:s4], $0x2000;
	s14 =	simm.s32 @!p0 $0x0  }
0x2c: {  	[sflag:s4] =	ssyncset.done $0x0;
	s15 =	sshll.u32 s14, $0xD  }
0x2d: {  	[sflag:s4] =	ssyncadd.s32 $0xFFFFE000;
	s18 =	sor.u32 $0x20, s15  }
0x2e: {  	s14 =	smul.u32 $0x8100, s14;
	v3 =	vld [tilespmem:s18+$0x10]  }
0x2f: {  	s30 =	sand.u32 $0x1, s11;
	v2 =	vld [tilespmem:s18+$0xFFFFFFF0]  }
0x30: {  	s15 =	smul.u32 $0x8100, s30;
	s14 =	sshrl.u32 s14, $0x2;
	v0 =	vld [tilespmem:s18+$0x0]  }
0x31: {  	v1 =	vld [tilespmem:s18+$0xFFFFFFE0];
	s16 =	sor.u32 $0x4000, s14  }
0x32: {  	s31 =	sshrl.u32 s15, $0x2;
	s15 =	sadd.s32 $0x0, s16  }
0x33: {  	s17 =	simm.s32 $0x4;
	s18 =	sadd.s32 $0x40, s18;
	s14 =	sor.u32 $0x4000, s31;
	[tilespmem:s15+$0x1830 ss:$0x81] =	vst.msk $0xffff, v3  }
.LBB1_3:
0x34: {  	v3 =	vld [tilespmem:s18+$0x10];
	p1 =	sne.s32 s17, $0x1FC;
	[tilespmem:s15+$0x810 ss:$0x81] =	vst.msk $0xffff, v2;
	s19 =	smov.u32 s17;
	s17 =	sadd.s32 $0x4, s17  }
.Ltmp3:
0x35: {  	v2 =	vld [tilespmem:s18+$0xFFFFFFF0];
	[tilespmem:s15+$0x1020 ss:$0x81] =	vst.msk $0xffff, v0;
	(pc) =	sbr.rel @p1 .LBB1_3-.Ltmp3, $4  }
0x36: {  	v0 =	vld [tilespmem:s18+$0x0];
	[tilespmem:s15+$0x0 ss:$0x81] =	vst.msk $0xffff, v1  }
0x37: {  	s15 =	sshra.s32 s19, $0x2;
	v1 =	vld [tilespmem:s18+$0xFFFFFFE0]  }
0x38: {  	s15 =	sadd.s32 s15, s16  }
0x39: {  	s18 =	sadd.s32 $0x40, s18;
	[tilespmem:s15+$0x1830 ss:$0x81] =	vst.msk $0xffff, v3  }
.Ltmp4:
0x3a: {  	_ = 	snop;
	(pc) =	sbr.rel .LBB1_4-.Ltmp4, $1  }
0x3b: {  	_ =	sdelay $0x3  }
.LBB1_6:
0x3c: {  	_ =	sfence.sel $0x180000  }
0x3d: {  	s2 =	simm.s32 $0x1;
	[bflag:$0x0] =	sbarrier.arrive $0xFFFF  }
0x3e: {  	s31 =	simm.s32 $0x2;
	[sflag:s2] =	ssyncpa.u1 $0x1  }
0x3f: {  	[sflag:s31] =	ssyncpa.u1 $0x1  }
0x40: {  	p0 =	sne.s32 s0, $0x0;
	_ =	strace $0x9000004A  }
0x41: {  	s0 =	sadd.s32 @!p0 $0x100000, s1;
	[bflag:$0x2] =	sbarrier.arrive $0xFFFF  }
0x42: {  	[sflag:s0] =	ssyncadd.tile.s32 @!p0 $0x1;
	_ =	shalt  }
.Lfunc_end1:
_tile_overlayer_lowered:
.L_overlay_start_2:
0x43: {  	(tag) =	ssettag $0x2  }
0x44: {  	s0 =	rddreg [dreg:$0x0];
	s2 =	stileid.u32  }
0x45: {  	s1 =	rddreg [dreg:$0x1];
	p0 =	sne.s32 s2, $0x0  }
0x46: {  	s3 =	rddreg [dreg:$0x2];
	[bflag:$0x3] =	sbarrier.arrive $0xFFFF;
	s2 =	simm.s32 @!p0 $0x1C01  }
0x47: {  	[timem:s3], [sflag:s2] =	dma.local @!p0 [hbm:s0], s1  }
0x48: {  	s0 =	simm.s32 @!p0 $0x1  }
0x49: {  	_ =	swait.ge @!p0 [sflag:s0], s1  }
0x4a: {  	s1 =	ssub.s32 @!p0 $0x0, s1;
	[sflag:s0] =	ssyncset.done @!p0 $0x0  }
0x4b: {  	[sflag:s0] =	ssyncadd.s32 @!p0 s1  }
0x4c: {  	[bflag:$0x3] =	sbarrier.arrive $0xFFFF  }
0x4d: {  	_ =	shalt  }

</sc_bundles>
